<compile_context>
chip_gen: v7x
topology: tpu7x:2x2x1
jax: 0.10.2.dev20260603
libtpu: 0.0.44.dev20260713+nightly
codegen_flags: <defaults>
</compile_context>

<pallas_src>
import functools

import jax
import jax.numpy as jnp
from jax import lax
from jax.experimental import pallas as pl
from jax.experimental.pallas import tpu as pltpu
from jax.experimental.pallas import tpu_sc as plsc

T, N, D, H = 8, 10000, 128, 16
NPAD = 10240
NW = 32
ROWS_PER_TILE = NPAD // 16
F = T * H

KA = 8
DEGW = 128
KB = 2
NB = 2048

_MESH = dict(core_axis_name="c", subcore_axis_name="s",
             num_cores=2, num_subcores=16)


def _deg_body(n_chunks, dst_hbm, ones_hbm, zeros_hbm, out_hbm,
              idx_v, ones_v, deg_sh, sem_a, sem_b):
    c = lax.axis_index("c")
    s = lax.axis_index("s")
    wid = c * 16 + s
    r0 = s * ROWS_PER_TILE
    pltpu.sync_copy(zeros_hbm.at[pl.ds(0, 128)], ones_v)
    for z in range(ROWS_PER_TILE // 128):
        pltpu.sync_copy(ones_v, deg_sh.at[pl.ds(r0 + z * 128, 128)])
    pltpu.sync_copy(ones_hbm, ones_v)
    plsc.subcore_barrier()
    row_base = wid * (n_chunks * KA)

    def chunk(it, carry):
        pltpu.sync_copy(dst_hbm.at[pl.ds(row_base + it * KA, KA)], idx_v)
        descs = [
            pltpu.async_copy(ones_v, deg_sh.at[idx_v.at[j]],
                             (sem_a, sem_b)[j % 2], add=True)
            for j in range(KA)
        ]
        for d in descs:
            d.wait()
        return carry

    lax.fori_loop(0, n_chunks, chunk, 0)
    plsc.subcore_barrier()
    for z in range(ROWS_PER_TILE // 128):
        pltpu.sync_copy(deg_sh.at[pl.ds(r0 + z * 128, 128)], ones_v)
        pltpu.sync_copy(ones_v, out_hbm.at[c, pl.ds(r0 + z * 128, 128)])


def _agg_body(n_batches, hs_hbm, src_hbm, dst_hbm, zeros_hbm, out_hbm,
              sidx_a, sidx_b, didx_a, didx_b, buf_a, buf_b, acc_sh,
              sem_a, sem_b, sem_i):
    c = lax.axis_index("c")
    s = lax.axis_index("s")
    wid = c * 16 + s
    r0 = s * ROWS_PER_TILE
    pltpu.sync_copy(zeros_hbm.at[pl.ds(0, 128)], buf_a)
    for z in range(ROWS_PER_TILE // 128):
        pltpu.sync_copy(buf_a, acc_sh.at[pl.ds(r0 + z * 128, 128)])
    plsc.subcore_barrier()

    bufs = (buf_a, buf_b)
    sems = (sem_a, sem_b)
    sidxs = (sidx_a, sidx_b)
    didxs = (didx_a, didx_b)
    row_base = wid * (n_batches * 8)
    last_row = row_base + (n_batches - 1) * 8

    def idx_issue(b_clamped, par):
        row0 = lax.min(row_base + b_clamped * 8, last_row)
        pltpu.async_copy(src_hbm.at[pl.ds(row0, 8)], sidxs[par], sem_i)
        pltpu.async_copy(dst_hbm.at[pl.ds(row0, 8)], didxs[par], sem_i)

    def idx_drain(par):
        pltpu.make_async_copy(src_hbm.at[pl.ds(row_base, 8)], sidxs[par],
                              sem_i).wait()
        pltpu.make_async_copy(dst_hbm.at[pl.ds(row_base, 8)], didxs[par],
                              sem_i).wait()

    def gather(sidx_v, j):
        return pltpu.async_copy(hs_hbm.at[sidx_v.at[j]], bufs[j % 2],
                                sems[j % 2])

    def drain(sidx_v, j):
        pltpu.make_async_copy(hs_hbm.at[sidx_v.at[j]], bufs[j % 2],
                              sems[j % 2]).wait()

    def scatter(didx_v, j):
        pltpu.sync_copy(bufs[j % 2], acc_sh.at[didx_v.at[j]], add=True)

    def run_groups(sidx_v, didx_v):
        gather(sidx_v, 0)
        for j in range(1, 8):
            gather(sidx_v, j)
            drain(sidx_v, j - 1)
            scatter(didx_v, j - 1)
        drain(sidx_v, 7)
        scatter(didx_v, 7)

    idx_issue(0, 0)

    def superbatch(sb2, carry):
        idx_drain(0)
        idx_issue(2 * sb2 + 1, 1)
        run_groups(sidx_a, didx_a)
        idx_drain(1)
        idx_issue(2 * sb2 + 2, 0)
        run_groups(sidx_b, didx_b)
        return carry

    lax.fori_loop(0, n_batches // 2, superbatch, 0)
    idx_drain(0)
    plsc.subcore_barrier()
    for z in range(ROWS_PER_TILE // 128):
        pltpu.sync_copy(acc_sh.at[pl.ds(r0 + z * 128, 128)], buf_a)
        pltpu.sync_copy(buf_a, out_hbm.at[c, pl.ds(r0 + z * 128, 128)])


def _h_body(x_ref, w_ref, h_ref):
    parts = [jnp.dot(x_ref[t], w_ref[...], preferred_element_type=jnp.float32)
             for t in range(T)]
    h_ref[...] = jnp.concatenate(parts, axis=1)


def _scale_body(h_ref, degs_ref, hs_ref, dis_ref):
    i = pl.program_id(0)
    deg = degs_ref[0, :, 0:1] + degs_ref[1, :, 0:1] + 1.0
    dis = lax.rsqrt(deg)
    rows = i * NB + lax.broadcasted_iota(jnp.int32, (NB, 1), 0)
    valid = rows < N
    hs_ref[...] = jnp.where(valid, h_ref[...] * dis, 0.0)
    dis_ref[...] = jnp.where(valid, jnp.broadcast_to(dis, (NB, H)), 0.0)


def _lstm_body(acc_ref, hs_ref, dis_ref, bias_ref, wih_ref, whh_ref,
               b_ref, fcw_ref, fcb_ref, out_ref):
    dis = dis_ref[...][:, 0:1]
    agg = dis * (acc_ref[0] + acc_ref[1] + hs_ref[...])
    g = jnp.maximum(agg + bias_ref[...], 0.0)
    h = jnp.zeros((NB, H), jnp.float32)
    cst = jnp.zeros((NB, H), jnp.float32)
    b = b_ref[...]
    for t in range(T):
        xt = g[:, t * H:(t + 1) * H]
        gates = (jnp.dot(xt, wih_ref[...], preferred_element_type=jnp.float32)
                 + jnp.dot(h, whh_ref[...], preferred_element_type=jnp.float32)
                 + b)
        ii = jax.nn.sigmoid(gates[:, 0:H])
        ff = jax.nn.sigmoid(gates[:, H:2 * H])
        gg = jnp.tanh(gates[:, 2 * H:3 * H])
        oo = jax.nn.sigmoid(gates[:, 3 * H:4 * H])
        cst = ff * cst + ii * gg
        h = oo * jnp.tanh(cst)
    out_ref[...] = (jnp.dot(h, fcw_ref[...], preferred_element_type=jnp.float32)
                    + fcb_ref[...])


def kernel(x_list, edge_index, gcn_weight, gcn_bias, W_ih, W_hh, b_ih, b_hh,
           fc_w, fc_b):
    e = edge_index.shape[1]
    ept = KA * KB * 128
    e_pad = ((e + NW * ept - 1) // (NW * ept)) * (NW * ept)
    n_chunks_a = e_pad // (NW * KA * 128)
    n_batches = e_pad // (NW * 8 * 128)

    pad = N + (jnp.arange(e_pad - e, dtype=jnp.int32) % (NPAD - N))
    src2d = jnp.concatenate([edge_index[0], pad]).reshape(-1, 128)
    dst2d = jnp.concatenate([edge_index[1], pad]).reshape(-1, 128)

    ones_deg = jnp.ones((128, DEGW), jnp.float32)
    zeros_deg = jnp.zeros((NPAD, DEGW), jnp.float32)
    zerosF = jnp.zeros((NPAD, F), jnp.float32)

    deg_k = pl.kernel(
        functools.partial(_deg_body, n_chunks_a),
        out_type=jax.ShapeDtypeStruct((2, NPAD, DEGW), jnp.float32),
        mesh=plsc.VectorSubcoreMesh(**_MESH),
        scratch_types=[
            pltpu.VMEM((KA, 128), jnp.int32),
            pltpu.VMEM((128, DEGW), jnp.float32),
            pltpu.VMEM_SHARED((NPAD, DEGW), jnp.float32),
            pltpu.SemaphoreType.DMA,
            pltpu.SemaphoreType.DMA,
        ],
    )
    degs = deg_k(dst2d, ones_deg, zeros_deg)

    grid = NPAD // NB
    h_all = pl.pallas_call(
        _h_body,
        grid=(grid,),
        in_specs=[
            pl.BlockSpec((T, NB, D), lambda i: (0, i, 0)),
            pl.BlockSpec((D, H), lambda i: (0, 0)),
        ],
        out_specs=pl.BlockSpec((NB, F), lambda i: (i, 0)),
        out_shape=jax.ShapeDtypeStruct((NPAD, F), jnp.float32),
    )(x_list, gcn_weight)
    hs, dis16 = pl.pallas_call(
        _scale_body,
        grid=(grid,),
        in_specs=[
            pl.BlockSpec((NB, F), lambda i: (i, 0)),
            pl.BlockSpec((2, NB, DEGW), lambda i: (0, i, 0)),
        ],
        out_specs=[
            pl.BlockSpec((NB, F), lambda i: (i, 0)),
            pl.BlockSpec((NB, H), lambda i: (i, 0)),
        ],
        out_shape=[
            jax.ShapeDtypeStruct((NPAD, F), jnp.float32),
            jax.ShapeDtypeStruct((NPAD, H), jnp.float32),
        ],
    )(h_all, degs)

    agg_k = pl.kernel(
        functools.partial(_agg_body, n_batches),
        out_type=jax.ShapeDtypeStruct((2, NPAD, F), jnp.float32),
        mesh=plsc.VectorSubcoreMesh(**_MESH),
        scratch_types=[
            pltpu.VMEM((8, 128), jnp.int32),
            pltpu.VMEM((8, 128), jnp.int32),
            pltpu.VMEM((8, 128), jnp.int32),
            pltpu.VMEM((8, 128), jnp.int32),
            pltpu.VMEM((128, F), jnp.float32),
            pltpu.VMEM((128, F), jnp.float32),
            pltpu.VMEM_SHARED((NPAD, F), jnp.float32),
            pltpu.SemaphoreType.DMA,
            pltpu.SemaphoreType.DMA,
            pltpu.SemaphoreType.DMA,
        ],
    )
    acc = agg_k(hs, src2d, dst2d, zerosF)

    bias128 = jnp.tile(gcn_bias, T).reshape(1, F)
    b_all = (b_ih + b_hh).reshape(1, 4 * H)
    out = pl.pallas_call(
        _lstm_body,
        grid=(grid,),
        in_specs=[
            pl.BlockSpec((2, NB, F), lambda i: (0, i, 0)),
            pl.BlockSpec((NB, F), lambda i: (i, 0)),
            pl.BlockSpec((NB, H), lambda i: (i, 0)),
            pl.BlockSpec((1, F), lambda i: (0, 0)),
            pl.BlockSpec((H, 4 * H), lambda i: (0, 0)),
            pl.BlockSpec((H, 4 * H), lambda i: (0, 0)),
            pl.BlockSpec((1, 4 * H), lambda i: (0, 0)),
            pl.BlockSpec((H, 1), lambda i: (0, 0)),
            pl.BlockSpec((1, 1), lambda i: (0, 0)),
        ],
        out_specs=pl.BlockSpec((NB, 1), lambda i: (i, 0)),
        out_shape=jax.ShapeDtypeStruct((NPAD, 1), jnp.float32),
    )(acc, hs, dis16, bias128, W_ih.T, W_hh.T, b_all, fc_w.T,
      fc_b.reshape(1, 1))

    return out[:N, 0]

# --- scband reference (transcript-rebuilt; emitter-appended) ---
"""Pipeline reference for scband-temporal-gnnmodel-515396076301 (READ-ONLY COPY).

The authoritative reference and input builder live on the scoring server;
editing this copy changes nothing except your own understanding.
"""

import jax, jax.numpy as jnp
import numpy as np

T, N, D, H, E = 8, 10000, 128, 16, 320000


def setup_inputs(seed: int = 0) -> dict:
    key = jax.random.key(seed)
    ks = jax.random.split(key, 12)
    x_list = jax.random.normal(ks[0], (T, N, D), dtype=jnp.float32)
    edge_index = jax.random.randint(ks[1], (2, E), 0, N, dtype=jnp.int32)
    gcn_weight = jax.random.normal(ks[2], (D, H), dtype=jnp.float32) * 0.05
    gcn_bias = jax.random.normal(ks[3], (H,), dtype=jnp.float32) * 0.05
    W_ih = jax.random.normal(ks[4], (4 * H, H), dtype=jnp.float32) * 0.05
    W_hh = jax.random.normal(ks[5], (4 * H, H), dtype=jnp.float32) * 0.05
    b_ih = jax.random.normal(ks[6], (4 * H,), dtype=jnp.float32) * 0.05
    b_hh = jax.random.normal(ks[7], (4 * H,), dtype=jnp.float32) * 0.05
    fc_w = jax.random.normal(ks[8], (1, H), dtype=jnp.float32) * 0.05
    fc_b = jax.random.normal(ks[9], (1,), dtype=jnp.float32) * 0.05
    return {"x_list": x_list, "edge_index": edge_index, "gcn_weight": gcn_weight,
            "gcn_bias": gcn_bias, "W_ih": W_ih, "W_hh": W_hh, "b_ih": b_ih,
            "b_hh": b_hh, "fc_w": fc_w, "fc_b": fc_b}


def _gcn_conv(x, src, dst, norm, weight, bias):
    # GCNConv (torch_geometric semantics): x @ W, symmetric-normalized
    # scatter-add aggregation with self-loops, then bias.
    h = x @ weight
    msg = h[src] * norm[:, None]
    out = jnp.zeros((x.shape[0], weight.shape[1]), dtype=x.dtype).at[dst].add(msg)
    return out + bias


def reference(x_list, edge_index, gcn_weight, gcn_bias, W_ih, W_hh, b_ih, b_hh, fc_w, fc_b):
    n = x_list.shape[1]
    loops = jnp.arange(n, dtype=edge_index.dtype)
    src = jnp.concatenate([edge_index[0], loops])
    dst = jnp.concatenate([edge_index[1], loops])
    deg = jnp.zeros((n,), dtype=jnp.float32).at[dst].add(1.0)
    dis = jnp.where(deg > 0, deg ** -0.5, 0.0)
    norm = dis[src] * dis[dst]

    gcn_outputs = []
    for t in range(x_list.shape[0]):
        h = _gcn_conv(x_list[t], src, dst, norm, gcn_weight, gcn_bias)
        gcn_outputs.append(jax.nn.relu(h))
    gcn_sequence = jnp.stack(gcn_outputs, axis=0)        # [T, N, H]
    gcn_sequence = jnp.transpose(gcn_sequence, (1, 0, 2))  # [N, T, H]

    hdim = W_hh.shape[1]

    def step(carry, x_t):
        hh, cc = carry
        gates = x_t @ W_ih.T + b_ih + hh @ W_hh.T + b_hh
        i, f, g, o = jnp.split(gates, 4, axis=-1)
        i = jax.nn.sigmoid(i)
        f = jax.nn.sigmoid(f)
        g = jnp.tanh(g)
        o = jax.nn.sigmoid(o)
        cc = f * cc + i * g
        hh = o * jnp.tanh(cc)
        return (hh, cc), hh

    h0 = jnp.zeros((n, hdim), dtype=jnp.float32)
    (h_last, _), _ = jax.lax.scan(step, (h0, h0), jnp.swapaxes(gcn_sequence, 0, 1))
    out = h_last @ fc_w.T + fc_b   # [N, 1]
    return jnp.squeeze(out)

if __name__ == "__main__":
    import jax
    _d = setup_inputs()
    print(jax.jit(kernel)(*tuple(_d.values())))

</pallas_src>

<mosaic_0001>
#map = affine_map<(d0, d1) -> (0, 0)>
#map1 = affine_map<(d0, d1) -> (0, 0, 0)>
module attributes {stable_mosaic.version = 14 : i64} {
  func.func @_deg_body(%arg0: i32, %arg1: i32, %arg2: memref<2560x128xi32, #tpu.memory_space<hbm>>, %arg3: memref<128x128xf32, #tpu.memory_space<hbm>>, %arg4: memref<10240x128xf32, #tpu.memory_space<hbm>>, %arg5: memref<2x10240x128xf32, #tpu.memory_space<hbm>>, %arg6: memref<8x128xi32, #tpu.memory_space<vmem>>, %arg7: memref<128x128xf32, #tpu.memory_space<vmem>>, %arg8: memref<10240x128xf32, #tpu.memory_space<vmem_shared>>, %arg9: memref<!tpu.dma_semaphore, #tpu.memory_space<semaphore_mem>>, %arg10: memref<!tpu.dma_semaphore, #tpu.memory_space<semaphore_mem>>) attributes {dimension_semantics = [#tpu.dimension_semantics<core_parallel>, #tpu.dimension_semantics<subcore_parallel>], iteration_bounds = array<i64: 2, 16>, scalar_prefetch = 0 : i64, scratch_operands = 5 : i64, tpu.core_type = #tpu.core_type<sc_vector_subcore>, window_params = [{transform_indices = #map}, {transform_indices = #map}, {transform_indices = #map}, {transform_indices = #map1}]} {
    %mul3A = arith.constant 16 : i32
    %mul3A_0 = arith.muli %arg0, %mul3A : i32
    %add3A = arith.addi %mul3A_0, %arg1 : i32
    %mul3A_1 = arith.constant 640 : i32
    %mul3A_2 = arith.muli %arg1, %mul3A_1 : i32
    "tpu.region"() ({
      %run_scoped3A = tpu.sem_alloc : memref<!tpu.dma_semaphore, #tpu.memory_space<semaphore_mem>>
      %dma_start3A = arith.constant 0 : i32
      %dma_start3A_41 = arith.constant 0 : i32
      %dma_start3A_42 = tpu.memref_slice %arg4[%dma_start3A, %dma_start3A_41] : memref<10240x128xf32, #tpu.memory_space<hbm>> -> memref<128x128xf32, #tpu.memory_space<hbm>>
      %dma_start3A_43 = arith.constant 0 : i32
      %dma_start3A_44 = arith.constant 0 : i32
      %dma_start3A_45 = tpu.memref_slice %arg4[%dma_start3A_43, %dma_start3A_44] : memref<10240x128xf32, #tpu.memory_space<hbm>> -> memref<128x128xf32, #tpu.memory_space<hbm>>
      tpu.enqueue_dma source(%dma_start3A_45 : memref<128x128xf32, #tpu.memory_space<hbm>>) target(%arg7 : memref<128x128xf32, #tpu.memory_space<vmem>>) target_semaphore(%run_scoped3A : memref<!tpu.dma_semaphore, #tpu.memory_space<semaphore_mem>>)
      %dma_wait3A = arith.constant 0 : i32
      %dma_wait3A_46 = arith.constant 0 : i32
      %dma_wait3A_47 = tpu.memref_slice %arg4[%dma_wait3A, %dma_wait3A_46] : memref<10240x128xf32, #tpu.memory_space<hbm>> -> memref<128x128xf32, #tpu.memory_space<hbm>>
      %dma_wait3A_48 = arith.constant 0 : i32
      %dma_wait3A_49 = arith.constant 0 : i32
      %dma_wait3A_50 = tpu.memref_slice %arg4[%dma_wait3A_48, %dma_wait3A_49] : memref<10240x128xf32, #tpu.memory_space<hbm>> -> memref<128x128xf32, #tpu.memory_space<hbm>>
      tpu.wait_dma2 semaphore(%run_scoped3A : memref<!tpu.dma_semaphore, #tpu.memory_space<semaphore_mem>>) src(%dma_wait3A_50 : memref<128x128xf32, #tpu.memory_space<hbm>>) dst(%arg7 : memref<128x128xf32, #tpu.memory_space<vmem>>)
      tpu.yield
    }) : () -> ()
    %add3A_3 = arith.constant 0 : i32
    %add3A_4 = arith.addi %mul3A_2, %add3A_3 : i32
    "tpu.region"() ({
      %run_scoped3A = tpu.sem_alloc : memref<!tpu.dma_semaphore, #tpu.memory_space<semaphore_mem>>
      %dma_start3A = arith.constant 0 : i32
      %dma_start3A_41 = tpu.memref_slice %arg8[%add3A_4, %dma_start3A] : memref<10240x128xf32, #tpu.memory_space<vmem_shared>> -> memref<128x128xf32, #tpu.memory_space<vmem_shared>>
      %dma_start3A_42 = arith.constant 0 : i32
      %dma_start3A_43 = tpu.memref_slice %arg8[%add3A_4, %dma_start3A_42] : memref<10240x128xf32, #tpu.memory_space<vmem_shared>> -> memref<128x128xf32, #tpu.memory_space<vmem_shared>>
      tpu.enqueue_dma source(%arg7 : memref<128x128xf32, #tpu.memory_space<vmem>>) target(%dma_start3A_43 : memref<128x128xf32, #tpu.memory_space<vmem_shared>>) target_semaphore(%run_scoped3A : memref<!tpu.dma_semaphore, #tpu.memory_space<semaphore_mem>>)
      %dma_wait3A = arith.constant 0 : i32
      %dma_wait3A_44 = tpu.memref_slice %arg8[%add3A_4, %dma_wait3A] : memref<10240x128xf32, #tpu.memory_space<vmem_shared>> -> memref<128x128xf32, #tpu.memory_space<vmem_shared>>
      %dma_wait3A_45 = arith.constant 0 : i32
      %dma_wait3A_46 = tpu.memref_slice %arg8[%add3A_4, %dma_wait3A_45] : memref<10240x128xf32, #tpu.memory_space<vmem_shared>> -> memref<128x128xf32, #tpu.memory_space<vmem_shared>>
      tpu.wait_dma2 semaphore(%run_scoped3A : memref<!tpu.dma_semaphore, #tpu.memory_space<semaphore_mem>>) src(%arg7 : memref<128x128xf32, #tpu.memory_space<vmem>>) dst(%dma_wait3A_46 : memref<128x128xf32, #tpu.memory_space<vmem_shared>>)
      tpu.yield
    }) : () -> ()
    %add3A_5 = arith.constant 128 : i32
    %add3A_6 = arith.addi %mul3A_2, %add3A_5 : i32
    "tpu.region"() ({
      %run_scoped3A = tpu.sem_alloc : memref<!tpu.dma_semaphore, #tpu.memory_space<semaphore_mem>>
      %dma_start3A = arith.constant 0 : i32
      %dma_start3A_41 = tpu.memref_slice %arg8[%add3A_6, %dma_start3A] : memref<10240x128xf32, #tpu.memory_space<vmem_shared>> -> memref<128x128xf32, #tpu.memory_space<vmem_shared>>
      %dma_start3A_42 = arith.constant 0 : i32
      %dma_start3A_43 = tpu.memref_slice %arg8[%add3A_6, %dma_start3A_42] : memref<10240x128xf32, #tpu.memory_space<vmem_shared>> -> memref<128x128xf32, #tpu.memory_space<vmem_shared>>
      tpu.enqueue_dma source(%arg7 : memref<128x128xf32, #tpu.memory_space<vmem>>) target(%dma_start3A_43 : memref<128x128xf32, #tpu.memory_space<vmem_shared>>) target_semaphore(%run_scoped3A : memref<!tpu.dma_semaphore, #tpu.memory_space<semaphore_mem>>)
      %dma_wait3A = arith.constant 0 : i32
      %dma_wait3A_44 = tpu.memref_slice %arg8[%add3A_6, %dma_wait3A] : memref<10240x128xf32, #tpu.memory_space<vmem_shared>> -> memref<128x128xf32, #tpu.memory_space<vmem_shared>>
      %dma_wait3A_45 = arith.constant 0 : i32
      %dma_wait3A_46 = tpu.memref_slice %arg8[%add3A_6, %dma_wait3A_45] : memref<10240x128xf32, #tpu.memory_space<vmem_shared>> -> memref<128x128xf32, #tpu.memory_space<vmem_shared>>
      tpu.wait_dma2 semaphore(%run_scoped3A : memref<!tpu.dma_semaphore, #tpu.memory_space<semaphore_mem>>) src(%arg7 : memref<128x128xf32, #tpu.memory_space<vmem>>) dst(%dma_wait3A_46 : memref<128x128xf32, #tpu.memory_space<vmem_shared>>)
      tpu.yield
    }) : () -> ()
    %add3A_7 = arith.constant 256 : i32
    %add3A_8 = arith.addi %mul3A_2, %add3A_7 : i32
    "tpu.region"() ({
      %run_scoped3A = tpu.sem_alloc : memref<!tpu.dma_semaphore, #tpu.memory_space<semaphore_mem>>
      %dma_start3A = arith.constant 0 : i32
      %dma_start3A_41 = tpu.memref_slice %arg8[%add3A_8, %dma_start3A] : memref<10240x128xf32, #tpu.memory_space<vmem_shared>> -> memref<128x128xf32, #tpu.memory_space<vmem_shared>>
      %dma_start3A_42 = arith.constant 0 : i32
      %dma_start3A_43 = tpu.memref_slice %arg8[%add3A_8, %dma_start3A_42] : memref<10240x128xf32, #tpu.memory_space<vmem_shared>> -> memref<128x128xf32, #tpu.memory_space<vmem_shared>>
      tpu.enqueue_dma source(%arg7 : memref<128x128xf32, #tpu.memory_space<vmem>>) target(%dma_start3A_43 : memref<128x128xf32, #tpu.memory_space<vmem_shared>>) target_semaphore(%run_scoped3A : memref<!tpu.dma_semaphore, #tpu.memory_space<semaphore_mem>>)
      %dma_wait3A = arith.constant 0 : i32
      %dma_wait3A_44 = tpu.memref_slice %arg8[%add3A_8, %dma_wait3A] : memref<10240x128xf32, #tpu.memory_space<vmem_shared>> -> memref<128x128xf32, #tpu.memory_space<vmem_shared>>
      %dma_wait3A_45 = arith.constant 0 : i32
      %dma_wait3A_46 = tpu.memref_slice %arg8[%add3A_8, %dma_wait3A_45] : memref<10240x128xf32, #tpu.memory_space<vmem_shared>> -> memref<128x128xf32, #tpu.memory_space<vmem_shared>>
      tpu.wait_dma2 semaphore(%run_scoped3A : memref<!tpu.dma_semaphore, #tpu.memory_space<semaphore_mem>>) src(%arg7 : memref<128x128xf32, #tpu.memory_space<vmem>>) dst(%dma_wait3A_46 : memref<128x128xf32, #tpu.memory_space<vmem_shared>>)
      tpu.yield
    }) : () -> ()
    %add3A_9 = arith.constant 384 : i32
    %add3A_10 = arith.addi %mul3A_2, %add3A_9 : i32
    "tpu.region"() ({
      %run_scoped3A = tpu.sem_alloc : memref<!tpu.dma_semaphore, #tpu.memory_space<semaphore_mem>>
      %dma_start3A = arith.constant 0 : i32
      %dma_start3A_41 = tpu.memref_slice %arg8[%add3A_10, %dma_start3A] : memref<10240x128xf32, #tpu.memory_space<vmem_shared>> -> memref<128x128xf32, #tpu.memory_space<vmem_shared>>
      %dma_start3A_42 = arith.constant 0 : i32
      %dma_start3A_43 = tpu.memref_slice %arg8[%add3A_10, %dma_start3A_42] : memref<10240x128xf32, #tpu.memory_space<vmem_shared>> -> memref<128x128xf32, #tpu.memory_space<vmem_shared>>
      tpu.enqueue_dma source(%arg7 : memref<128x128xf32, #tpu.memory_space<vmem>>) target(%dma_start3A_43 : memref<128x128xf32, #tpu.memory_space<vmem_shared>>) target_semaphore(%run_scoped3A : memref<!tpu.dma_semaphore, #tpu.memory_space<semaphore_mem>>)
      %dma_wait3A = arith.constant 0 : i32
      %dma_wait3A_44 = tpu.memref_slice %arg8[%add3A_10, %dma_wait3A] : memref<10240x128xf32, #tpu.memory_space<vmem_shared>> -> memref<128x128xf32, #tpu.memory_space<vmem_shared>>
      %dma_wait3A_45 = arith.constant 0 : i32
      %dma_wait3A_46 = tpu.memref_slice %arg8[%add3A_10, %dma_wait3A_45] : memref<10240x128xf32, #tpu.memory_space<vmem_shared>> -> memref<128x128xf32, #tpu.memory_space<vmem_shared>>
      tpu.wait_dma2 semaphore(%run_scoped3A : memref<!tpu.dma_semaphore, #tpu.memory_space<semaphore_mem>>) src(%arg7 : memref<128x128xf32, #tpu.memory_space<vmem>>) dst(%dma_wait3A_46 : memref<128x128xf32, #tpu.memory_space<vmem_shared>>)
      tpu.yield
    }) : () -> ()
    %add3A_11 = arith.constant 512 : i32
    %add3A_12 = arith.addi %mul3A_2, %add3A_11 : i32
    "tpu.region"() ({
      %run_scoped3A = tpu.sem_alloc : memref<!tpu.dma_semaphore, #tpu.memory_space<semaphore_mem>>
      %dma_start3A = arith.constant 0 : i32
      %dma_start3A_41 = tpu.memref_slice %arg8[%add3A_12, %dma_start3A] : memref<10240x128xf32, #tpu.memory_space<vmem_shared>> -> memref<128x128xf32, #tpu.memory_space<vmem_shared>>
      %dma_start3A_42 = arith.constant 0 : i32
      %dma_start3A_43 = tpu.memref_slice %arg8[%add3A_12, %dma_start3A_42] : memref<10240x128xf32, #tpu.memory_space<vmem_shared>> -> memref<128x128xf32, #tpu.memory_space<vmem_shared>>
      tpu.enqueue_dma source(%arg7 : memref<128x128xf32, #tpu.memory_space<vmem>>) target(%dma_start3A_43 : memref<128x128xf32, #tpu.memory_space<vmem_shared>>) target_semaphore(%run_scoped3A : memref<!tpu.dma_semaphore, #tpu.memory_space<semaphore_mem>>)
      %dma_wait3A = arith.constant 0 : i32
      %dma_wait3A_44 = tpu.memref_slice %arg8[%add3A_12, %dma_wait3A] : memref<10240x128xf32, #tpu.memory_space<vmem_shared>> -> memref<128x128xf32, #tpu.memory_space<vmem_shared>>
      %dma_wait3A_45 = arith.constant 0 : i32
      %dma_wait3A_46 = tpu.memref_slice %arg8[%add3A_12, %dma_wait3A_45] : memref<10240x128xf32, #tpu.memory_space<vmem_shared>> -> memref<128x128xf32, #tpu.memory_space<vmem_shared>>
      tpu.wait_dma2 semaphore(%run_scoped3A : memref<!tpu.dma_semaphore, #tpu.memory_space<semaphore_mem>>) src(%arg7 : memref<128x128xf32, #tpu.memory_space<vmem>>) dst(%dma_wait3A_46 : memref<128x128xf32, #tpu.memory_space<vmem_shared>>)
      tpu.yield
    }) : () -> ()
    "tpu.region"() ({
      %run_scoped3A = tpu.sem_alloc : memref<!tpu.dma_semaphore, #tpu.memory_space<semaphore_mem>>
      tpu.enqueue_dma source(%arg3 : memref<128x128xf32, #tpu.memory_space<hbm>>) target(%arg7 : memref<128x128xf32, #tpu.memory_space<vmem>>) target_semaphore(%run_scoped3A : memref<!tpu.dma_semaphore, #tpu.memory_space<semaphore_mem>>)
      tpu.wait_dma2 semaphore(%run_scoped3A : memref<!tpu.dma_semaphore, #tpu.memory_space<semaphore_mem>>) src(%arg3 : memref<128x128xf32, #tpu.memory_space<hbm>>) dst(%arg7 : memref<128x128xf32, #tpu.memory_space<vmem>>)
      tpu.yield
    }) : () -> ()
    %barrier3A = arith.constant 0 : index
    tpu.barrier barrier_id(%barrier3A)
    %mul3A_13 = arith.constant 80 : i32
    %mul3A_14 = arith.muli %add3A, %mul3A_13 : i32
    %scan3A = arith.constant 0 : i32
    %scan3A_15 = arith.constant 0 : i32
    %scan3A_16 = arith.constant 10 : i32
    %scan3A_17 = arith.addi %scan3A_15, %scan3A_16 : i32
    %scan3A_18 = arith.constant 1 : i32
    scf.for %scan3A_41 = %scan3A_15 to %scan3A_17 step %scan3A_18  : i32 {
      %mul3A_42 = arith.constant 8 : i32
      %mul3A_43 = arith.muli %scan3A_41, %mul3A_42 : i32
      %add3A_44 = arith.addi %mul3A_14, %mul3A_43 : i32
      "tpu.region"() ({
        %run_scoped3A = tpu.sem_alloc : memref<!tpu.dma_semaphore, #tpu.memory_space<semaphore_mem>>
        %dma_start3A_155 = arith.constant 0 : i32
        %dma_start3A_156 = tpu.memref_slice %arg2[%add3A_44, %dma_start3A_155] : memref<2560x128xi32, #tpu.memory_space<hbm>> -> memref<8x128xi32, #tpu.memory_space<hbm>>
        %dma_start3A_157 = arith.constant 0 : i32
        %dma_start3A_158 = tpu.memref_slice %arg2[%add3A_44, %dma_start3A_157] : memref<2560x128xi32, #tpu.memory_space<hbm>> -> memref<8x128xi32, #tpu.memory_space<hbm>>
        tpu.enqueue_dma source(%dma_start3A_158 : memref<8x128xi32, #tpu.memory_space<hbm>>) target(%arg6 : memref<8x128xi32, #tpu.memory_space<vmem>>) target_semaphore(%run_scoped3A : memref<!tpu.dma_semaphore, #tpu.memory_space<semaphore_mem>>)
        %dma_wait3A_159 = arith.constant 0 : i32
        %dma_wait3A_160 = tpu.memref_slice %arg2[%add3A_44, %dma_wait3A_159] : memref<2560x128xi32, #tpu.memory_space<hbm>> -> memref<8x128xi32, #tpu.memory_space<hbm>>
        %dma_wait3A_161 = arith.constant 0 : i32
        %dma_wait3A_162 = tpu.memref_slice %arg2[%add3A_44, %dma_wait3A_161] : memref<2560x128xi32, #tpu.memory_space<hbm>> -> memref<8x128xi32, #tpu.memory_space<hbm>>
        tpu.wait_dma2 semaphore(%run_scoped3A : memref<!tpu.dma_semaphore, #tpu.memory_space<semaphore_mem>>) src(%dma_wait3A_162 : memref<8x128xi32, #tpu.memory_space<hbm>>) dst(%arg6 : memref<8x128xi32, #tpu.memory_space<vmem>>)
        tpu.yield
      }) : () -> ()
      %dma_start3A = arith.constant 0 : i32
      %dma_start3A_45 = arith.constant 0 : i32
      %dma_start3A_46 = tpu.memref_slice %arg6[%dma_start3A, %dma_start3A_45] : memref<8x128xi32, #tpu.memory_space<vmem>> -> memref<1x128xi32, #tpu.memory_space<vmem>>
      %dma_start3A_47 = tpu.memref_squeeze %dma_start3A_46 : memref<1x128xi32, #tpu.memory_space<vmem>> -> memref<128xi32, #tpu.memory_space<vmem>>
      %dma_start3A_48 = arith.constant 0 : i32
      %dma_start3A_49 = arith.constant 0 : i32
      %dma_start3A_50 = tpu.memref_slice %arg8[%dma_start3A_48, %dma_start3A_49] : memref<10240x128xf32, #tpu.memory_space<vmem_shared>> -> memref<10240x128xf32, #tpu.memory_space<vmem_shared>>
      tpu.enqueue_indirect_dma source(%arg7 : memref<128x128xf32, #tpu.memory_space<vmem>>) target(%dma_start3A_50 : memref<10240x128xf32, #tpu.memory_space<vmem_shared>>) offsets(%dma_start3A_47 : memref<128xi32, #tpu.memory_space<vmem>>) semaphore(%arg9 : memref<!tpu.dma_semaphore, #tpu.memory_space<semaphore_mem>>) {add = true}
      %dma_start3A_51 = arith.constant 1 : i32
      %dma_start3A_52 = arith.constant 0 : i32
      %dma_start3A_53 = tpu.memref_slice %arg6[%dma_start3A_51, %dma_start3A_52] : memref<8x128xi32, #tpu.memory_space<vmem>> -> memref<1x128xi32, #tpu.memory_space<vmem>>
      %dma_start3A_54 = tpu.memref_squeeze %dma_start3A_53 : memref<1x128xi32, #tpu.memory_space<vmem>> -> memref<128xi32, #tpu.memory_space<vmem>>
      %dma_start3A_55 = arith.constant 0 : i32
      %dma_start3A_56 = arith.constant 0 : i32
      %dma_start3A_57 = tpu.memref_slice %arg8[%dma_start3A_55, %dma_start3A_56] : memref<10240x128xf32, #tpu.memory_space<vmem_shared>> -> memref<10240x128xf32, #tpu.memory_space<vmem_shared>>
      tpu.enqueue_indirect_dma source(%arg7 : memref<128x128xf32, #tpu.memory_space<vmem>>) target(%dma_start3A_57 : memref<10240x128xf32, #tpu.memory_space<vmem_shared>>) offsets(%dma_start3A_54 : memref<128xi32, #tpu.memory_space<vmem>>) semaphore(%arg10 : memref<!tpu.dma_semaphore, #tpu.memory_space<semaphore_mem>>) {add = true}
      %dma_start3A_58 = arith.constant 2 : i32
      %dma_start3A_59 = arith.constant 0 : i32
      %dma_start3A_60 = tpu.memref_slice %arg6[%dma_start3A_58, %dma_start3A_59] : memref<8x128xi32, #tpu.memory_space<vmem>> -> memref<1x128xi32, #tpu.memory_space<vmem>>
      %dma_start3A_61 = tpu.memref_squeeze %dma_start3A_60 : memref<1x128xi32, #tpu.memory_space<vmem>> -> memref<128xi32, #tpu.memory_space<vmem>>
      %dma_start3A_62 = arith.constant 0 : i32
      %dma_start3A_63 = arith.constant 0 : i32
      %dma_start3A_64 = tpu.memref_slice %arg8[%dma_start3A_62, %dma_start3A_63] : memref<10240x128xf32, #tpu.memory_space<vmem_shared>> -> memref<10240x128xf32, #tpu.memory_space<vmem_shared>>
      tpu.enqueue_indirect_dma source(%arg7 : memref<128x128xf32, #tpu.memory_space<vmem>>) target(%dma_start3A_64 : memref<10240x128xf32, #tpu.memory_space<vmem_shared>>) offsets(%dma_start3A_61 : memref<128xi32, #tpu.memory_space<vmem>>) semaphore(%arg9 : memref<!tpu.dma_semaphore, #tpu.memory_space<semaphore_mem>>) {add = true}
      %dma_start3A_65 = arith.constant 3 : i32
      %dma_start3A_66 = arith.constant 0 : i32
      %dma_start3A_67 = tpu.memref_slice %arg6[%dma_start3A_65, %dma_start3A_66] : memref<8x128xi32, #tpu.memory_space<vmem>> -> memref<1x128xi32, #tpu.memory_space<vmem>>
      %dma_start3A_68 = tpu.memref_squeeze %dma_start3A_67 : memref<1x128xi32, #tpu.memory_space<vmem>> -> memref<128xi32, #tpu.memory_space<vmem>>
      %dma_start3A_69 = arith.constant 0 : i32
      %dma_start3A_70 = arith.constant 0 : i32
      %dma_start3A_71 = tpu.memref_slice %arg8[%dma_start3A_69, %dma_start3A_70] : memref<10240x128xf32, #tpu.memory_space<vmem_shared>> -> memref<10240x128xf32, #tpu.memory_space<vmem_shared>>
      tpu.enqueue_indirect_dma source(%arg7 : memref<128x128xf32, #tpu.memory_space<vmem>>) target(%dma_start3A_71 : memref<10240x128xf32, #tpu.memory_space<vmem_shared>>) offsets(%dma_start3A_68 : memref<128xi32, #tpu.memory_space<vmem>>) semaphore(%arg10 : memref<!tpu.dma_semaphore, #tpu.memory_space<semaphore_mem>>) {add = true}
      %dma_start3A_72 = arith.constant 4 : i32
      %dma_start3A_73 = arith.constant 0 : i32
      %dma_start3A_74 = tpu.memref_slice %arg6[%dma_start3A_72, %dma_start3A_73] : memref<8x128xi32, #tpu.memory_space<vmem>> -> memref<1x128xi32, #tpu.memory_space<vmem>>
      %dma_start3A_75 = tpu.memref_squeeze %dma_start3A_74 : memref<1x128xi32, #tpu.memory_space<vmem>> -> memref<128xi32, #tpu.memory_space<vmem>>
      %dma_start3A_76 = arith.constant 0 : i32
      %dma_start3A_77 = arith.constant 0 : i32
      %dma_start3A_78 = tpu.memref_slice %arg8[%dma_start3A_76, %dma_start3A_77] : memref<10240x128xf32, #tpu.memory_space<vmem_shared>> -> memref<10240x128xf32, #tpu.memory_space<vmem_shared>>
      tpu.enqueue_indirect_dma source(%arg7 : memref<128x128xf32, #tpu.memory_space<vmem>>) target(%dma_start3A_78 : memref<10240x128xf32, #tpu.memory_space<vmem_shared>>) offsets(%dma_start3A_75 : memref<128xi32, #tpu.memory_space<vmem>>) semaphore(%arg9 : memref<!tpu.dma_semaphore, #tpu.memory_space<semaphore_mem>>) {add = true}
      %dma_start3A_79 = arith.constant 5 : i32
      %dma_start3A_80 = arith.constant 0 : i32
      %dma_start3A_81 = tpu.memref_slice %arg6[%dma_start3A_79, %dma_start3A_80] : memref<8x128xi32, #tpu.memory_space<vmem>> -> memref<1x128xi32, #tpu.memory_space<vmem>>
      %dma_start3A_82 = tpu.memref_squeeze %dma_start3A_81 : memref<1x128xi32, #tpu.memory_space<vmem>> -> memref<128xi32, #tpu.memory_space<vmem>>
      %dma_start3A_83 = arith.constant 0 : i32
      %dma_start3A_84 = arith.constant 0 : i32
      %dma_start3A_85 = tpu.memref_slice %arg8[%dma_start3A_83, %dma_start3A_84] : memref<10240x128xf32, #tpu.memory_space<vmem_shared>> -> memref<10240x128xf32, #tpu.memory_space<vmem_shared>>
      tpu.enqueue_indirect_dma source(%arg7 : memref<128x128xf32, #tpu.memory_space<vmem>>) target(%dma_start3A_85 : memref<10240x128xf32, #tpu.memory_space<vmem_shared>>) offsets(%dma_start3A_82 : memref<128xi32, #tpu.memory_space<vmem>>) semaphore(%arg10 : memref<!tpu.dma_semaphore, #tpu.memory_space<semaphore_mem>>) {add = true}
      %dma_start3A_86 = arith.constant 6 : i32
      %dma_start3A_87 = arith.constant 0 : i32
      %dma_start3A_88 = tpu.memref_slice %arg6[%dma_start3A_86, %dma_start3A_87] : memref<8x128xi32, #tpu.memory_space<vmem>> -> memref<1x128xi32, #tpu.memory_space<vmem>>
      %dma_start3A_89 = tpu.memref_squeeze %dma_start3A_88 : memref<1x128xi32, #tpu.memory_space<vmem>> -> memref<128xi32, #tpu.memory_space<vmem>>
      %dma_start3A_90 = arith.constant 0 : i32
      %dma_start3A_91 = arith.constant 0 : i32
      %dma_start3A_92 = tpu.memref_slice %arg8[%dma_start3A_90, %dma_start3A_91] : memref<10240x128xf32, #tpu.memory_space<vmem_shared>> -> memref<10240x128xf32, #tpu.memory_space<vmem_shared>>
      tpu.enqueue_indirect_dma source(%arg7 : memref<128x128xf32, #tpu.memory_space<vmem>>) target(%dma_start3A_92 : memref<10240x128xf32, #tpu.memory_space<vmem_shared>>) offsets(%dma_start3A_89 : memref<128xi32, #tpu.memory_space<vmem>>) semaphore(%arg9 : memref<!tpu.dma_semaphore, #tpu.memory_space<semaphore_mem>>) {add = true}
      %dma_start3A_93 = arith.constant 7 : i32
      %dma_start3A_94 = arith.constant 0 : i32
      %dma_start3A_95 = tpu.memref_slice %arg6[%dma_start3A_93, %dma_start3A_94] : memref<8x128xi32, #tpu.memory_space<vmem>> -> memref<1x128xi32, #tpu.memory_space<vmem>>
      %dma_start3A_96 = tpu.memref_squeeze %dma_start3A_95 : memref<1x128xi32, #tpu.memory_space<vmem>> -> memref<128xi32, #tpu.memory_space<vmem>>
      %dma_start3A_97 = arith.constant 0 : i32
      %dma_start3A_98 = arith.constant 0 : i32
      %dma_start3A_99 = tpu.memref_slice %arg8[%dma_start3A_97, %dma_start3A_98] : memref<10240x128xf32, #tpu.memory_space<vmem_shared>> -> memref<10240x128xf32, #tpu.memory_space<vmem_shared>>
      tpu.enqueue_indirect_dma source(%arg7 : memref<128x128xf32, #tpu.memory_space<vmem>>) target(%dma_start3A_99 : memref<10240x128xf32, #tpu.memory_space<vmem_shared>>) offsets(%dma_start3A_96 : memref<128xi32, #tpu.memory_space<vmem>>) semaphore(%arg10 : memref<!tpu.dma_semaphore, #tpu.memory_space<semaphore_mem>>) {add = true}
      %dma_wait3A = arith.constant 0 : i32
      %dma_wait3A_100 = arith.constant 0 : i32
      %dma_wait3A_101 = tpu.memref_slice %arg6[%dma_wait3A, %dma_wait3A_100] : memref<8x128xi32, #tpu.memory_space<vmem>> -> memref<1x128xi32, #tpu.memory_space<vmem>>
      %dma_wait3A_102 = tpu.memref_squeeze %dma_wait3A_101 : memref<1x128xi32, #tpu.memory_space<vmem>> -> memref<128xi32, #tpu.memory_space<vmem>>
      %dma_wait3A_103 = arith.constant 0 : i32
      %dma_wait3A_104 = arith.constant 0 : i32
      %dma_wait3A_105 = tpu.memref_slice %arg8[%dma_wait3A_103, %dma_wait3A_104] : memref<10240x128xf32, #tpu.memory_space<vmem_shared>> -> memref<10240x128xf32, #tpu.memory_space<vmem_shared>>
      tpu.wait_indirect_dma semaphore(%arg9 : memref<!tpu.dma_semaphore, #tpu.memory_space<semaphore_mem>>) src(%arg7 : memref<128x128xf32, #tpu.memory_space<vmem>>) dst(%dma_wait3A_105 : memref<10240x128xf32, #tpu.memory_space<vmem_shared>>)
      %dma_wait3A_106 = arith.constant 1 : i32
      %dma_wait3A_107 = arith.constant 0 : i32
      %dma_wait3A_108 = tpu.memref_slice %arg6[%dma_wait3A_106, %dma_wait3A_107] : memref<8x128xi32, #tpu.memory_space<vmem>> -> memref<1x128xi32, #tpu.memory_space<vmem>>
      %dma_wait3A_109 = tpu.memref_squeeze %dma_wait3A_108 : memref<1x128xi32, #tpu.memory_space<vmem>> -> memref<128xi32, #tpu.memory_space<vmem>>
      %dma_wait3A_110 = arith.constant 0 : i32
      %dma_wait3A_111 = arith.constant 0 : i32
      %dma_wait3A_112 = tpu.memref_slice %arg8[%dma_wait3A_110, %dma_wait3A_111] : memref<10240x128xf32, #tpu.memory_space<vmem_shared>> -> memref<10240x128xf32, #tpu.memory_space<vmem_shared>>
      tpu.wait_indirect_dma semaphore(%arg10 : memref<!tpu.dma_semaphore, #tpu.memory_space<semaphore_mem>>) src(%arg7 : memref<128x128xf32, #tpu.memory_space<vmem>>) dst(%dma_wait3A_112 : memref<10240x128xf32, #tpu.memory_space<vmem_shared>>)
      %dma_wait3A_113 = arith.constant 2 : i32
      %dma_wait3A_114 = arith.constant 0 : i32
      %dma_wait3A_115 = tpu.memref_slice %arg6[%dma_wait3A_113, %dma_wait3A_114] : memref<8x128xi32, #tpu.memory_space<vmem>> -> memref<1x128xi32, #tpu.memory_space<vmem>>
      %dma_wait3A_116 = tpu.memref_squeeze %dma_wait3A_115 : memref<1x128xi32, #tpu.memory_space<vmem>> -> memref<128xi32, #tpu.memory_space<vmem>>
      %dma_wait3A_117 = arith.constant 0 : i32
      %dma_wait3A_118 = arith.constant 0 : i32
      %dma_wait3A_119 = tpu.memref_slice %arg8[%dma_wait3A_117, %dma_wait3A_118] : memref<10240x128xf32, #tpu.memory_space<vmem_shared>> -> memref<10240x128xf32, #tpu.memory_space<vmem_shared>>
      tpu.wait_indirect_dma semaphore(%arg9 : memref<!tpu.dma_semaphore, #tpu.memory_space<semaphore_mem>>) src(%arg7 : memref<128x128xf32, #tpu.memory_space<vmem>>) dst(%dma_wait3A_119 : memref<10240x128xf32, #tpu.memory_space<vmem_shared>>)
      %dma_wait3A_120 = arith.constant 3 : i32
      %dma_wait3A_121 = arith.constant 0 : i32
      %dma_wait3A_122 = tpu.memref_slice %arg6[%dma_wait3A_120, %dma_wait3A_121] : memref<8x128xi32, #tpu.memory_space<vmem>> -> memref<1x128xi32, #tpu.memory_space<vmem>>
      %dma_wait3A_123 = tpu.memref_squeeze %dma_wait3A_122 : memref<1x128xi32, #tpu.memory_space<vmem>> -> memref<128xi32, #tpu.memory_space<vmem>>
      %dma_wait3A_124 = arith.constant 0 : i32
      %dma_wait3A_125 = arith.constant 0 : i32
      %dma_wait3A_126 = tpu.memref_slice %arg8[%dma_wait3A_124, %dma_wait3A_125] : memref<10240x128xf32, #tpu.memory_space<vmem_shared>> -> memref<10240x128xf32, #tpu.memory_space<vmem_shared>>
      tpu.wait_indirect_dma semaphore(%arg10 : memref<!tpu.dma_semaphore, #tpu.memory_space<semaphore_mem>>) src(%arg7 : memref<128x128xf32, #tpu.memory_space<vmem>>) dst(%dma_wait3A_126 : memref<10240x128xf32, #tpu.memory_space<vmem_shared>>)
      %dma_wait3A_127 = arith.constant 4 : i32
      %dma_wait3A_128 = arith.constant 0 : i32
      %dma_wait3A_129 = tpu.memref_slice %arg6[%dma_wait3A_127, %dma_wait3A_128] : memref<8x128xi32, #tpu.memory_space<vmem>> -> memref<1x128xi32, #tpu.memory_space<vmem>>
      %dma_wait3A_130 = tpu.memref_squeeze %dma_wait3A_129 : memref<1x128xi32, #tpu.memory_space<vmem>> -> memref<128xi32, #tpu.memory_space<vmem>>
      %dma_wait3A_131 = arith.constant 0 : i32
      %dma_wait3A_132 = arith.constant 0 : i32
      %dma_wait3A_133 = tpu.memref_slice %arg8[%dma_wait3A_131, %dma_wait3A_132] : memref<10240x128xf32, #tpu.memory_space<vmem_shared>> -> memref<10240x128xf32, #tpu.memory_space<vmem_shared>>
      tpu.wait_indirect_dma semaphore(%arg9 : memref<!tpu.dma_semaphore, #tpu.memory_space<semaphore_mem>>) src(%arg7 : memref<128x128xf32, #tpu.memory_space<vmem>>) dst(%dma_wait3A_133 : memref<10240x128xf32, #tpu.memory_space<vmem_shared>>)
      %dma_wait3A_134 = arith.constant 5 : i32
      %dma_wait3A_135 = arith.constant 0 : i32
      %dma_wait3A_136 = tpu.memref_slice %arg6[%dma_wait3A_134, %dma_wait3A_135] : memref<8x128xi32, #tpu.memory_space<vmem>> -> memref<1x128xi32, #tpu.memory_space<vmem>>
      %dma_wait3A_137 = tpu.memref_squeeze %dma_wait3A_136 : memref<1x128xi32, #tpu.memory_space<vmem>> -> memref<128xi32, #tpu.memory_space<vmem>>
      %dma_wait3A_138 = arith.constant 0 : i32
      %dma_wait3A_139 = arith.constant 0 : i32
      %dma_wait3A_140 = tpu.memref_slice %arg8[%dma_wait3A_138, %dma_wait3A_139] : memref<10240x128xf32, #tpu.memory_space<vmem_shared>> -> memref<10240x128xf32, #tpu.memory_space<vmem_shared>>
      tpu.wait_indirect_dma semaphore(%arg10 : memref<!tpu.dma_semaphore, #tpu.memory_space<semaphore_mem>>) src(%arg7 : memref<128x128xf32, #tpu.memory_space<vmem>>) dst(%dma_wait3A_140 : memref<10240x128xf32, #tpu.memory_space<vmem_shared>>)
      %dma_wait3A_141 = arith.constant 6 : i32
      %dma_wait3A_142 = arith.constant 0 : i32
      %dma_wait3A_143 = tpu.memref_slice %arg6[%dma_wait3A_141, %dma_wait3A_142] : memref<8x128xi32, #tpu.memory_space<vmem>> -> memref<1x128xi32, #tpu.memory_space<vmem>>
      %dma_wait3A_144 = tpu.memref_squeeze %dma_wait3A_143 : memref<1x128xi32, #tpu.memory_space<vmem>> -> memref<128xi32, #tpu.memory_space<vmem>>
      %dma_wait3A_145 = arith.constant 0 : i32
      %dma_wait3A_146 = arith.constant 0 : i32
      %dma_wait3A_147 = tpu.memref_slice %arg8[%dma_wait3A_145, %dma_wait3A_146] : memref<10240x128xf32, #tpu.memory_space<vmem_shared>> -> memref<10240x128xf32, #tpu.memory_space<vmem_shared>>
      tpu.wait_indirect_dma semaphore(%arg9 : memref<!tpu.dma_semaphore, #tpu.memory_space<semaphore_mem>>) src(%arg7 : memref<128x128xf32, #tpu.memory_space<vmem>>) dst(%dma_wait3A_147 : memref<10240x128xf32, #tpu.memory_space<vmem_shared>>)
      %dma_wait3A_148 = arith.constant 7 : i32
      %dma_wait3A_149 = arith.constant 0 : i32
      %dma_wait3A_150 = tpu.memref_slice %arg6[%dma_wait3A_148, %dma_wait3A_149] : memref<8x128xi32, #tpu.memory_space<vmem>> -> memref<1x128xi32, #tpu.memory_space<vmem>>
      %dma_wait3A_151 = tpu.memref_squeeze %dma_wait3A_150 : memref<1x128xi32, #tpu.memory_space<vmem>> -> memref<128xi32, #tpu.memory_space<vmem>>
      %dma_wait3A_152 = arith.constant 0 : i32
      %dma_wait3A_153 = arith.constant 0 : i32
      %dma_wait3A_154 = tpu.memref_slice %arg8[%dma_wait3A_152, %dma_wait3A_153] : memref<10240x128xf32, #tpu.memory_space<vmem_shared>> -> memref<10240x128xf32, #tpu.memory_space<vmem_shared>>
      tpu.wait_indirect_dma semaphore(%arg10 : memref<!tpu.dma_semaphore, #tpu.memory_space<semaphore_mem>>) src(%arg7 : memref<128x128xf32, #tpu.memory_space<vmem>>) dst(%dma_wait3A_154 : memref<10240x128xf32, #tpu.memory_space<vmem_shared>>)
    }
    %scan3A_19 = arith.constant 10 : i32
    %barrier3A_20 = arith.constant 0 : index
    tpu.barrier barrier_id(%barrier3A_20)
    %add3A_21 = arith.constant 0 : i32
    %add3A_22 = arith.addi %mul3A_2, %add3A_21 : i32
    "tpu.region"() ({
      %run_scoped3A = tpu.sem_alloc : memref<!tpu.dma_semaphore, #tpu.memory_space<semaphore_mem>>
      %dma_start3A = arith.constant 0 : i32
      %dma_start3A_41 = tpu.memref_slice %arg8[%add3A_22, %dma_start3A] : memref<10240x128xf32, #tpu.memory_space<vmem_shared>> -> memref<128x128xf32, #tpu.memory_space<vmem_shared>>
      %dma_start3A_42 = arith.constant 0 : i32
      %dma_start3A_43 = tpu.memref_slice %arg8[%add3A_22, %dma_start3A_42] : memref<10240x128xf32, #tpu.memory_space<vmem_shared>> -> memref<128x128xf32, #tpu.memory_space<vmem_shared>>
      tpu.enqueue_dma source(%dma_start3A_43 : memref<128x128xf32, #tpu.memory_space<vmem_shared>>) target(%arg7 : memref<128x128xf32, #tpu.memory_space<vmem>>) target_semaphore(%run_scoped3A : memref<!tpu.dma_semaphore, #tpu.memory_space<semaphore_mem>>)
      %dma_wait3A = arith.constant 0 : i32
      %dma_wait3A_44 = tpu.memref_slice %arg8[%add3A_22, %dma_wait3A] : memref<10240x128xf32, #tpu.memory_space<vmem_shared>> -> memref<128x128xf32, #tpu.memory_space<vmem_shared>>
      %dma_wait3A_45 = arith.constant 0 : i32
      %dma_wait3A_46 = tpu.memref_slice %arg8[%add3A_22, %dma_wait3A_45] : memref<10240x128xf32, #tpu.memory_space<vmem_shared>> -> memref<128x128xf32, #tpu.memory_space<vmem_shared>>
      tpu.wait_dma2 semaphore(%run_scoped3A : memref<!tpu.dma_semaphore, #tpu.memory_space<semaphore_mem>>) src(%dma_wait3A_46 : memref<128x128xf32, #tpu.memory_space<vmem_shared>>) dst(%arg7 : memref<128x128xf32, #tpu.memory_space<vmem>>)
      tpu.yield
    }) : () -> ()
    %add3A_23 = arith.constant 0 : i32
    %add3A_24 = arith.addi %mul3A_2, %add3A_23 : i32
    "tpu.region"() ({
      %run_scoped3A = tpu.sem_alloc : memref<!tpu.dma_semaphore, #tpu.memory_space<semaphore_mem>>
      %dma_start3A = arith.constant 0 : i32
      %dma_start3A_41 = tpu.memref_slice %arg5[%arg0, %add3A_24, %dma_start3A] : memref<2x10240x128xf32, #tpu.memory_space<hbm>> -> memref<1x128x128xf32, #tpu.memory_space<hbm>>
      %dma_start3A_42 = tpu.memref_squeeze %dma_start3A_41 : memref<1x128x128xf32, #tpu.memory_space<hbm>> -> memref<128x128xf32, #tpu.memory_space<hbm>>
      %dma_start3A_43 = arith.constant 0 : i32
      %dma_start3A_44 = tpu.memref_slice %arg5[%arg0, %add3A_24, %dma_start3A_43] : memref<2x10240x128xf32, #tpu.memory_space<hbm>> -> memref<1x128x128xf32, #tpu.memory_space<hbm>>
      %dma_start3A_45 = tpu.memref_squeeze %dma_start3A_44 : memref<1x128x128xf32, #tpu.memory_space<hbm>> -> memref<128x128xf32, #tpu.memory_space<hbm>>
      tpu.enqueue_dma source(%arg7 : memref<128x128xf32, #tpu.memory_space<vmem>>) target(%dma_start3A_45 : memref<128x128xf32, #tpu.memory_space<hbm>>) target_semaphore(%run_scoped3A : memref<!tpu.dma_semaphore, #tpu.memory_space<semaphore_mem>>)
      %dma_wait3A = arith.constant 0 : i32
      %dma_wait3A_46 = tpu.memref_slice %arg5[%arg0, %add3A_24, %dma_wait3A] : memref<2x10240x128xf32, #tpu.memory_space<hbm>> -> memref<1x128x128xf32, #tpu.memory_space<hbm>>
      %dma_wait3A_47 = tpu.memref_squeeze %dma_wait3A_46 : memref<1x128x128xf32, #tpu.memory_space<hbm>> -> memref<128x128xf32, #tpu.memory_space<hbm>>
      %dma_wait3A_48 = arith.constant 0 : i32
      %dma_wait3A_49 = tpu.memref_slice %arg5[%arg0, %add3A_24, %dma_wait3A_48] : memref<2x10240x128xf32, #tpu.memory_space<hbm>> -> memref<1x128x128xf32, #tpu.memory_space<hbm>>
      %dma_wait3A_50 = tpu.memref_squeeze %dma_wait3A_49 : memref<1x128x128xf32, #tpu.memory_space<hbm>> -> memref<128x128xf32, #tpu.memory_space<hbm>>
      tpu.wait_dma2 semaphore(%run_scoped3A : memref<!tpu.dma_semaphore, #tpu.memory_space<semaphore_mem>>) src(%arg7 : memref<128x128xf32, #tpu.memory_space<vmem>>) dst(%dma_wait3A_50 : memref<128x128xf32, #tpu.memory_space<hbm>>)
      tpu.yield
    }) : () -> ()
    %add3A_25 = arith.constant 128 : i32
    %add3A_26 = arith.addi %mul3A_2, %add3A_25 : i32
    "tpu.region"() ({
      %run_scoped3A = tpu.sem_alloc : memref<!tpu.dma_semaphore, #tpu.memory_space<semaphore_mem>>
      %dma_start3A = arith.constant 0 : i32
      %dma_start3A_41 = tpu.memref_slice %arg8[%add3A_26, %dma_start3A] : memref<10240x128xf32, #tpu.memory_space<vmem_shared>> -> memref<128x128xf32, #tpu.memory_space<vmem_shared>>
      %dma_start3A_42 = arith.constant 0 : i32
      %dma_start3A_43 = tpu.memref_slice %arg8[%add3A_26, %dma_start3A_42] : memref<10240x128xf32, #tpu.memory_space<vmem_shared>> -> memref<128x128xf32, #tpu.memory_space<vmem_shared>>
      tpu.enqueue_dma source(%dma_start3A_43 : memref<128x128xf32, #tpu.memory_space<vmem_shared>>) target(%arg7 : memref<128x128xf32, #tpu.memory_space<vmem>>) target_semaphore(%run_scoped3A : memref<!tpu.dma_semaphore, #tpu.memory_space<semaphore_mem>>)
      %dma_wait3A = arith.constant 0 : i32
      %dma_wait3A_44 = tpu.memref_slice %arg8[%add3A_26, %dma_wait3A] : memref<10240x128xf32, #tpu.memory_space<vmem_shared>> -> memref<128x128xf32, #tpu.memory_space<vmem_shared>>
      %dma_wait3A_45 = arith.constant 0 : i32
      %dma_wait3A_46 = tpu.memref_slice %arg8[%add3A_26, %dma_wait3A_45] : memref<10240x128xf32, #tpu.memory_space<vmem_shared>> -> memref<128x128xf32, #tpu.memory_space<vmem_shared>>
      tpu.wait_dma2 semaphore(%run_scoped3A : memref<!tpu.dma_semaphore, #tpu.memory_space<semaphore_mem>>) src(%dma_wait3A_46 : memref<128x128xf32, #tpu.memory_space<vmem_shared>>) dst(%arg7 : memref<128x128xf32, #tpu.memory_space<vmem>>)
      tpu.yield
    }) : () -> ()
    %add3A_27 = arith.constant 128 : i32
    %add3A_28 = arith.addi %mul3A_2, %add3A_27 : i32
    "tpu.region"() ({
      %run_scoped3A = tpu.sem_alloc : memref<!tpu.dma_semaphore, #tpu.memory_space<semaphore_mem>>
      %dma_start3A = arith.constant 0 : i32
      %dma_start3A_41 = tpu.memref_slice %arg5[%arg0, %add3A_28, %dma_start3A] : memref<2x10240x128xf32, #tpu.memory_space<hbm>> -> memref<1x128x128xf32, #tpu.memory_space<hbm>>
      %dma_start3A_42 = tpu.memref_squeeze %dma_start3A_41 : memref<1x128x128xf32, #tpu.memory_space<hbm>> -> memref<128x128xf32, #tpu.memory_space<hbm>>
      %dma_start3A_43 = arith.constant 0 : i32
      %dma_start3A_44 = tpu.memref_slice %arg5[%arg0, %add3A_28, %dma_start3A_43] : memref<2x10240x128xf32, #tpu.memory_space<hbm>> -> memref<1x128x128xf32, #tpu.memory_space<hbm>>
      %dma_start3A_45 = tpu.memref_squeeze %dma_start3A_44 : memref<1x128x128xf32, #tpu.memory_space<hbm>> -> memref<128x128xf32, #tpu.memory_space<hbm>>
      tpu.enqueue_dma source(%arg7 : memref<128x128xf32, #tpu.memory_space<vmem>>) target(%dma_start3A_45 : memref<128x128xf32, #tpu.memory_space<hbm>>) target_semaphore(%run_scoped3A : memref<!tpu.dma_semaphore, #tpu.memory_space<semaphore_mem>>)
      %dma_wait3A = arith.constant 0 : i32
      %dma_wait3A_46 = tpu.memref_slice %arg5[%arg0, %add3A_28, %dma_wait3A] : memref<2x10240x128xf32, #tpu.memory_space<hbm>> -> memref<1x128x128xf32, #tpu.memory_space<hbm>>
      %dma_wait3A_47 = tpu.memref_squeeze %dma_wait3A_46 : memref<1x128x128xf32, #tpu.memory_space<hbm>> -> memref<128x128xf32, #tpu.memory_space<hbm>>
      %dma_wait3A_48 = arith.constant 0 : i32
      %dma_wait3A_49 = tpu.memref_slice %arg5[%arg0, %add3A_28, %dma_wait3A_48] : memref<2x10240x128xf32, #tpu.memory_space<hbm>> -> memref<1x128x128xf32, #tpu.memory_space<hbm>>
      %dma_wait3A_50 = tpu.memref_squeeze %dma_wait3A_49 : memref<1x128x128xf32, #tpu.memory_space<hbm>> -> memref<128x128xf32, #tpu.memory_space<hbm>>
      tpu.wait_dma2 semaphore(%run_scoped3A : memref<!tpu.dma_semaphore, #tpu.memory_space<semaphore_mem>>) src(%arg7 : memref<128x128xf32, #tpu.memory_space<vmem>>) dst(%dma_wait3A_50 : memref<128x128xf32, #tpu.memory_space<hbm>>)
      tpu.yield
    }) : () -> ()
    %add3A_29 = arith.constant 256 : i32
    %add3A_30 = arith.addi %mul3A_2, %add3A_29 : i32
    "tpu.region"() ({
      %run_scoped3A = tpu.sem_alloc : memref<!tpu.dma_semaphore, #tpu.memory_space<semaphore_mem>>
      %dma_start3A = arith.constant 0 : i32
      %dma_start3A_41 = tpu.memref_slice %arg8[%add3A_30, %dma_start3A] : memref<10240x128xf32, #tpu.memory_space<vmem_shared>> -> memref<128x128xf32, #tpu.memory_space<vmem_shared>>
      %dma_start3A_42 = arith.constant 0 : i32
      %dma_start3A_43 = tpu.memref_slice %arg8[%add3A_30, %dma_start3A_42] : memref<10240x128xf32, #tpu.memory_space<vmem_shared>> -> memref<128x128xf32, #tpu.memory_space<vmem_shared>>
      tpu.enqueue_dma source(%dma_start3A_43 : memref<128x128xf32, #tpu.memory_space<vmem_shared>>) target(%arg7 : memref<128x128xf32, #tpu.memory_space<vmem>>) target_semaphore(%run_scoped3A : memref<!tpu.dma_semaphore, #tpu.memory_space<semaphore_mem>>)
      %dma_wait3A = arith.constant 0 : i32
      %dma_wait3A_44 = tpu.memref_slice %arg8[%add3A_30, %dma_wait3A] : memref<10240x128xf32, #tpu.memory_space<vmem_shared>> -> memref<128x128xf32, #tpu.memory_space<vmem_shared>>
      %dma_wait3A_45 = arith.constant 0 : i32
      %dma_wait3A_46 = tpu.memref_slice %arg8[%add3A_30, %dma_wait3A_45] : memref<10240x128xf32, #tpu.memory_space<vmem_shared>> -> memref<128x128xf32, #tpu.memory_space<vmem_shared>>
      tpu.wait_dma2 semaphore(%run_scoped3A : memref<!tpu.dma_semaphore, #tpu.memory_space<semaphore_mem>>) src(%dma_wait3A_46 : memref<128x128xf32, #tpu.memory_space<vmem_shared>>) dst(%arg7 : memref<128x128xf32, #tpu.memory_space<vmem>>)
      tpu.yield
    }) : () -> ()
    %add3A_31 = arith.constant 256 : i32
    %add3A_32 = arith.addi %mul3A_2, %add3A_31 : i32
    "tpu.region"() ({
      %run_scoped3A = tpu.sem_alloc : memref<!tpu.dma_semaphore, #tpu.memory_space<semaphore_mem>>
      %dma_start3A = arith.constant 0 : i32
      %dma_start3A_41 = tpu.memref_slice %arg5[%arg0, %add3A_32, %dma_start3A] : memref<2x10240x128xf32, #tpu.memory_space<hbm>> -> memref<1x128x128xf32, #tpu.memory_space<hbm>>
      %dma_start3A_42 = tpu.memref_squeeze %dma_start3A_41 : memref<1x128x128xf32, #tpu.memory_space<hbm>> -> memref<128x128xf32, #tpu.memory_space<hbm>>
      %dma_start3A_43 = arith.constant 0 : i32
      %dma_start3A_44 = tpu.memref_slice %arg5[%arg0, %add3A_32, %dma_start3A_43] : memref<2x10240x128xf32, #tpu.memory_space<hbm>> -> memref<1x128x128xf32, #tpu.memory_space<hbm>>
      %dma_start3A_45 = tpu.memref_squeeze %dma_start3A_44 : memref<1x128x128xf32, #tpu.memory_space<hbm>> -> memref<128x128xf32, #tpu.memory_space<hbm>>
      tpu.enqueue_dma source(%arg7 : memref<128x128xf32, #tpu.memory_space<vmem>>) target(%dma_start3A_45 : memref<128x128xf32, #tpu.memory_space<hbm>>) target_semaphore(%run_scoped3A : memref<!tpu.dma_semaphore, #tpu.memory_space<semaphore_mem>>)
      %dma_wait3A = arith.constant 0 : i32
      %dma_wait3A_46 = tpu.memref_slice %arg5[%arg0, %add3A_32, %dma_wait3A] : memref<2x10240x128xf32, #tpu.memory_space<hbm>> -> memref<1x128x128xf32, #tpu.memory_space<hbm>>
      %dma_wait3A_47 = tpu.memref_squeeze %dma_wait3A_46 : memref<1x128x128xf32, #tpu.memory_space<hbm>> -> memref<128x128xf32, #tpu.memory_space<hbm>>
      %dma_wait3A_48 = arith.constant 0 : i32
      %dma_wait3A_49 = tpu.memref_slice %arg5[%arg0, %add3A_32, %dma_wait3A_48] : memref<2x10240x128xf32, #tpu.memory_space<hbm>> -> memref<1x128x128xf32, #tpu.memory_space<hbm>>
      %dma_wait3A_50 = tpu.memref_squeeze %dma_wait3A_49 : memref<1x128x128xf32, #tpu.memory_space<hbm>> -> memref<128x128xf32, #tpu.memory_space<hbm>>
      tpu.wait_dma2 semaphore(%run_scoped3A : memref<!tpu.dma_semaphore, #tpu.memory_space<semaphore_mem>>) src(%arg7 : memref<128x128xf32, #tpu.memory_space<vmem>>) dst(%dma_wait3A_50 : memref<128x128xf32, #tpu.memory_space<hbm>>)
      tpu.yield
    }) : () -> ()
    %add3A_33 = arith.constant 384 : i32
    %add3A_34 = arith.addi %mul3A_2, %add3A_33 : i32
    "tpu.region"() ({
      %run_scoped3A = tpu.sem_alloc : memref<!tpu.dma_semaphore, #tpu.memory_space<semaphore_mem>>
      %dma_start3A = arith.constant 0 : i32
      %dma_start3A_41 = tpu.memref_slice %arg8[%add3A_34, %dma_start3A] : memref<10240x128xf32, #tpu.memory_space<vmem_shared>> -> memref<128x128xf32, #tpu.memory_space<vmem_shared>>
      %dma_start3A_42 = arith.constant 0 : i32
      %dma_start3A_43 = tpu.memref_slice %arg8[%add3A_34, %dma_start3A_42] : memref<10240x128xf32, #tpu.memory_space<vmem_shared>> -> memref<128x128xf32, #tpu.memory_space<vmem_shared>>
      tpu.enqueue_dma source(%dma_start3A_43 : memref<128x128xf32, #tpu.memory_space<vmem_shared>>) target(%arg7 : memref<128x128xf32, #tpu.memory_space<vmem>>) target_semaphore(%run_scoped3A : memref<!tpu.dma_semaphore, #tpu.memory_space<semaphore_mem>>)
      %dma_wait3A = arith.constant 0 : i32
      %dma_wait3A_44 = tpu.memref_slice %arg8[%add3A_34, %dma_wait3A] : memref<10240x128xf32, #tpu.memory_space<vmem_shared>> -> memref<128x128xf32, #tpu.memory_space<vmem_shared>>
      %dma_wait3A_45 = arith.constant 0 : i32
      %dma_wait3A_46 = tpu.memref_slice %arg8[%add3A_34, %dma_wait3A_45] : memref<10240x128xf32, #tpu.memory_space<vmem_shared>> -> memref<128x128xf32, #tpu.memory_space<vmem_shared>>
      tpu.wait_dma2 semaphore(%run_scoped3A : memref<!tpu.dma_semaphore, #tpu.memory_space<semaphore_mem>>) src(%dma_wait3A_46 : memref<128x128xf32, #tpu.memory_space<vmem_shared>>) dst(%arg7 : memref<128x128xf32, #tpu.memory_space<vmem>>)
      tpu.yield
    }) : () -> ()
    %add3A_35 = arith.constant 384 : i32
    %add3A_36 = arith.addi %mul3A_2, %add3A_35 : i32
    "tpu.region"() ({
      %run_scoped3A = tpu.sem_alloc : memref<!tpu.dma_semaphore, #tpu.memory_space<semaphore_mem>>
      %dma_start3A = arith.constant 0 : i32
      %dma_start3A_41 = tpu.memref_slice %arg5[%arg0, %add3A_36, %dma_start3A] : memref<2x10240x128xf32, #tpu.memory_space<hbm>> -> memref<1x128x128xf32, #tpu.memory_space<hbm>>
      %dma_start3A_42 = tpu.memref_squeeze %dma_start3A_41 : memref<1x128x128xf32, #tpu.memory_space<hbm>> -> memref<128x128xf32, #tpu.memory_space<hbm>>
      %dma_start3A_43 = arith.constant 0 : i32
      %dma_start3A_44 = tpu.memref_slice %arg5[%arg0, %add3A_36, %dma_start3A_43] : memref<2x10240x128xf32, #tpu.memory_space<hbm>> -> memref<1x128x128xf32, #tpu.memory_space<hbm>>
      %dma_start3A_45 = tpu.memref_squeeze %dma_start3A_44 : memref<1x128x128xf32, #tpu.memory_space<hbm>> -> memref<128x128xf32, #tpu.memory_space<hbm>>
      tpu.enqueue_dma source(%arg7 : memref<128x128xf32, #tpu.memory_space<vmem>>) target(%dma_start3A_45 : memref<128x128xf32, #tpu.memory_space<hbm>>) target_semaphore(%run_scoped3A : memref<!tpu.dma_semaphore, #tpu.memory_space<semaphore_mem>>)
      %dma_wait3A = arith.constant 0 : i32
      %dma_wait3A_46 = tpu.memref_slice %arg5[%arg0, %add3A_36, %dma_wait3A] : memref<2x10240x128xf32, #tpu.memory_space<hbm>> -> memref<1x128x128xf32, #tpu.memory_space<hbm>>
      %dma_wait3A_47 = tpu.memref_squeeze %dma_wait3A_46 : memref<1x128x128xf32, #tpu.memory_space<hbm>> -> memref<128x128xf32, #tpu.memory_space<hbm>>
      %dma_wait3A_48 = arith.constant 0 : i32
      %dma_wait3A_49 = tpu.memref_slice %arg5[%arg0, %add3A_36, %dma_wait3A_48] : memref<2x10240x128xf32, #tpu.memory_space<hbm>> -> memref<1x128x128xf32, #tpu.memory_space<hbm>>
      %dma_wait3A_50 = tpu.memref_squeeze %dma_wait3A_49 : memref<1x128x128xf32, #tpu.memory_space<hbm>> -> memref<128x128xf32, #tpu.memory_space<hbm>>
      tpu.wait_dma2 semaphore(%run_scoped3A : memref<!tpu.dma_semaphore, #tpu.memory_space<semaphore_mem>>) src(%arg7 : memref<128x128xf32, #tpu.memory_space<vmem>>) dst(%dma_wait3A_50 : memref<128x128xf32, #tpu.memory_space<hbm>>)
      tpu.yield
    }) : () -> ()
    %add3A_37 = arith.constant 512 : i32
    %add3A_38 = arith.addi %mul3A_2, %add3A_37 : i32
    "tpu.region"() ({
      %run_scoped3A = tpu.sem_alloc : memref<!tpu.dma_semaphore, #tpu.memory_space<semaphore_mem>>
      %dma_start3A = arith.constant 0 : i32
      %dma_start3A_41 = tpu.memref_slice %arg8[%add3A_38, %dma_start3A] : memref<10240x128xf32, #tpu.memory_space<vmem_shared>> -> memref<128x128xf32, #tpu.memory_space<vmem_shared>>
      %dma_start3A_42 = arith.constant 0 : i32
      %dma_start3A_43 = tpu.memref_slice %arg8[%add3A_38, %dma_start3A_42] : memref<10240x128xf32, #tpu.memory_space<vmem_shared>> -> memref<128x128xf32, #tpu.memory_space<vmem_shared>>
      tpu.enqueue_dma source(%dma_start3A_43 : memref<128x128xf32, #tpu.memory_space<vmem_shared>>) target(%arg7 : memref<128x128xf32, #tpu.memory_space<vmem>>) target_semaphore(%run_scoped3A : memref<!tpu.dma_semaphore, #tpu.memory_space<semaphore_mem>>)
      %dma_wait3A = arith.constant 0 : i32
      %dma_wait3A_44 = tpu.memref_slice %arg8[%add3A_38, %dma_wait3A] : memref<10240x128xf32, #tpu.memory_space<vmem_shared>> -> memref<128x128xf32, #tpu.memory_space<vmem_shared>>
      %dma_wait3A_45 = arith.constant 0 : i32
      %dma_wait3A_46 = tpu.memref_slice %arg8[%add3A_38, %dma_wait3A_45] : memref<10240x128xf32, #tpu.memory_space<vmem_shared>> -> memref<128x128xf32, #tpu.memory_space<vmem_shared>>
      tpu.wait_dma2 semaphore(%run_scoped3A : memref<!tpu.dma_semaphore, #tpu.memory_space<semaphore_mem>>) src(%dma_wait3A_46 : memref<128x128xf32, #tpu.memory_space<vmem_shared>>) dst(%arg7 : memref<128x128xf32, #tpu.memory_space<vmem>>)
      tpu.yield
    }) : () -> ()
    %add3A_39 = arith.constant 512 : i32
    %add3A_40 = arith.addi %mul3A_2, %add3A_39 : i32
    "tpu.region"() ({
      %run_scoped3A = tpu.sem_alloc : memref<!tpu.dma_semaphore, #tpu.memory_space<semaphore_mem>>
      %dma_start3A = arith.constant 0 : i32
      %dma_start3A_41 = tpu.memref_slice %arg5[%arg0, %add3A_40, %dma_start3A] : memref<2x10240x128xf32, #tpu.memory_space<hbm>> -> memref<1x128x128xf32, #tpu.memory_space<hbm>>
      %dma_start3A_42 = tpu.memref_squeeze %dma_start3A_41 : memref<1x128x128xf32, #tpu.memory_space<hbm>> -> memref<128x128xf32, #tpu.memory_space<hbm>>
      %dma_start3A_43 = arith.constant 0 : i32
      %dma_start3A_44 = tpu.memref_slice %arg5[%arg0, %add3A_40, %dma_start3A_43] : memref<2x10240x128xf32, #tpu.memory_space<hbm>> -> memref<1x128x128xf32, #tpu.memory_space<hbm>>
      %dma_start3A_45 = tpu.memref_squeeze %dma_start3A_44 : memref<1x128x128xf32, #tpu.memory_space<hbm>> -> memref<128x128xf32, #tpu.memory_space<hbm>>
      tpu.enqueue_dma source(%arg7 : memref<128x128xf32, #tpu.memory_space<vmem>>) target(%dma_start3A_45 : memref<128x128xf32, #tpu.memory_space<hbm>>) target_semaphore(%run_scoped3A : memref<!tpu.dma_semaphore, #tpu.memory_space<semaphore_mem>>)
      %dma_wait3A = arith.constant 0 : i32
      %dma_wait3A_46 = tpu.memref_slice %arg5[%arg0, %add3A_40, %dma_wait3A] : memref<2x10240x128xf32, #tpu.memory_space<hbm>> -> memref<1x128x128xf32, #tpu.memory_space<hbm>>
      %dma_wait3A_47 = tpu.memref_squeeze %dma_wait3A_46 : memref<1x128x128xf32, #tpu.memory_space<hbm>> -> memref<128x128xf32, #tpu.memory_space<hbm>>
      %dma_wait3A_48 = arith.constant 0 : i32
      %dma_wait3A_49 = tpu.memref_slice %arg5[%arg0, %add3A_40, %dma_wait3A_48] : memref<2x10240x128xf32, #tpu.memory_space<hbm>> -> memref<1x128x128xf32, #tpu.memory_space<hbm>>
      %dma_wait3A_50 = tpu.memref_squeeze %dma_wait3A_49 : memref<1x128x128xf32, #tpu.memory_space<hbm>> -> memref<128x128xf32, #tpu.memory_space<hbm>>
      tpu.wait_dma2 semaphore(%run_scoped3A : memref<!tpu.dma_semaphore, #tpu.memory_space<semaphore_mem>>) src(%arg7 : memref<128x128xf32, #tpu.memory_space<vmem>>) dst(%dma_wait3A_50 : memref<128x128xf32, #tpu.memory_space<hbm>>)
      tpu.yield
    }) : () -> ()
    return
  }
}

#map = affine_map<(d0, d1) -> (0, 0)>
#map1 = affine_map<(d0, d1) -> (0, 0, 0)>
module attributes {stable_mosaic.version = 14 : i64} {
  func.func @_agg_body(%arg0: i32, %arg1: i32, %arg2: memref<10240x128xf32, #tpu.memory_space<hbm>>, %arg3: memref<2560x128xi32, #tpu.memory_space<hbm>>, %arg4: memref<2560x128xi32, #tpu.memory_space<hbm>>, %arg5: memref<10240x128xf32, #tpu.memory_space<hbm>>, %arg6: memref<2x10240x128xf32, #tpu.memory_space<hbm>>, %arg7: memref<8x128xi32, #tpu.memory_space<vmem>>, %arg8: memref<8x128xi32, #tpu.memory_space<vmem>>, %arg9: memref<8x128xi32, #tpu.memory_space<vmem>>, %arg10: memref<8x128xi32, #tpu.memory_space<vmem>>, %arg11: memref<128x128xf32, #tpu.memory_space<vmem>>, %arg12: memref<128x128xf32, #tpu.memory_space<vmem>>, %arg13: memref<10240x128xf32, #tpu.memory_space<vmem_shared>>, %arg14: memref<!tpu.dma_semaphore, #tpu.memory_space<semaphore_mem>>, %arg15: memref<!tpu.dma_semaphore, #tpu.memory_space<semaphore_mem>>, %arg16: memref<!tpu.dma_semaphore, #tpu.memory_space<semaphore_mem>>) attributes {dimension_semantics = [#tpu.dimension_semantics<core_parallel>, #tpu.dimension_semantics<subcore_parallel>], iteration_bounds = array<i64: 2, 16>, scalar_prefetch = 0 : i64, scratch_operands = 10 : i64, tpu.core_type = #tpu.core_type<sc_vector_subcore>, window_params = [{transform_indices = #map}, {transform_indices = #map}, {transform_indices = #map}, {transform_indices = #map}, {transform_indices = #map1}]} {
    %mul3A = arith.constant 16 : i32
    %mul3A_0 = arith.muli %arg0, %mul3A : i32
    %add3A = arith.addi %mul3A_0, %arg1 : i32
    %mul3A_1 = arith.constant 640 : i32
    %mul3A_2 = arith.muli %arg1, %mul3A_1 : i32
    "tpu.region"() ({
      %run_scoped3A = tpu.sem_alloc : memref<!tpu.dma_semaphore, #tpu.memory_space<semaphore_mem>>
      %dma_start3A_59 = arith.constant 0 : i32
      %dma_start3A_60 = arith.constant 0 : i32
      %dma_start3A_61 = tpu.memref_slice %arg5[%dma_start3A_59, %dma_start3A_60] : memref<10240x128xf32, #tpu.memory_space<hbm>> -> memref<128x128xf32, #tpu.memory_space<hbm>>
      %dma_start3A_62 = arith.constant 0 : i32
      %dma_start3A_63 = arith.constant 0 : i32
      %dma_start3A_64 = tpu.memref_slice %arg5[%dma_start3A_62, %dma_start3A_63] : memref<10240x128xf32, #tpu.memory_space<hbm>> -> memref<128x128xf32, #tpu.memory_space<hbm>>
      tpu.enqueue_dma source(%dma_start3A_64 : memref<128x128xf32, #tpu.memory_space<hbm>>) target(%arg11 : memref<128x128xf32, #tpu.memory_space<vmem>>) target_semaphore(%run_scoped3A : memref<!tpu.dma_semaphore, #tpu.memory_space<semaphore_mem>>)
      %dma_wait3A_65 = arith.constant 0 : i32
      %dma_wait3A_66 = arith.constant 0 : i32
      %dma_wait3A_67 = tpu.memref_slice %arg5[%dma_wait3A_65, %dma_wait3A_66] : memref<10240x128xf32, #tpu.memory_space<hbm>> -> memref<128x128xf32, #tpu.memory_space<hbm>>
      %dma_wait3A_68 = arith.constant 0 : i32
      %dma_wait3A_69 = arith.constant 0 : i32
      %dma_wait3A_70 = tpu.memref_slice %arg5[%dma_wait3A_68, %dma_wait3A_69] : memref<10240x128xf32, #tpu.memory_space<hbm>> -> memref<128x128xf32, #tpu.memory_space<hbm>>
      tpu.wait_dma2 semaphore(%run_scoped3A : memref<!tpu.dma_semaphore, #tpu.memory_space<semaphore_mem>>) src(%dma_wait3A_70 : memref<128x128xf32, #tpu.memory_space<hbm>>) dst(%arg11 : memref<128x128xf32, #tpu.memory_space<vmem>>)
      tpu.yield
    }) : () -> ()
    %add3A_3 = arith.constant 0 : i32
    %add3A_4 = arith.addi %mul3A_2, %add3A_3 : i32
    "tpu.region"() ({
      %run_scoped3A = tpu.sem_alloc : memref<!tpu.dma_semaphore, #tpu.memory_space<semaphore_mem>>
      %dma_start3A_59 = arith.constant 0 : i32
      %dma_start3A_60 = tpu.memref_slice %arg13[%add3A_4, %dma_start3A_59] : memref<10240x128xf32, #tpu.memory_space<vmem_shared>> -> memref<128x128xf32, #tpu.memory_space<vmem_shared>>
      %dma_start3A_61 = arith.constant 0 : i32
      %dma_start3A_62 = tpu.memref_slice %arg13[%add3A_4, %dma_start3A_61] : memref<10240x128xf32, #tpu.memory_space<vmem_shared>> -> memref<128x128xf32, #tpu.memory_space<vmem_shared>>
      tpu.enqueue_dma source(%arg11 : memref<128x128xf32, #tpu.memory_space<vmem>>) target(%dma_start3A_62 : memref<128x128xf32, #tpu.memory_space<vmem_shared>>) target_semaphore(%run_scoped3A : memref<!tpu.dma_semaphore, #tpu.memory_space<semaphore_mem>>)
      %dma_wait3A_63 = arith.constant 0 : i32
      %dma_wait3A_64 = tpu.memref_slice %arg13[%add3A_4, %dma_wait3A_63] : memref<10240x128xf32, #tpu.memory_space<vmem_shared>> -> memref<128x128xf32, #tpu.memory_space<vmem_shared>>
      %dma_wait3A_65 = arith.constant 0 : i32
      %dma_wait3A_66 = tpu.memref_slice %arg13[%add3A_4, %dma_wait3A_65] : memref<10240x128xf32, #tpu.memory_space<vmem_shared>> -> memref<128x128xf32, #tpu.memory_space<vmem_shared>>
      tpu.wait_dma2 semaphore(%run_scoped3A : memref<!tpu.dma_semaphore, #tpu.memory_space<semaphore_mem>>) src(%arg11 : memref<128x128xf32, #tpu.memory_space<vmem>>) dst(%dma_wait3A_66 : memref<128x128xf32, #tpu.memory_space<vmem_shared>>)
      tpu.yield
    }) : () -> ()
    %add3A_5 = arith.constant 128 : i32
    %add3A_6 = arith.addi %mul3A_2, %add3A_5 : i32
    "tpu.region"() ({
      %run_scoped3A = tpu.sem_alloc : memref<!tpu.dma_semaphore, #tpu.memory_space<semaphore_mem>>
      %dma_start3A_59 = arith.constant 0 : i32
      %dma_start3A_60 = tpu.memref_slice %arg13[%add3A_6, %dma_start3A_59] : memref<10240x128xf32, #tpu.memory_space<vmem_shared>> -> memref<128x128xf32, #tpu.memory_space<vmem_shared>>
      %dma_start3A_61 = arith.constant 0 : i32
      %dma_start3A_62 = tpu.memref_slice %arg13[%add3A_6, %dma_start3A_61] : memref<10240x128xf32, #tpu.memory_space<vmem_shared>> -> memref<128x128xf32, #tpu.memory_space<vmem_shared>>
      tpu.enqueue_dma source(%arg11 : memref<128x128xf32, #tpu.memory_space<vmem>>) target(%dma_start3A_62 : memref<128x128xf32, #tpu.memory_space<vmem_shared>>) target_semaphore(%run_scoped3A : memref<!tpu.dma_semaphore, #tpu.memory_space<semaphore_mem>>)
      %dma_wait3A_63 = arith.constant 0 : i32
      %dma_wait3A_64 = tpu.memref_slice %arg13[%add3A_6, %dma_wait3A_63] : memref<10240x128xf32, #tpu.memory_space<vmem_shared>> -> memref<128x128xf32, #tpu.memory_space<vmem_shared>>
      %dma_wait3A_65 = arith.constant 0 : i32
      %dma_wait3A_66 = tpu.memref_slice %arg13[%add3A_6, %dma_wait3A_65] : memref<10240x128xf32, #tpu.memory_space<vmem_shared>> -> memref<128x128xf32, #tpu.memory_space<vmem_shared>>
      tpu.wait_dma2 semaphore(%run_scoped3A : memref<!tpu.dma_semaphore, #tpu.memory_space<semaphore_mem>>) src(%arg11 : memref<128x128xf32, #tpu.memory_space<vmem>>) dst(%dma_wait3A_66 : memref<128x128xf32, #tpu.memory_space<vmem_shared>>)
      tpu.yield
    }) : () -> ()
    %add3A_7 = arith.constant 256 : i32
    %add3A_8 = arith.addi %mul3A_2, %add3A_7 : i32
    "tpu.region"() ({
      %run_scoped3A = tpu.sem_alloc : memref<!tpu.dma_semaphore, #tpu.memory_space<semaphore_mem>>
      %dma_start3A_59 = arith.constant 0 : i32
      %dma_start3A_60 = tpu.memref_slice %arg13[%add3A_8, %dma_start3A_59] : memref<10240x128xf32, #tpu.memory_space<vmem_shared>> -> memref<128x128xf32, #tpu.memory_space<vmem_shared>>
      %dma_start3A_61 = arith.constant 0 : i32
      %dma_start3A_62 = tpu.memref_slice %arg13[%add3A_8, %dma_start3A_61] : memref<10240x128xf32, #tpu.memory_space<vmem_shared>> -> memref<128x128xf32, #tpu.memory_space<vmem_shared>>
      tpu.enqueue_dma source(%arg11 : memref<128x128xf32, #tpu.memory_space<vmem>>) target(%dma_start3A_62 : memref<128x128xf32, #tpu.memory_space<vmem_shared>>) target_semaphore(%run_scoped3A : memref<!tpu.dma_semaphore, #tpu.memory_space<semaphore_mem>>)
      %dma_wait3A_63 = arith.constant 0 : i32
      %dma_wait3A_64 = tpu.memref_slice %arg13[%add3A_8, %dma_wait3A_63] : memref<10240x128xf32, #tpu.memory_space<vmem_shared>> -> memref<128x128xf32, #tpu.memory_space<vmem_shared>>
      %dma_wait3A_65 = arith.constant 0 : i32
      %dma_wait3A_66 = tpu.memref_slice %arg13[%add3A_8, %dma_wait3A_65] : memref<10240x128xf32, #tpu.memory_space<vmem_shared>> -> memref<128x128xf32, #tpu.memory_space<vmem_shared>>
      tpu.wait_dma2 semaphore(%run_scoped3A : memref<!tpu.dma_semaphore, #tpu.memory_space<semaphore_mem>>) src(%arg11 : memref<128x128xf32, #tpu.memory_space<vmem>>) dst(%dma_wait3A_66 : memref<128x128xf32, #tpu.memory_space<vmem_shared>>)
      tpu.yield
    }) : () -> ()
    %add3A_9 = arith.constant 384 : i32
    %add3A_10 = arith.addi %mul3A_2, %add3A_9 : i32
    "tpu.region"() ({
      %run_scoped3A = tpu.sem_alloc : memref<!tpu.dma_semaphore, #tpu.memory_space<semaphore_mem>>
      %dma_start3A_59 = arith.constant 0 : i32
      %dma_start3A_60 = tpu.memref_slice %arg13[%add3A_10, %dma_start3A_59] : memref<10240x128xf32, #tpu.memory_space<vmem_shared>> -> memref<128x128xf32, #tpu.memory_space<vmem_shared>>
      %dma_start3A_61 = arith.constant 0 : i32
      %dma_start3A_62 = tpu.memref_slice %arg13[%add3A_10, %dma_start3A_61] : memref<10240x128xf32, #tpu.memory_space<vmem_shared>> -> memref<128x128xf32, #tpu.memory_space<vmem_shared>>
      tpu.enqueue_dma source(%arg11 : memref<128x128xf32, #tpu.memory_space<vmem>>) target(%dma_start3A_62 : memref<128x128xf32, #tpu.memory_space<vmem_shared>>) target_semaphore(%run_scoped3A : memref<!tpu.dma_semaphore, #tpu.memory_space<semaphore_mem>>)
      %dma_wait3A_63 = arith.constant 0 : i32
      %dma_wait3A_64 = tpu.memref_slice %arg13[%add3A_10, %dma_wait3A_63] : memref<10240x128xf32, #tpu.memory_space<vmem_shared>> -> memref<128x128xf32, #tpu.memory_space<vmem_shared>>
      %dma_wait3A_65 = arith.constant 0 : i32
      %dma_wait3A_66 = tpu.memref_slice %arg13[%add3A_10, %dma_wait3A_65] : memref<10240x128xf32, #tpu.memory_space<vmem_shared>> -> memref<128x128xf32, #tpu.memory_space<vmem_shared>>
      tpu.wait_dma2 semaphore(%run_scoped3A : memref<!tpu.dma_semaphore, #tpu.memory_space<semaphore_mem>>) src(%arg11 : memref<128x128xf32, #tpu.memory_space<vmem>>) dst(%dma_wait3A_66 : memref<128x128xf32, #tpu.memory_space<vmem_shared>>)
      tpu.yield
    }) : () -> ()
    %add3A_11 = arith.constant 512 : i32
    %add3A_12 = arith.addi %mul3A_2, %add3A_11 : i32
    "tpu.region"() ({
      %run_scoped3A = tpu.sem_alloc : memref<!tpu.dma_semaphore, #tpu.memory_space<semaphore_mem>>
      %dma_start3A_59 = arith.constant 0 : i32
      %dma_start3A_60 = tpu.memref_slice %arg13[%add3A_12, %dma_start3A_59] : memref<10240x128xf32, #tpu.memory_space<vmem_shared>> -> memref<128x128xf32, #tpu.memory_space<vmem_shared>>
      %dma_start3A_61 = arith.constant 0 : i32
      %dma_start3A_62 = tpu.memref_slice %arg13[%add3A_12, %dma_start3A_61] : memref<10240x128xf32, #tpu.memory_space<vmem_shared>> -> memref<128x128xf32, #tpu.memory_space<vmem_shared>>
      tpu.enqueue_dma source(%arg11 : memref<128x128xf32, #tpu.memory_space<vmem>>) target(%dma_start3A_62 : memref<128x128xf32, #tpu.memory_space<vmem_shared>>) target_semaphore(%run_scoped3A : memref<!tpu.dma_semaphore, #tpu.memory_space<semaphore_mem>>)
      %dma_wait3A_63 = arith.constant 0 : i32
      %dma_wait3A_64 = tpu.memref_slice %arg13[%add3A_12, %dma_wait3A_63] : memref<10240x128xf32, #tpu.memory_space<vmem_shared>> -> memref<128x128xf32, #tpu.memory_space<vmem_shared>>
      %dma_wait3A_65 = arith.constant 0 : i32
      %dma_wait3A_66 = tpu.memref_slice %arg13[%add3A_12, %dma_wait3A_65] : memref<10240x128xf32, #tpu.memory_space<vmem_shared>> -> memref<128x128xf32, #tpu.memory_space<vmem_shared>>
      tpu.wait_dma2 semaphore(%run_scoped3A : memref<!tpu.dma_semaphore, #tpu.memory_space<semaphore_mem>>) src(%arg11 : memref<128x128xf32, #tpu.memory_space<vmem>>) dst(%dma_wait3A_66 : memref<128x128xf32, #tpu.memory_space<vmem_shared>>)
      tpu.yield
    }) : () -> ()
    %barrier3A = arith.constant 0 : index
    tpu.barrier barrier_id(%barrier3A)
    %mul3A_13 = arith.constant 80 : i32
    %mul3A_14 = arith.muli %add3A, %mul3A_13 : i32
    %add3A_15 = arith.constant 72 : i32
    %add3A_16 = arith.addi %mul3A_14, %add3A_15 : i32
    %add3A_17 = arith.constant 0 : i32
    %add3A_18 = arith.addi %mul3A_14, %add3A_17 : i32
    %min3A = arith.minsi %add3A_18, %add3A_16 : i32
    %dma_start3A = arith.constant 0 : i32
    %dma_start3A_19 = tpu.memref_slice %arg3[%min3A, %dma_start3A] : memref<2560x128xi32, #tpu.memory_space<hbm>> -> memref<8x128xi32, #tpu.memory_space<hbm>>
    %dma_start3A_20 = arith.constant 0 : i32
    %dma_start3A_21 = tpu.memref_slice %arg3[%min3A, %dma_start3A_20] : memref<2560x128xi32, #tpu.memory_space<hbm>> -> memref<8x128xi32, #tpu.memory_space<hbm>>
    tpu.enqueue_dma source(%dma_start3A_21 : memref<8x128xi32, #tpu.memory_space<hbm>>) target(%arg7 : memref<8x128xi32, #tpu.memory_space<vmem>>) target_semaphore(%arg16 : memref<!tpu.dma_semaphore, #tpu.memory_space<semaphore_mem>>)
    %dma_start3A_22 = arith.constant 0 : i32
    %dma_start3A_23 = tpu.memref_slice %arg4[%min3A, %dma_start3A_22] : memref<2560x128xi32, #tpu.memory_space<hbm>> -> memref<8x128xi32, #tpu.memory_space<hbm>>
    %dma_start3A_24 = arith.constant 0 : i32
    %dma_start3A_25 = tpu.memref_slice %arg4[%min3A, %dma_start3A_24] : memref<2560x128xi32, #tpu.memory_space<hbm>> -> memref<8x128xi32, #tpu.memory_space<hbm>>
    tpu.enqueue_dma source(%dma_start3A_25 : memref<8x128xi32, #tpu.memory_space<hbm>>) target(%arg9 : memref<8x128xi32, #tpu.memory_space<vmem>>) target_semaphore(%arg16 : memref<!tpu.dma_semaphore, #tpu.memory_space<semaphore_mem>>)
    %scan3A = arith.constant 0 : i32
    %scan3A_26 = arith.constant 0 : i32
    %scan3A_27 = arith.constant 5 : i32
    %scan3A_28 = arith.addi %scan3A_26, %scan3A_27 : i32
    %scan3A_29 = arith.constant 1 : i32
    scf.for %scan3A_59 = %scan3A_26 to %scan3A_28 step %scan3A_29  : i32 {
      %dma_wait3A_60 = arith.constant 0 : i32
      %dma_wait3A_61 = tpu.memref_slice %arg3[%mul3A_14, %dma_wait3A_60] : memref<2560x128xi32, #tpu.memory_space<hbm>> -> memref<8x128xi32, #tpu.memory_space<hbm>>
      %dma_wait3A_62 = arith.constant 0 : i32
      %dma_wait3A_63 = tpu.memref_slice %arg3[%mul3A_14, %dma_wait3A_62] : memref<2560x128xi32, #tpu.memory_space<hbm>> -> memref<8x128xi32, #tpu.memory_space<hbm>>
      tpu.wait_dma2 semaphore(%arg16 : memref<!tpu.dma_semaphore, #tpu.memory_space<semaphore_mem>>) src(%dma_wait3A_63 : memref<8x128xi32, #tpu.memory_space<hbm>>) dst(%arg7 : memref<8x128xi32, #tpu.memory_space<vmem>>)
      %dma_wait3A_64 = arith.constant 0 : i32
      %dma_wait3A_65 = tpu.memref_slice %arg4[%mul3A_14, %dma_wait3A_64] : memref<2560x128xi32, #tpu.memory_space<hbm>> -> memref<8x128xi32, #tpu.memory_space<hbm>>
      %dma_wait3A_66 = arith.constant 0 : i32
      %dma_wait3A_67 = tpu.memref_slice %arg4[%mul3A_14, %dma_wait3A_66] : memref<2560x128xi32, #tpu.memory_space<hbm>> -> memref<8x128xi32, #tpu.memory_space<hbm>>
      tpu.wait_dma2 semaphore(%arg16 : memref<!tpu.dma_semaphore, #tpu.memory_space<semaphore_mem>>) src(%dma_wait3A_67 : memref<8x128xi32, #tpu.memory_space<hbm>>) dst(%arg9 : memref<8x128xi32, #tpu.memory_space<vmem>>)
      %mul3A_68 = arith.constant 2 : i32
      %mul3A_69 = arith.muli %mul3A_68, %scan3A_59 : i32
      %add3A_70 = arith.constant 1 : i32
      %add3A_71 = arith.addi %mul3A_69, %add3A_70 : i32
      %mul3A_72 = arith.constant 8 : i32
      %mul3A_73 = arith.muli %add3A_71, %mul3A_72 : i32
      %add3A_74 = arith.addi %mul3A_14, %mul3A_73 : i32
      %min3A_75 = arith.minsi %add3A_74, %add3A_16 : i32
      %dma_start3A_76 = arith.constant 0 : i32
      %dma_start3A_77 = tpu.memref_slice %arg3[%min3A_75, %dma_start3A_76] : memref<2560x128xi32, #tpu.memory_space<hbm>> -> memref<8x128xi32, #tpu.memory_space<hbm>>
      %dma_start3A_78 = arith.constant 0 : i32
      %dma_start3A_79 = tpu.memref_slice %arg3[%min3A_75, %dma_start3A_78] : memref<2560x128xi32, #tpu.memory_space<hbm>> -> memref<8x128xi32, #tpu.memory_space<hbm>>
      tpu.enqueue_dma source(%dma_start3A_79 : memref<8x128xi32, #tpu.memory_space<hbm>>) target(%arg8 : memref<8x128xi32, #tpu.memory_space<vmem>>) target_semaphore(%arg16 : memref<!tpu.dma_semaphore, #tpu.memory_space<semaphore_mem>>)
      %dma_start3A_80 = arith.constant 0 : i32
      %dma_start3A_81 = tpu.memref_slice %arg4[%min3A_75, %dma_start3A_80] : memref<2560x128xi32, #tpu.memory_space<hbm>> -> memref<8x128xi32, #tpu.memory_space<hbm>>
      %dma_start3A_82 = arith.constant 0 : i32
      %dma_start3A_83 = tpu.memref_slice %arg4[%min3A_75, %dma_start3A_82] : memref<2560x128xi32, #tpu.memory_space<hbm>> -> memref<8x128xi32, #tpu.memory_space<hbm>>
      tpu.enqueue_dma source(%dma_start3A_83 : memref<8x128xi32, #tpu.memory_space<hbm>>) target(%arg10 : memref<8x128xi32, #tpu.memory_space<vmem>>) target_semaphore(%arg16 : memref<!tpu.dma_semaphore, #tpu.memory_space<semaphore_mem>>)
      %dma_start3A_84 = arith.constant 0 : i32
      %dma_start3A_85 = arith.constant 0 : i32
      %dma_start3A_86 = tpu.memref_slice %arg7[%dma_start3A_84, %dma_start3A_85] : memref<8x128xi32, #tpu.memory_space<vmem>> -> memref<1x128xi32, #tpu.memory_space<vmem>>
      %dma_start3A_87 = tpu.memref_squeeze %dma_start3A_86 : memref<1x128xi32, #tpu.memory_space<vmem>> -> memref<128xi32, #tpu.memory_space<vmem>>
      %dma_start3A_88 = arith.constant 0 : i32
      %dma_start3A_89 = arith.constant 0 : i32
      %dma_start3A_90 = tpu.memref_slice %arg2[%dma_start3A_88, %dma_start3A_89] : memref<10240x128xf32, #tpu.memory_space<hbm>> -> memref<10240x128xf32, #tpu.memory_space<hbm>>
      tpu.enqueue_indirect_dma source(%dma_start3A_90 : memref<10240x128xf32, #tpu.memory_space<hbm>>) target(%arg11 : memref<128x128xf32, #tpu.memory_space<vmem>>) offsets(%dma_start3A_87 : memref<128xi32, #tpu.memory_space<vmem>>) semaphore(%arg14 : memref<!tpu.dma_semaphore, #tpu.memory_space<semaphore_mem>>)
      %dma_start3A_91 = arith.constant 1 : i32
      %dma_start3A_92 = arith.constant 0 : i32
      %dma_start3A_93 = tpu.memref_slice %arg7[%dma_start3A_91, %dma_start3A_92] : memref<8x128xi32, #tpu.memory_space<vmem>> -> memref<1x128xi32, #tpu.memory_space<vmem>>
      %dma_start3A_94 = tpu.memref_squeeze %dma_start3A_93 : memref<1x128xi32, #tpu.memory_space<vmem>> -> memref<128xi32, #tpu.memory_space<vmem>>
      %dma_start3A_95 = arith.constant 0 : i32
      %dma_start3A_96 = arith.constant 0 : i32
      %dma_start3A_97 = tpu.memref_slice %arg2[%dma_start3A_95, %dma_start3A_96] : memref<10240x128xf32, #tpu.memory_space<hbm>> -> memref<10240x128xf32, #tpu.memory_space<hbm>>
      tpu.enqueue_indirect_dma source(%dma_start3A_97 : memref<10240x128xf32, #tpu.memory_space<hbm>>) target(%arg12 : memref<128x128xf32, #tpu.memory_space<vmem>>) offsets(%dma_start3A_94 : memref<128xi32, #tpu.memory_space<vmem>>) semaphore(%arg15 : memref<!tpu.dma_semaphore, #tpu.memory_space<semaphore_mem>>)
      %dma_wait3A_98 = arith.constant 0 : i32
      %dma_wait3A_99 = arith.constant 0 : i32
      %dma_wait3A_100 = tpu.memref_slice %arg7[%dma_wait3A_98, %dma_wait3A_99] : memref<8x128xi32, #tpu.memory_space<vmem>> -> memref<1x128xi32, #tpu.memory_space<vmem>>
      %dma_wait3A_101 = tpu.memref_squeeze %dma_wait3A_100 : memref<1x128xi32, #tpu.memory_space<vmem>> -> memref<128xi32, #tpu.memory_space<vmem>>
      %dma_wait3A_102 = arith.constant 0 : i32
      %dma_wait3A_103 = arith.constant 0 : i32
      %dma_wait3A_104 = tpu.memref_slice %arg2[%dma_wait3A_102, %dma_wait3A_103] : memref<10240x128xf32, #tpu.memory_space<hbm>> -> memref<10240x128xf32, #tpu.memory_space<hbm>>
      tpu.wait_indirect_dma semaphore(%arg14 : memref<!tpu.dma_semaphore, #tpu.memory_space<semaphore_mem>>) src(%dma_wait3A_104 : memref<10240x128xf32, #tpu.memory_space<hbm>>) dst(%arg11 : memref<128x128xf32, #tpu.memory_space<vmem>>)
      %run_scoped3A = arith.constant 0 : i32
      "tpu.region"() ({
        %run_scoped3A_347 = tpu.sem_alloc : memref<!tpu.dma_semaphore, #tpu.memory_space<semaphore_mem>>
        %dma_start3A_348 = arith.constant 0 : i32
        %dma_start3A_349 = tpu.memref_slice %arg9[%run_scoped3A, %dma_start3A_348] : memref<8x128xi32, #tpu.memory_space<vmem>> -> memref<1x128xi32, #tpu.memory_space<vmem>>
        %dma_start3A_350 = tpu.memref_squeeze %dma_start3A_349 : memref<1x128xi32, #tpu.memory_space<vmem>> -> memref<128xi32, #tpu.memory_space<vmem>>
        %dma_start3A_351 = arith.constant 0 : i32
        %dma_start3A_352 = arith.constant 0 : i32
        %dma_start3A_353 = tpu.memref_slice %arg13[%dma_start3A_351, %dma_start3A_352] : memref<10240x128xf32, #tpu.memory_space<vmem_shared>> -> memref<10240x128xf32, #tpu.memory_space<vmem_shared>>
        tpu.enqueue_indirect_dma source(%arg11 : memref<128x128xf32, #tpu.memory_space<vmem>>) target(%dma_start3A_353 : memref<10240x128xf32, #tpu.memory_space<vmem_shared>>) offsets(%dma_start3A_350 : memref<128xi32, #tpu.memory_space<vmem>>) semaphore(%run_scoped3A_347 : memref<!tpu.dma_semaphore, #tpu.memory_space<semaphore_mem>>) {add = true}
        %dma_wait3A_354 = arith.constant 0 : i32
        %dma_wait3A_355 = tpu.memref_slice %arg9[%run_scoped3A, %dma_wait3A_354] : memref<8x128xi32, #tpu.memory_space<vmem>> -> memref<1x128xi32, #tpu.memory_space<vmem>>
        %dma_wait3A_356 = tpu.memref_squeeze %dma_wait3A_355 : memref<1x128xi32, #tpu.memory_space<vmem>> -> memref<128xi32, #tpu.memory_space<vmem>>
        %dma_wait3A_357 = arith.constant 0 : i32
        %dma_wait3A_358 = arith.constant 0 : i32
        %dma_wait3A_359 = tpu.memref_slice %arg13[%dma_wait3A_357, %dma_wait3A_358] : memref<10240x128xf32, #tpu.memory_space<vmem_shared>> -> memref<10240x128xf32, #tpu.memory_space<vmem_shared>>
        tpu.wait_indirect_dma semaphore(%run_scoped3A_347 : memref<!tpu.dma_semaphore, #tpu.memory_space<semaphore_mem>>) src(%arg11 : memref<128x128xf32, #tpu.memory_space<vmem>>) dst(%dma_wait3A_359 : memref<10240x128xf32, #tpu.memory_space<vmem_shared>>)
        tpu.yield
      }) : () -> ()
      %dma_start3A_105 = arith.constant 2 : i32
      %dma_start3A_106 = arith.constant 0 : i32
      %dma_start3A_107 = tpu.memref_slice %arg7[%dma_start3A_105, %dma_start3A_106] : memref<8x128xi32, #tpu.memory_space<vmem>> -> memref<1x128xi32, #tpu.memory_space<vmem>>
      %dma_start3A_108 = tpu.memref_squeeze %dma_start3A_107 : memref<1x128xi32, #tpu.memory_space<vmem>> -> memref<128xi32, #tpu.memory_space<vmem>>
      %dma_start3A_109 = arith.constant 0 : i32
      %dma_start3A_110 = arith.constant 0 : i32
      %dma_start3A_111 = tpu.memref_slice %arg2[%dma_start3A_109, %dma_start3A_110] : memref<10240x128xf32, #tpu.memory_space<hbm>> -> memref<10240x128xf32, #tpu.memory_space<hbm>>
      tpu.enqueue_indirect_dma source(%dma_start3A_111 : memref<10240x128xf32, #tpu.memory_space<hbm>>) target(%arg11 : memref<128x128xf32, #tpu.memory_space<vmem>>) offsets(%dma_start3A_108 : memref<128xi32, #tpu.memory_space<vmem>>) semaphore(%arg14 : memref<!tpu.dma_semaphore, #tpu.memory_space<semaphore_mem>>)
      %dma_wait3A_112 = arith.constant 1 : i32
      %dma_wait3A_113 = arith.constant 0 : i32
      %dma_wait3A_114 = tpu.memref_slice %arg7[%dma_wait3A_112, %dma_wait3A_113] : memref<8x128xi32, #tpu.memory_space<vmem>> -> memref<1x128xi32, #tpu.memory_space<vmem>>
      %dma_wait3A_115 = tpu.memref_squeeze %dma_wait3A_114 : memref<1x128xi32, #tpu.memory_space<vmem>> -> memref<128xi32, #tpu.memory_space<vmem>>
      %dma_wait3A_116 = arith.constant 0 : i32
      %dma_wait3A_117 = arith.constant 0 : i32
      %dma_wait3A_118 = tpu.memref_slice %arg2[%dma_wait3A_116, %dma_wait3A_117] : memref<10240x128xf32, #tpu.memory_space<hbm>> -> memref<10240x128xf32, #tpu.memory_space<hbm>>
      tpu.wait_indirect_dma semaphore(%arg15 : memref<!tpu.dma_semaphore, #tpu.memory_space<semaphore_mem>>) src(%dma_wait3A_118 : memref<10240x128xf32, #tpu.memory_space<hbm>>) dst(%arg12 : memref<128x128xf32, #tpu.memory_space<vmem>>)
      %run_scoped3A_119 = arith.constant 1 : i32
      "tpu.region"() ({
        %run_scoped3A_347 = tpu.sem_alloc : memref<!tpu.dma_semaphore, #tpu.memory_space<semaphore_mem>>
        %dma_start3A_348 = arith.constant 0 : i32
        %dma_start3A_349 = tpu.memref_slice %arg9[%run_scoped3A_119, %dma_start3A_348] : memref<8x128xi32, #tpu.memory_space<vmem>> -> memref<1x128xi32, #tpu.memory_space<vmem>>
        %dma_start3A_350 = tpu.memref_squeeze %dma_start3A_349 : memref<1x128xi32, #tpu.memory_space<vmem>> -> memref<128xi32, #tpu.memory_space<vmem>>
        %dma_start3A_351 = arith.constant 0 : i32
        %dma_start3A_352 = arith.constant 0 : i32
        %dma_start3A_353 = tpu.memref_slice %arg13[%dma_start3A_351, %dma_start3A_352] : memref<10240x128xf32, #tpu.memory_space<vmem_shared>> -> memref<10240x128xf32, #tpu.memory_space<vmem_shared>>
        tpu.enqueue_indirect_dma source(%arg12 : memref<128x128xf32, #tpu.memory_space<vmem>>) target(%dma_start3A_353 : memref<10240x128xf32, #tpu.memory_space<vmem_shared>>) offsets(%dma_start3A_350 : memref<128xi32, #tpu.memory_space<vmem>>) semaphore(%run_scoped3A_347 : memref<!tpu.dma_semaphore, #tpu.memory_space<semaphore_mem>>) {add = true}
        %dma_wait3A_354 = arith.constant 0 : i32
        %dma_wait3A_355 = tpu.memref_slice %arg9[%run_scoped3A_119, %dma_wait3A_354] : memref<8x128xi32, #tpu.memory_space<vmem>> -> memref<1x128xi32, #tpu.memory_space<vmem>>
        %dma_wait3A_356 = tpu.memref_squeeze %dma_wait3A_355 : memref<1x128xi32, #tpu.memory_space<vmem>> -> memref<128xi32, #tpu.memory_space<vmem>>
        %dma_wait3A_357 = arith.constant 0 : i32
        %dma_wait3A_358 = arith.constant 0 : i32
        %dma_wait3A_359 = tpu.memref_slice %arg13[%dma_wait3A_357, %dma_wait3A_358] : memref<10240x128xf32, #tpu.memory_space<vmem_shared>> -> memref<10240x128xf32, #tpu.memory_space<vmem_shared>>
        tpu.wait_indirect_dma semaphore(%run_scoped3A_347 : memref<!tpu.dma_semaphore, #tpu.memory_space<semaphore_mem>>) src(%arg12 : memref<128x128xf32, #tpu.memory_space<vmem>>) dst(%dma_wait3A_359 : memref<10240x128xf32, #tpu.memory_space<vmem_shared>>)
        tpu.yield
      }) : () -> ()
      %dma_start3A_120 = arith.constant 3 : i32
      %dma_start3A_121 = arith.constant 0 : i32
      %dma_start3A_122 = tpu.memref_slice %arg7[%dma_start3A_120, %dma_start3A_121] : memref<8x128xi32, #tpu.memory_space<vmem>> -> memref<1x128xi32, #tpu.memory_space<vmem>>
      %dma_start3A_123 = tpu.memref_squeeze %dma_start3A_122 : memref<1x128xi32, #tpu.memory_space<vmem>> -> memref<128xi32, #tpu.memory_space<vmem>>
      %dma_start3A_124 = arith.constant 0 : i32
      %dma_start3A_125 = arith.constant 0 : i32
      %dma_start3A_126 = tpu.memref_slice %arg2[%dma_start3A_124, %dma_start3A_125] : memref<10240x128xf32, #tpu.memory_space<hbm>> -> memref<10240x128xf32, #tpu.memory_space<hbm>>
      tpu.enqueue_indirect_dma source(%dma_start3A_126 : memref<10240x128xf32, #tpu.memory_space<hbm>>) target(%arg12 : memref<128x128xf32, #tpu.memory_space<vmem>>) offsets(%dma_start3A_123 : memref<128xi32, #tpu.memory_space<vmem>>) semaphore(%arg15 : memref<!tpu.dma_semaphore, #tpu.memory_space<semaphore_mem>>)
      %dma_wait3A_127 = arith.constant 2 : i32
      %dma_wait3A_128 = arith.constant 0 : i32
      %dma_wait3A_129 = tpu.memref_slice %arg7[%dma_wait3A_127, %dma_wait3A_128] : memref<8x128xi32, #tpu.memory_space<vmem>> -> memref<1x128xi32, #tpu.memory_space<vmem>>
      %dma_wait3A_130 = tpu.memref_squeeze %dma_wait3A_129 : memref<1x128xi32, #tpu.memory_space<vmem>> -> memref<128xi32, #tpu.memory_space<vmem>>
      %dma_wait3A_131 = arith.constant 0 : i32
      %dma_wait3A_132 = arith.constant 0 : i32
      %dma_wait3A_133 = tpu.memref_slice %arg2[%dma_wait3A_131, %dma_wait3A_132] : memref<10240x128xf32, #tpu.memory_space<hbm>> -> memref<10240x128xf32, #tpu.memory_space<hbm>>
      tpu.wait_indirect_dma semaphore(%arg14 : memref<!tpu.dma_semaphore, #tpu.memory_space<semaphore_mem>>) src(%dma_wait3A_133 : memref<10240x128xf32, #tpu.memory_space<hbm>>) dst(%arg11 : memref<128x128xf32, #tpu.memory_space<vmem>>)
      %run_scoped3A_134 = arith.constant 2 : i32
      "tpu.region"() ({
        %run_scoped3A_347 = tpu.sem_alloc : memref<!tpu.dma_semaphore, #tpu.memory_space<semaphore_mem>>
        %dma_start3A_348 = arith.constant 0 : i32
        %dma_start3A_349 = tpu.memref_slice %arg9[%run_scoped3A_134, %dma_start3A_348] : memref<8x128xi32, #tpu.memory_space<vmem>> -> memref<1x128xi32, #tpu.memory_space<vmem>>
        %dma_start3A_350 = tpu.memref_squeeze %dma_start3A_349 : memref<1x128xi32, #tpu.memory_space<vmem>> -> memref<128xi32, #tpu.memory_space<vmem>>
        %dma_start3A_351 = arith.constant 0 : i32
        %dma_start3A_352 = arith.constant 0 : i32
        %dma_start3A_353 = tpu.memref_slice %arg13[%dma_start3A_351, %dma_start3A_352] : memref<10240x128xf32, #tpu.memory_space<vmem_shared>> -> memref<10240x128xf32, #tpu.memory_space<vmem_shared>>
        tpu.enqueue_indirect_dma source(%arg11 : memref<128x128xf32, #tpu.memory_space<vmem>>) target(%dma_start3A_353 : memref<10240x128xf32, #tpu.memory_space<vmem_shared>>) offsets(%dma_start3A_350 : memref<128xi32, #tpu.memory_space<vmem>>) semaphore(%run_scoped3A_347 : memref<!tpu.dma_semaphore, #tpu.memory_space<semaphore_mem>>) {add = true}
        %dma_wait3A_354 = arith.constant 0 : i32
        %dma_wait3A_355 = tpu.memref_slice %arg9[%run_scoped3A_134, %dma_wait3A_354] : memref<8x128xi32, #tpu.memory_space<vmem>> -> memref<1x128xi32, #tpu.memory_space<vmem>>
        %dma_wait3A_356 = tpu.memref_squeeze %dma_wait3A_355 : memref<1x128xi32, #tpu.memory_space<vmem>> -> memref<128xi32, #tpu.memory_space<vmem>>
        %dma_wait3A_357 = arith.constant 0 : i32
        %dma_wait3A_358 = arith.constant 0 : i32
        %dma_wait3A_359 = tpu.memref_slice %arg13[%dma_wait3A_357, %dma_wait3A_358] : memref<10240x128xf32, #tpu.memory_space<vmem_shared>> -> memref<10240x128xf32, #tpu.memory_space<vmem_shared>>
        tpu.wait_indirect_dma semaphore(%run_scoped3A_347 : memref<!tpu.dma_semaphore, #tpu.memory_space<semaphore_mem>>) src(%arg11 : memref<128x128xf32, #tpu.memory_space<vmem>>) dst(%dma_wait3A_359 : memref<10240x128xf32, #tpu.memory_space<vmem_shared>>)
        tpu.yield
      }) : () -> ()
      %dma_start3A_135 = arith.constant 4 : i32
      %dma_start3A_136 = arith.constant 0 : i32
      %dma_start3A_137 = tpu.memref_slice %arg7[%dma_start3A_135, %dma_start3A_136] : memref<8x128xi32, #tpu.memory_space<vmem>> -> memref<1x128xi32, #tpu.memory_space<vmem>>
      %dma_start3A_138 = tpu.memref_squeeze %dma_start3A_137 : memref<1x128xi32, #tpu.memory_space<vmem>> -> memref<128xi32, #tpu.memory_space<vmem>>
      %dma_start3A_139 = arith.constant 0 : i32
      %dma_start3A_140 = arith.constant 0 : i32
      %dma_start3A_141 = tpu.memref_slice %arg2[%dma_start3A_139, %dma_start3A_140] : memref<10240x128xf32, #tpu.memory_space<hbm>> -> memref<10240x128xf32, #tpu.memory_space<hbm>>
      tpu.enqueue_indirect_dma source(%dma_start3A_141 : memref<10240x128xf32, #tpu.memory_space<hbm>>) target(%arg11 : memref<128x128xf32, #tpu.memory_space<vmem>>) offsets(%dma_start3A_138 : memref<128xi32, #tpu.memory_space<vmem>>) semaphore(%arg14 : memref<!tpu.dma_semaphore, #tpu.memory_space<semaphore_mem>>)
      %dma_wait3A_142 = arith.constant 3 : i32
      %dma_wait3A_143 = arith.constant 0 : i32
      %dma_wait3A_144 = tpu.memref_slice %arg7[%dma_wait3A_142, %dma_wait3A_143] : memref<8x128xi32, #tpu.memory_space<vmem>> -> memref<1x128xi32, #tpu.memory_space<vmem>>
      %dma_wait3A_145 = tpu.memref_squeeze %dma_wait3A_144 : memref<1x128xi32, #tpu.memory_space<vmem>> -> memref<128xi32, #tpu.memory_space<vmem>>
      %dma_wait3A_146 = arith.constant 0 : i32
      %dma_wait3A_147 = arith.constant 0 : i32
      %dma_wait3A_148 = tpu.memref_slice %arg2[%dma_wait3A_146, %dma_wait3A_147] : memref<10240x128xf32, #tpu.memory_space<hbm>> -> memref<10240x128xf32, #tpu.memory_space<hbm>>
      tpu.wait_indirect_dma semaphore(%arg15 : memref<!tpu.dma_semaphore, #tpu.memory_space<semaphore_mem>>) src(%dma_wait3A_148 : memref<10240x128xf32, #tpu.memory_space<hbm>>) dst(%arg12 : memref<128x128xf32, #tpu.memory_space<vmem>>)
      %run_scoped3A_149 = arith.constant 3 : i32
      "tpu.region"() ({
        %run_scoped3A_347 = tpu.sem_alloc : memref<!tpu.dma_semaphore, #tpu.memory_space<semaphore_mem>>
        %dma_start3A_348 = arith.constant 0 : i32
        %dma_start3A_349 = tpu.memref_slice %arg9[%run_scoped3A_149, %dma_start3A_348] : memref<8x128xi32, #tpu.memory_space<vmem>> -> memref<1x128xi32, #tpu.memory_space<vmem>>
        %dma_start3A_350 = tpu.memref_squeeze %dma_start3A_349 : memref<1x128xi32, #tpu.memory_space<vmem>> -> memref<128xi32, #tpu.memory_space<vmem>>
        %dma_start3A_351 = arith.constant 0 : i32
        %dma_start3A_352 = arith.constant 0 : i32
        %dma_start3A_353 = tpu.memref_slice %arg13[%dma_start3A_351, %dma_start3A_352] : memref<10240x128xf32, #tpu.memory_space<vmem_shared>> -> memref<10240x128xf32, #tpu.memory_space<vmem_shared>>
        tpu.enqueue_indirect_dma source(%arg12 : memref<128x128xf32, #tpu.memory_space<vmem>>) target(%dma_start3A_353 : memref<10240x128xf32, #tpu.memory_space<vmem_shared>>) offsets(%dma_start3A_350 : memref<128xi32, #tpu.memory_space<vmem>>) semaphore(%run_scoped3A_347 : memref<!tpu.dma_semaphore, #tpu.memory_space<semaphore_mem>>) {add = true}
        %dma_wait3A_354 = arith.constant 0 : i32
        %dma_wait3A_355 = tpu.memref_slice %arg9[%run_scoped3A_149, %dma_wait3A_354] : memref<8x128xi32, #tpu.memory_space<vmem>> -> memref<1x128xi32, #tpu.memory_space<vmem>>
        %dma_wait3A_356 = tpu.memref_squeeze %dma_wait3A_355 : memref<1x128xi32, #tpu.memory_space<vmem>> -> memref<128xi32, #tpu.memory_space<vmem>>
        %dma_wait3A_357 = arith.constant 0 : i32
        %dma_wait3A_358 = arith.constant 0 : i32
        %dma_wait3A_359 = tpu.memref_slice %arg13[%dma_wait3A_357, %dma_wait3A_358] : memref<10240x128xf32, #tpu.memory_space<vmem_shared>> -> memref<10240x128xf32, #tpu.memory_space<vmem_shared>>
        tpu.wait_indirect_dma semaphore(%run_scoped3A_347 : memref<!tpu.dma_semaphore, #tpu.memory_space<semaphore_mem>>) src(%arg12 : memref<128x128xf32, #tpu.memory_space<vmem>>) dst(%dma_wait3A_359 : memref<10240x128xf32, #tpu.memory_space<vmem_shared>>)
        tpu.yield
      }) : () -> ()
      %dma_start3A_150 = arith.constant 5 : i32
      %dma_start3A_151 = arith.constant 0 : i32
      %dma_start3A_152 = tpu.memref_slice %arg7[%dma_start3A_150, %dma_start3A_151] : memref<8x128xi32, #tpu.memory_space<vmem>> -> memref<1x128xi32, #tpu.memory_space<vmem>>
      %dma_start3A_153 = tpu.memref_squeeze %dma_start3A_152 : memref<1x128xi32, #tpu.memory_space<vmem>> -> memref<128xi32, #tpu.memory_space<vmem>>
      %dma_start3A_154 = arith.constant 0 : i32
      %dma_start3A_155 = arith.constant 0 : i32
      %dma_start3A_156 = tpu.memref_slice %arg2[%dma_start3A_154, %dma_start3A_155] : memref<10240x128xf32, #tpu.memory_space<hbm>> -> memref<10240x128xf32, #tpu.memory_space<hbm>>
      tpu.enqueue_indirect_dma source(%dma_start3A_156 : memref<10240x128xf32, #tpu.memory_space<hbm>>) target(%arg12 : memref<128x128xf32, #tpu.memory_space<vmem>>) offsets(%dma_start3A_153 : memref<128xi32, #tpu.memory_space<vmem>>) semaphore(%arg15 : memref<!tpu.dma_semaphore, #tpu.memory_space<semaphore_mem>>)
      %dma_wait3A_157 = arith.constant 4 : i32
      %dma_wait3A_158 = arith.constant 0 : i32
      %dma_wait3A_159 = tpu.memref_slice %arg7[%dma_wait3A_157, %dma_wait3A_158] : memref<8x128xi32, #tpu.memory_space<vmem>> -> memref<1x128xi32, #tpu.memory_space<vmem>>
      %dma_wait3A_160 = tpu.memref_squeeze %dma_wait3A_159 : memref<1x128xi32, #tpu.memory_space<vmem>> -> memref<128xi32, #tpu.memory_space<vmem>>
      %dma_wait3A_161 = arith.constant 0 : i32
      %dma_wait3A_162 = arith.constant 0 : i32
      %dma_wait3A_163 = tpu.memref_slice %arg2[%dma_wait3A_161, %dma_wait3A_162] : memref<10240x128xf32, #tpu.memory_space<hbm>> -> memref<10240x128xf32, #tpu.memory_space<hbm>>
      tpu.wait_indirect_dma semaphore(%arg14 : memref<!tpu.dma_semaphore, #tpu.memory_space<semaphore_mem>>) src(%dma_wait3A_163 : memref<10240x128xf32, #tpu.memory_space<hbm>>) dst(%arg11 : memref<128x128xf32, #tpu.memory_space<vmem>>)
      %run_scoped3A_164 = arith.constant 4 : i32
      "tpu.region"() ({
        %run_scoped3A_347 = tpu.sem_alloc : memref<!tpu.dma_semaphore, #tpu.memory_space<semaphore_mem>>
        %dma_start3A_348 = arith.constant 0 : i32
        %dma_start3A_349 = tpu.memref_slice %arg9[%run_scoped3A_164, %dma_start3A_348] : memref<8x128xi32, #tpu.memory_space<vmem>> -> memref<1x128xi32, #tpu.memory_space<vmem>>
        %dma_start3A_350 = tpu.memref_squeeze %dma_start3A_349 : memref<1x128xi32, #tpu.memory_space<vmem>> -> memref<128xi32, #tpu.memory_space<vmem>>
        %dma_start3A_351 = arith.constant 0 : i32
        %dma_start3A_352 = arith.constant 0 : i32
        %dma_start3A_353 = tpu.memref_slice %arg13[%dma_start3A_351, %dma_start3A_352] : memref<10240x128xf32, #tpu.memory_space<vmem_shared>> -> memref<10240x128xf32, #tpu.memory_space<vmem_shared>>
        tpu.enqueue_indirect_dma source(%arg11 : memref<128x128xf32, #tpu.memory_space<vmem>>) target(%dma_start3A_353 : memref<10240x128xf32, #tpu.memory_space<vmem_shared>>) offsets(%dma_start3A_350 : memref<128xi32, #tpu.memory_space<vmem>>) semaphore(%run_scoped3A_347 : memref<!tpu.dma_semaphore, #tpu.memory_space<semaphore_mem>>) {add = true}
        %dma_wait3A_354 = arith.constant 0 : i32
        %dma_wait3A_355 = tpu.memref_slice %arg9[%run_scoped3A_164, %dma_wait3A_354] : memref<8x128xi32, #tpu.memory_space<vmem>> -> memref<1x128xi32, #tpu.memory_space<vmem>>
        %dma_wait3A_356 = tpu.memref_squeeze %dma_wait3A_355 : memref<1x128xi32, #tpu.memory_space<vmem>> -> memref<128xi32, #tpu.memory_space<vmem>>
        %dma_wait3A_357 = arith.constant 0 : i32
        %dma_wait3A_358 = arith.constant 0 : i32
        %dma_wait3A_359 = tpu.memref_slice %arg13[%dma_wait3A_357, %dma_wait3A_358] : memref<10240x128xf32, #tpu.memory_space<vmem_shared>> -> memref<10240x128xf32, #tpu.memory_space<vmem_shared>>
        tpu.wait_indirect_dma semaphore(%run_scoped3A_347 : memref<!tpu.dma_semaphore, #tpu.memory_space<semaphore_mem>>) src(%arg11 : memref<128x128xf32, #tpu.memory_space<vmem>>) dst(%dma_wait3A_359 : memref<10240x128xf32, #tpu.memory_space<vmem_shared>>)
        tpu.yield
      }) : () -> ()
      %dma_start3A_165 = arith.constant 6 : i32
      %dma_start3A_166 = arith.constant 0 : i32
      %dma_start3A_167 = tpu.memref_slice %arg7[%dma_start3A_165, %dma_start3A_166] : memref<8x128xi32, #tpu.memory_space<vmem>> -> memref<1x128xi32, #tpu.memory_space<vmem>>
      %dma_start3A_168 = tpu.memref_squeeze %dma_start3A_167 : memref<1x128xi32, #tpu.memory_space<vmem>> -> memref<128xi32, #tpu.memory_space<vmem>>
      %dma_start3A_169 = arith.constant 0 : i32
      %dma_start3A_170 = arith.constant 0 : i32
      %dma_start3A_171 = tpu.memref_slice %arg2[%dma_start3A_169, %dma_start3A_170] : memref<10240x128xf32, #tpu.memory_space<hbm>> -> memref<10240x128xf32, #tpu.memory_space<hbm>>
      tpu.enqueue_indirect_dma source(%dma_start3A_171 : memref<10240x128xf32, #tpu.memory_space<hbm>>) target(%arg11 : memref<128x128xf32, #tpu.memory_space<vmem>>) offsets(%dma_start3A_168 : memref<128xi32, #tpu.memory_space<vmem>>) semaphore(%arg14 : memref<!tpu.dma_semaphore, #tpu.memory_space<semaphore_mem>>)
      %dma_wait3A_172 = arith.constant 5 : i32
      %dma_wait3A_173 = arith.constant 0 : i32
      %dma_wait3A_174 = tpu.memref_slice %arg7[%dma_wait3A_172, %dma_wait3A_173] : memref<8x128xi32, #tpu.memory_space<vmem>> -> memref<1x128xi32, #tpu.memory_space<vmem>>
      %dma_wait3A_175 = tpu.memref_squeeze %dma_wait3A_174 : memref<1x128xi32, #tpu.memory_space<vmem>> -> memref<128xi32, #tpu.memory_space<vmem>>
      %dma_wait3A_176 = arith.constant 0 : i32
      %dma_wait3A_177 = arith.constant 0 : i32
      %dma_wait3A_178 = tpu.memref_slice %arg2[%dma_wait3A_176, %dma_wait3A_177] : memref<10240x128xf32, #tpu.memory_space<hbm>> -> memref<10240x128xf32, #tpu.memory_space<hbm>>
      tpu.wait_indirect_dma semaphore(%arg15 : memref<!tpu.dma_semaphore, #tpu.memory_space<semaphore_mem>>) src(%dma_wait3A_178 : memref<10240x128xf32, #tpu.memory_space<hbm>>) dst(%arg12 : memref<128x128xf32, #tpu.memory_space<vmem>>)
      %run_scoped3A_179 = arith.constant 5 : i32
      "tpu.region"() ({
        %run_scoped3A_347 = tpu.sem_alloc : memref<!tpu.dma_semaphore, #tpu.memory_space<semaphore_mem>>
        %dma_start3A_348 = arith.constant 0 : i32
        %dma_start3A_349 = tpu.memref_slice %arg9[%run_scoped3A_179, %dma_start3A_348] : memref<8x128xi32, #tpu.memory_space<vmem>> -> memref<1x128xi32, #tpu.memory_space<vmem>>
        %dma_start3A_350 = tpu.memref_squeeze %dma_start3A_349 : memref<1x128xi32, #tpu.memory_space<vmem>> -> memref<128xi32, #tpu.memory_space<vmem>>
        %dma_start3A_351 = arith.constant 0 : i32
        %dma_start3A_352 = arith.constant 0 : i32
        %dma_start3A_353 = tpu.memref_slice %arg13[%dma_start3A_351, %dma_start3A_352] : memref<10240x128xf32, #tpu.memory_space<vmem_shared>> -> memref<10240x128xf32, #tpu.memory_space<vmem_shared>>
        tpu.enqueue_indirect_dma source(%arg12 : memref<128x128xf32, #tpu.memory_space<vmem>>) target(%dma_start3A_353 : memref<10240x128xf32, #tpu.memory_space<vmem_shared>>) offsets(%dma_start3A_350 : memref<128xi32, #tpu.memory_space<vmem>>) semaphore(%run_scoped3A_347 : memref<!tpu.dma_semaphore, #tpu.memory_space<semaphore_mem>>) {add = true}
        %dma_wait3A_354 = arith.constant 0 : i32
        %dma_wait3A_355 = tpu.memref_slice %arg9[%run_scoped3A_179, %dma_wait3A_354] : memref<8x128xi32, #tpu.memory_space<vmem>> -> memref<1x128xi32, #tpu.memory_space<vmem>>
        %dma_wait3A_356 = tpu.memref_squeeze %dma_wait3A_355 : memref<1x128xi32, #tpu.memory_space<vmem>> -> memref<128xi32, #tpu.memory_space<vmem>>
        %dma_wait3A_357 = arith.constant 0 : i32
        %dma_wait3A_358 = arith.constant 0 : i32
        %dma_wait3A_359 = tpu.memref_slice %arg13[%dma_wait3A_357, %dma_wait3A_358] : memref<10240x128xf32, #tpu.memory_space<vmem_shared>> -> memref<10240x128xf32, #tpu.memory_space<vmem_shared>>
        tpu.wait_indirect_dma semaphore(%run_scoped3A_347 : memref<!tpu.dma_semaphore, #tpu.memory_space<semaphore_mem>>) src(%arg12 : memref<128x128xf32, #tpu.memory_space<vmem>>) dst(%dma_wait3A_359 : memref<10240x128xf32, #tpu.memory_space<vmem_shared>>)
        tpu.yield
      }) : () -> ()
      %dma_start3A_180 = arith.constant 7 : i32
      %dma_start3A_181 = arith.constant 0 : i32
      %dma_start3A_182 = tpu.memref_slice %arg7[%dma_start3A_180, %dma_start3A_181] : memref<8x128xi32, #tpu.memory_space<vmem>> -> memref<1x128xi32, #tpu.memory_space<vmem>>
      %dma_start3A_183 = tpu.memref_squeeze %dma_start3A_182 : memref<1x128xi32, #tpu.memory_space<vmem>> -> memref<128xi32, #tpu.memory_space<vmem>>
      %dma_start3A_184 = arith.constant 0 : i32
      %dma_start3A_185 = arith.constant 0 : i32
      %dma_start3A_186 = tpu.memref_slice %arg2[%dma_start3A_184, %dma_start3A_185] : memref<10240x128xf32, #tpu.memory_space<hbm>> -> memref<10240x128xf32, #tpu.memory_space<hbm>>
      tpu.enqueue_indirect_dma source(%dma_start3A_186 : memref<10240x128xf32, #tpu.memory_space<hbm>>) target(%arg12 : memref<128x128xf32, #tpu.memory_space<vmem>>) offsets(%dma_start3A_183 : memref<128xi32, #tpu.memory_space<vmem>>) semaphore(%arg15 : memref<!tpu.dma_semaphore, #tpu.memory_space<semaphore_mem>>)
      %dma_wait3A_187 = arith.constant 6 : i32
      %dma_wait3A_188 = arith.constant 0 : i32
      %dma_wait3A_189 = tpu.memref_slice %arg7[%dma_wait3A_187, %dma_wait3A_188] : memref<8x128xi32, #tpu.memory_space<vmem>> -> memref<1x128xi32, #tpu.memory_space<vmem>>
      %dma_wait3A_190 = tpu.memref_squeeze %dma_wait3A_189 : memref<1x128xi32, #tpu.memory_space<vmem>> -> memref<128xi32, #tpu.memory_space<vmem>>
      %dma_wait3A_191 = arith.constant 0 : i32
      %dma_wait3A_192 = arith.constant 0 : i32
      %dma_wait3A_193 = tpu.memref_slice %arg2[%dma_wait3A_191, %dma_wait3A_192] : memref<10240x128xf32, #tpu.memory_space<hbm>> -> memref<10240x128xf32, #tpu.memory_space<hbm>>
      tpu.wait_indirect_dma semaphore(%arg14 : memref<!tpu.dma_semaphore, #tpu.memory_space<semaphore_mem>>) src(%dma_wait3A_193 : memref<10240x128xf32, #tpu.memory_space<hbm>>) dst(%arg11 : memref<128x128xf32, #tpu.memory_space<vmem>>)
      %run_scoped3A_194 = arith.constant 6 : i32
      "tpu.region"() ({
        %run_scoped3A_347 = tpu.sem_alloc : memref<!tpu.dma_semaphore, #tpu.memory_space<semaphore_mem>>
        %dma_start3A_348 = arith.constant 0 : i32
        %dma_start3A_349 = tpu.memref_slice %arg9[%run_scoped3A_194, %dma_start3A_348] : memref<8x128xi32, #tpu.memory_space<vmem>> -> memref<1x128xi32, #tpu.memory_space<vmem>>
        %dma_start3A_350 = tpu.memref_squeeze %dma_start3A_349 : memref<1x128xi32, #tpu.memory_space<vmem>> -> memref<128xi32, #tpu.memory_space<vmem>>
        %dma_start3A_351 = arith.constant 0 : i32
        %dma_start3A_352 = arith.constant 0 : i32
        %dma_start3A_353 = tpu.memref_slice %arg13[%dma_start3A_351, %dma_start3A_352] : memref<10240x128xf32, #tpu.memory_space<vmem_shared>> -> memref<10240x128xf32, #tpu.memory_space<vmem_shared>>
        tpu.enqueue_indirect_dma source(%arg11 : memref<128x128xf32, #tpu.memory_space<vmem>>) target(%dma_start3A_353 : memref<10240x128xf32, #tpu.memory_space<vmem_shared>>) offsets(%dma_start3A_350 : memref<128xi32, #tpu.memory_space<vmem>>) semaphore(%run_scoped3A_347 : memref<!tpu.dma_semaphore, #tpu.memory_space<semaphore_mem>>) {add = true}
        %dma_wait3A_354 = arith.constant 0 : i32
        %dma_wait3A_355 = tpu.memref_slice %arg9[%run_scoped3A_194, %dma_wait3A_354] : memref<8x128xi32, #tpu.memory_space<vmem>> -> memref<1x128xi32, #tpu.memory_space<vmem>>
        %dma_wait3A_356 = tpu.memref_squeeze %dma_wait3A_355 : memref<1x128xi32, #tpu.memory_space<vmem>> -> memref<128xi32, #tpu.memory_space<vmem>>
        %dma_wait3A_357 = arith.constant 0 : i32
        %dma_wait3A_358 = arith.constant 0 : i32
        %dma_wait3A_359 = tpu.memref_slice %arg13[%dma_wait3A_357, %dma_wait3A_358] : memref<10240x128xf32, #tpu.memory_space<vmem_shared>> -> memref<10240x128xf32, #tpu.memory_space<vmem_shared>>
        tpu.wait_indirect_dma semaphore(%run_scoped3A_347 : memref<!tpu.dma_semaphore, #tpu.memory_space<semaphore_mem>>) src(%arg11 : memref<128x128xf32, #tpu.memory_space<vmem>>) dst(%dma_wait3A_359 : memref<10240x128xf32, #tpu.memory_space<vmem_shared>>)
        tpu.yield
      }) : () -> ()
      %dma_wait3A_195 = arith.constant 7 : i32
      %dma_wait3A_196 = arith.constant 0 : i32
      %dma_wait3A_197 = tpu.memref_slice %arg7[%dma_wait3A_195, %dma_wait3A_196] : memref<8x128xi32, #tpu.memory_space<vmem>> -> memref<1x128xi32, #tpu.memory_space<vmem>>
      %dma_wait3A_198 = tpu.memref_squeeze %dma_wait3A_197 : memref<1x128xi32, #tpu.memory_space<vmem>> -> memref<128xi32, #tpu.memory_space<vmem>>
      %dma_wait3A_199 = arith.constant 0 : i32
      %dma_wait3A_200 = arith.constant 0 : i32
      %dma_wait3A_201 = tpu.memref_slice %arg2[%dma_wait3A_199, %dma_wait3A_200] : memref<10240x128xf32, #tpu.memory_space<hbm>> -> memref<10240x128xf32, #tpu.memory_space<hbm>>
      tpu.wait_indirect_dma semaphore(%arg15 : memref<!tpu.dma_semaphore, #tpu.memory_space<semaphore_mem>>) src(%dma_wait3A_201 : memref<10240x128xf32, #tpu.memory_space<hbm>>) dst(%arg12 : memref<128x128xf32, #tpu.memory_space<vmem>>)
      %run_scoped3A_202 = arith.constant 7 : i32
      "tpu.region"() ({
        %run_scoped3A_347 = tpu.sem_alloc : memref<!tpu.dma_semaphore, #tpu.memory_space<semaphore_mem>>
        %dma_start3A_348 = arith.constant 0 : i32
        %dma_start3A_349 = tpu.memref_slice %arg9[%run_scoped3A_202, %dma_start3A_348] : memref<8x128xi32, #tpu.memory_space<vmem>> -> memref<1x128xi32, #tpu.memory_space<vmem>>
        %dma_start3A_350 = tpu.memref_squeeze %dma_start3A_349 : memref<1x128xi32, #tpu.memory_space<vmem>> -> memref<128xi32, #tpu.memory_space<vmem>>
        %dma_start3A_351 = arith.constant 0 : i32
        %dma_start3A_352 = arith.constant 0 : i32
        %dma_start3A_353 = tpu.memref_slice %arg13[%dma_start3A_351, %dma_start3A_352] : memref<10240x128xf32, #tpu.memory_space<vmem_shared>> -> memref<10240x128xf32, #tpu.memory_space<vmem_shared>>
        tpu.enqueue_indirect_dma source(%arg12 : memref<128x128xf32, #tpu.memory_space<vmem>>) target(%dma_start3A_353 : memref<10240x128xf32, #tpu.memory_space<vmem_shared>>) offsets(%dma_start3A_350 : memref<128xi32, #tpu.memory_space<vmem>>) semaphore(%run_scoped3A_347 : memref<!tpu.dma_semaphore, #tpu.memory_space<semaphore_mem>>) {add = true}
        %dma_wait3A_354 = arith.constant 0 : i32
        %dma_wait3A_355 = tpu.memref_slice %arg9[%run_scoped3A_202, %dma_wait3A_354] : memref<8x128xi32, #tpu.memory_space<vmem>> -> memref<1x128xi32, #tpu.memory_space<vmem>>
        %dma_wait3A_356 = tpu.memref_squeeze %dma_wait3A_355 : memref<1x128xi32, #tpu.memory_space<vmem>> -> memref<128xi32, #tpu.memory_space<vmem>>
        %dma_wait3A_357 = arith.constant 0 : i32
        %dma_wait3A_358 = arith.constant 0 : i32
        %dma_wait3A_359 = tpu.memref_slice %arg13[%dma_wait3A_357, %dma_wait3A_358] : memref<10240x128xf32, #tpu.memory_space<vmem_shared>> -> memref<10240x128xf32, #tpu.memory_space<vmem_shared>>
        tpu.wait_indirect_dma semaphore(%run_scoped3A_347 : memref<!tpu.dma_semaphore, #tpu.memory_space<semaphore_mem>>) src(%arg12 : memref<128x128xf32, #tpu.memory_space<vmem>>) dst(%dma_wait3A_359 : memref<10240x128xf32, #tpu.memory_space<vmem_shared>>)
        tpu.yield
      }) : () -> ()
      %dma_wait3A_203 = arith.constant 0 : i32
      %dma_wait3A_204 = tpu.memref_slice %arg3[%mul3A_14, %dma_wait3A_203] : memref<2560x128xi32, #tpu.memory_space<hbm>> -> memref<8x128xi32, #tpu.memory_space<hbm>>
      %dma_wait3A_205 = arith.constant 0 : i32
      %dma_wait3A_206 = tpu.memref_slice %arg3[%mul3A_14, %dma_wait3A_205] : memref<2560x128xi32, #tpu.memory_space<hbm>> -> memref<8x128xi32, #tpu.memory_space<hbm>>
      tpu.wait_dma2 semaphore(%arg16 : memref<!tpu.dma_semaphore, #tpu.memory_space<semaphore_mem>>) src(%dma_wait3A_206 : memref<8x128xi32, #tpu.memory_space<hbm>>) dst(%arg8 : memref<8x128xi32, #tpu.memory_space<vmem>>)
      %dma_wait3A_207 = arith.constant 0 : i32
      %dma_wait3A_208 = tpu.memref_slice %arg4[%mul3A_14, %dma_wait3A_207] : memref<2560x128xi32, #tpu.memory_space<hbm>> -> memref<8x128xi32, #tpu.memory_space<hbm>>
      %dma_wait3A_209 = arith.constant 0 : i32
      %dma_wait3A_210 = tpu.memref_slice %arg4[%mul3A_14, %dma_wait3A_209] : memref<2560x128xi32, #tpu.memory_space<hbm>> -> memref<8x128xi32, #tpu.memory_space<hbm>>
      tpu.wait_dma2 semaphore(%arg16 : memref<!tpu.dma_semaphore, #tpu.memory_space<semaphore_mem>>) src(%dma_wait3A_210 : memref<8x128xi32, #tpu.memory_space<hbm>>) dst(%arg10 : memref<8x128xi32, #tpu.memory_space<vmem>>)
      %mul3A_211 = arith.constant 2 : i32
      %mul3A_212 = arith.muli %mul3A_211, %scan3A_59 : i32
      %add3A_213 = arith.constant 2 : i32
      %add3A_214 = arith.addi %mul3A_212, %add3A_213 : i32
      %mul3A_215 = arith.constant 8 : i32
      %mul3A_216 = arith.muli %add3A_214, %mul3A_215 : i32
      %add3A_217 = arith.addi %mul3A_14, %mul3A_216 : i32
      %min3A_218 = arith.minsi %add3A_217, %add3A_16 : i32
      %dma_start3A_219 = arith.constant 0 : i32
      %dma_start3A_220 = tpu.memref_slice %arg3[%min3A_218, %dma_start3A_219] : memref<2560x128xi32, #tpu.memory_space<hbm>> -> memref<8x128xi32, #tpu.memory_space<hbm>>
      %dma_start3A_221 = arith.constant 0 : i32
      %dma_start3A_222 = tpu.memref_slice %arg3[%min3A_218, %dma_start3A_221] : memref<2560x128xi32, #tpu.memory_space<hbm>> -> memref<8x128xi32, #tpu.memory_space<hbm>>
      tpu.enqueue_dma source(%dma_start3A_222 : memref<8x128xi32, #tpu.memory_space<hbm>>) target(%arg7 : memref<8x128xi32, #tpu.memory_space<vmem>>) target_semaphore(%arg16 : memref<!tpu.dma_semaphore, #tpu.memory_space<semaphore_mem>>)
      %dma_start3A_223 = arith.constant 0 : i32
      %dma_start3A_224 = tpu.memref_slice %arg4[%min3A_218, %dma_start3A_223] : memref<2560x128xi32, #tpu.memory_space<hbm>> -> memref<8x128xi32, #tpu.memory_space<hbm>>
      %dma_start3A_225 = arith.constant 0 : i32
      %dma_start3A_226 = tpu.memref_slice %arg4[%min3A_218, %dma_start3A_225] : memref<2560x128xi32, #tpu.memory_space<hbm>> -> memref<8x128xi32, #tpu.memory_space<hbm>>
      tpu.enqueue_dma source(%dma_start3A_226 : memref<8x128xi32, #tpu.memory_space<hbm>>) target(%arg9 : memref<8x128xi32, #tpu.memory_space<vmem>>) target_semaphore(%arg16 : memref<!tpu.dma_semaphore, #tpu.memory_space<semaphore_mem>>)
      %dma_start3A_227 = arith.constant 0 : i32
      %dma_start3A_228 = arith.constant 0 : i32
      %dma_start3A_229 = tpu.memref_slice %arg8[%dma_start3A_227, %dma_start3A_228] : memref<8x128xi32, #tpu.memory_space<vmem>> -> memref<1x128xi32, #tpu.memory_space<vmem>>
      %dma_start3A_230 = tpu.memref_squeeze %dma_start3A_229 : memref<1x128xi32, #tpu.memory_space<vmem>> -> memref<128xi32, #tpu.memory_space<vmem>>
      %dma_start3A_231 = arith.constant 0 : i32
      %dma_start3A_232 = arith.constant 0 : i32
      %dma_start3A_233 = tpu.memref_slice %arg2[%dma_start3A_231, %dma_start3A_232] : memref<10240x128xf32, #tpu.memory_space<hbm>> -> memref<10240x128xf32, #tpu.memory_space<hbm>>
      tpu.enqueue_indirect_dma source(%dma_start3A_233 : memref<10240x128xf32, #tpu.memory_space<hbm>>) target(%arg11 : memref<128x128xf32, #tpu.memory_space<vmem>>) offsets(%dma_start3A_230 : memref<128xi32, #tpu.memory_space<vmem>>) semaphore(%arg14 : memref<!tpu.dma_semaphore, #tpu.memory_space<semaphore_mem>>)
      %dma_start3A_234 = arith.constant 1 : i32
      %dma_start3A_235 = arith.constant 0 : i32
      %dma_start3A_236 = tpu.memref_slice %arg8[%dma_start3A_234, %dma_start3A_235] : memref<8x128xi32, #tpu.memory_space<vmem>> -> memref<1x128xi32, #tpu.memory_space<vmem>>
      %dma_start3A_237 = tpu.memref_squeeze %dma_start3A_236 : memref<1x128xi32, #tpu.memory_space<vmem>> -> memref<128xi32, #tpu.memory_space<vmem>>
      %dma_start3A_238 = arith.constant 0 : i32
      %dma_start3A_239 = arith.constant 0 : i32
      %dma_start3A_240 = tpu.memref_slice %arg2[%dma_start3A_238, %dma_start3A_239] : memref<10240x128xf32, #tpu.memory_space<hbm>> -> memref<10240x128xf32, #tpu.memory_space<hbm>>
      tpu.enqueue_indirect_dma source(%dma_start3A_240 : memref<10240x128xf32, #tpu.memory_space<hbm>>) target(%arg12 : memref<128x128xf32, #tpu.memory_space<vmem>>) offsets(%dma_start3A_237 : memref<128xi32, #tpu.memory_space<vmem>>) semaphore(%arg15 : memref<!tpu.dma_semaphore, #tpu.memory_space<semaphore_mem>>)
      %dma_wait3A_241 = arith.constant 0 : i32
      %dma_wait3A_242 = arith.constant 0 : i32
      %dma_wait3A_243 = tpu.memref_slice %arg8[%dma_wait3A_241, %dma_wait3A_242] : memref<8x128xi32, #tpu.memory_space<vmem>> -> memref<1x128xi32, #tpu.memory_space<vmem>>
      %dma_wait3A_244 = tpu.memref_squeeze %dma_wait3A_243 : memref<1x128xi32, #tpu.memory_space<vmem>> -> memref<128xi32, #tpu.memory_space<vmem>>
      %dma_wait3A_245 = arith.constant 0 : i32
      %dma_wait3A_246 = arith.constant 0 : i32
      %dma_wait3A_247 = tpu.memref_slice %arg2[%dma_wait3A_245, %dma_wait3A_246] : memref<10240x128xf32, #tpu.memory_space<hbm>> -> memref<10240x128xf32, #tpu.memory_space<hbm>>
      tpu.wait_indirect_dma semaphore(%arg14 : memref<!tpu.dma_semaphore, #tpu.memory_space<semaphore_mem>>) src(%dma_wait3A_247 : memref<10240x128xf32, #tpu.memory_space<hbm>>) dst(%arg11 : memref<128x128xf32, #tpu.memory_space<vmem>>)
      %run_scoped3A_248 = arith.constant 0 : i32
      "tpu.region"() ({
        %run_scoped3A_347 = tpu.sem_alloc : memref<!tpu.dma_semaphore, #tpu.memory_space<semaphore_mem>>
        %dma_start3A_348 = arith.constant 0 : i32
        %dma_start3A_349 = tpu.memref_slice %arg10[%run_scoped3A_248, %dma_start3A_348] : memref<8x128xi32, #tpu.memory_space<vmem>> -> memref<1x128xi32, #tpu.memory_space<vmem>>
        %dma_start3A_350 = tpu.memref_squeeze %dma_start3A_349 : memref<1x128xi32, #tpu.memory_space<vmem>> -> memref<128xi32, #tpu.memory_space<vmem>>
        %dma_start3A_351 = arith.constant 0 : i32
        %dma_start3A_352 = arith.constant 0 : i32
        %dma_start3A_353 = tpu.memref_slice %arg13[%dma_start3A_351, %dma_start3A_352] : memref<10240x128xf32, #tpu.memory_space<vmem_shared>> -> memref<10240x128xf32, #tpu.memory_space<vmem_shared>>
        tpu.enqueue_indirect_dma source(%arg11 : memref<128x128xf32, #tpu.memory_space<vmem>>) target(%dma_start3A_353 : memref<10240x128xf32, #tpu.memory_space<vmem_shared>>) offsets(%dma_start3A_350 : memref<128xi32, #tpu.memory_space<vmem>>) semaphore(%run_scoped3A_347 : memref<!tpu.dma_semaphore, #tpu.memory_space<semaphore_mem>>) {add = true}
        %dma_wait3A_354 = arith.constant 0 : i32
        %dma_wait3A_355 = tpu.memref_slice %arg10[%run_scoped3A_248, %dma_wait3A_354] : memref<8x128xi32, #tpu.memory_space<vmem>> -> memref<1x128xi32, #tpu.memory_space<vmem>>
        %dma_wait3A_356 = tpu.memref_squeeze %dma_wait3A_355 : memref<1x128xi32, #tpu.memory_space<vmem>> -> memref<128xi32, #tpu.memory_space<vmem>>
        %dma_wait3A_357 = arith.constant 0 : i32
        %dma_wait3A_358 = arith.constant 0 : i32
        %dma_wait3A_359 = tpu.memref_slice %arg13[%dma_wait3A_357, %dma_wait3A_358] : memref<10240x128xf32, #tpu.memory_space<vmem_shared>> -> memref<10240x128xf32, #tpu.memory_space<vmem_shared>>
        tpu.wait_indirect_dma semaphore(%run_scoped3A_347 : memref<!tpu.dma_semaphore, #tpu.memory_space<semaphore_mem>>) src(%arg11 : memref<128x128xf32, #tpu.memory_space<vmem>>) dst(%dma_wait3A_359 : memref<10240x128xf32, #tpu.memory_space<vmem_shared>>)
        tpu.yield
      }) : () -> ()
      %dma_start3A_249 = arith.constant 2 : i32
      %dma_start3A_250 = arith.constant 0 : i32
      %dma_start3A_251 = tpu.memref_slice %arg8[%dma_start3A_249, %dma_start3A_250] : memref<8x128xi32, #tpu.memory_space<vmem>> -> memref<1x128xi32, #tpu.memory_space<vmem>>
      %dma_start3A_252 = tpu.memref_squeeze %dma_start3A_251 : memref<1x128xi32, #tpu.memory_space<vmem>> -> memref<128xi32, #tpu.memory_space<vmem>>
      %dma_start3A_253 = arith.constant 0 : i32
      %dma_start3A_254 = arith.constant 0 : i32
      %dma_start3A_255 = tpu.memref_slice %arg2[%dma_start3A_253, %dma_start3A_254] : memref<10240x128xf32, #tpu.memory_space<hbm>> -> memref<10240x128xf32, #tpu.memory_space<hbm>>
      tpu.enqueue_indirect_dma source(%dma_start3A_255 : memref<10240x128xf32, #tpu.memory_space<hbm>>) target(%arg11 : memref<128x128xf32, #tpu.memory_space<vmem>>) offsets(%dma_start3A_252 : memref<128xi32, #tpu.memory_space<vmem>>) semaphore(%arg14 : memref<!tpu.dma_semaphore, #tpu.memory_space<semaphore_mem>>)
      %dma_wait3A_256 = arith.constant 1 : i32
      %dma_wait3A_257 = arith.constant 0 : i32
      %dma_wait3A_258 = tpu.memref_slice %arg8[%dma_wait3A_256, %dma_wait3A_257] : memref<8x128xi32, #tpu.memory_space<vmem>> -> memref<1x128xi32, #tpu.memory_space<vmem>>
      %dma_wait3A_259 = tpu.memref_squeeze %dma_wait3A_258 : memref<1x128xi32, #tpu.memory_space<vmem>> -> memref<128xi32, #tpu.memory_space<vmem>>
      %dma_wait3A_260 = arith.constant 0 : i32
      %dma_wait3A_261 = arith.constant 0 : i32
      %dma_wait3A_262 = tpu.memref_slice %arg2[%dma_wait3A_260, %dma_wait3A_261] : memref<10240x128xf32, #tpu.memory_space<hbm>> -> memref<10240x128xf32, #tpu.memory_space<hbm>>
      tpu.wait_indirect_dma semaphore(%arg15 : memref<!tpu.dma_semaphore, #tpu.memory_space<semaphore_mem>>) src(%dma_wait3A_262 : memref<10240x128xf32, #tpu.memory_space<hbm>>) dst(%arg12 : memref<128x128xf32, #tpu.memory_space<vmem>>)
      %run_scoped3A_263 = arith.constant 1 : i32
      "tpu.region"() ({
        %run_scoped3A_347 = tpu.sem_alloc : memref<!tpu.dma_semaphore, #tpu.memory_space<semaphore_mem>>
        %dma_start3A_348 = arith.constant 0 : i32
        %dma_start3A_349 = tpu.memref_slice %arg10[%run_scoped3A_263, %dma_start3A_348] : memref<8x128xi32, #tpu.memory_space<vmem>> -> memref<1x128xi32, #tpu.memory_space<vmem>>
        %dma_start3A_350 = tpu.memref_squeeze %dma_start3A_349 : memref<1x128xi32, #tpu.memory_space<vmem>> -> memref<128xi32, #tpu.memory_space<vmem>>
        %dma_start3A_351 = arith.constant 0 : i32
        %dma_start3A_352 = arith.constant 0 : i32
        %dma_start3A_353 = tpu.memref_slice %arg13[%dma_start3A_351, %dma_start3A_352] : memref<10240x128xf32, #tpu.memory_space<vmem_shared>> -> memref<10240x128xf32, #tpu.memory_space<vmem_shared>>
        tpu.enqueue_indirect_dma source(%arg12 : memref<128x128xf32, #tpu.memory_space<vmem>>) target(%dma_start3A_353 : memref<10240x128xf32, #tpu.memory_space<vmem_shared>>) offsets(%dma_start3A_350 : memref<128xi32, #tpu.memory_space<vmem>>) semaphore(%run_scoped3A_347 : memref<!tpu.dma_semaphore, #tpu.memory_space<semaphore_mem>>) {add = true}
        %dma_wait3A_354 = arith.constant 0 : i32
        %dma_wait3A_355 = tpu.memref_slice %arg10[%run_scoped3A_263, %dma_wait3A_354] : memref<8x128xi32, #tpu.memory_space<vmem>> -> memref<1x128xi32, #tpu.memory_space<vmem>>
        %dma_wait3A_356 = tpu.memref_squeeze %dma_wait3A_355 : memref<1x128xi32, #tpu.memory_space<vmem>> -> memref<128xi32, #tpu.memory_space<vmem>>
        %dma_wait3A_357 = arith.constant 0 : i32
        %dma_wait3A_358 = arith.constant 0 : i32
        %dma_wait3A_359 = tpu.memref_slice %arg13[%dma_wait3A_357, %dma_wait3A_358] : memref<10240x128xf32, #tpu.memory_space<vmem_shared>> -> memref<10240x128xf32, #tpu.memory_space<vmem_shared>>
        tpu.wait_indirect_dma semaphore(%run_scoped3A_347 : memref<!tpu.dma_semaphore, #tpu.memory_space<semaphore_mem>>) src(%arg12 : memref<128x128xf32, #tpu.memory_space<vmem>>) dst(%dma_wait3A_359 : memref<10240x128xf32, #tpu.memory_space<vmem_shared>>)
        tpu.yield
      }) : () -> ()
      %dma_start3A_264 = arith.constant 3 : i32
      %dma_start3A_265 = arith.constant 0 : i32
      %dma_start3A_266 = tpu.memref_slice %arg8[%dma_start3A_264, %dma_start3A_265] : memref<8x128xi32, #tpu.memory_space<vmem>> -> memref<1x128xi32, #tpu.memory_space<vmem>>
      %dma_start3A_267 = tpu.memref_squeeze %dma_start3A_266 : memref<1x128xi32, #tpu.memory_space<vmem>> -> memref<128xi32, #tpu.memory_space<vmem>>
      %dma_start3A_268 = arith.constant 0 : i32
      %dma_start3A_269 = arith.constant 0 : i32
      %dma_start3A_270 = tpu.memref_slice %arg2[%dma_start3A_268, %dma_start3A_269] : memref<10240x128xf32, #tpu.memory_space<hbm>> -> memref<10240x128xf32, #tpu.memory_space<hbm>>
      tpu.enqueue_indirect_dma source(%dma_start3A_270 : memref<10240x128xf32, #tpu.memory_space<hbm>>) target(%arg12 : memref<128x128xf32, #tpu.memory_space<vmem>>) offsets(%dma_start3A_267 : memref<128xi32, #tpu.memory_space<vmem>>) semaphore(%arg15 : memref<!tpu.dma_semaphore, #tpu.memory_space<semaphore_mem>>)
      %dma_wait3A_271 = arith.constant 2 : i32
      %dma_wait3A_272 = arith.constant 0 : i32
      %dma_wait3A_273 = tpu.memref_slice %arg8[%dma_wait3A_271, %dma_wait3A_272] : memref<8x128xi32, #tpu.memory_space<vmem>> -> memref<1x128xi32, #tpu.memory_space<vmem>>
      %dma_wait3A_274 = tpu.memref_squeeze %dma_wait3A_273 : memref<1x128xi32, #tpu.memory_space<vmem>> -> memref<128xi32, #tpu.memory_space<vmem>>
      %dma_wait3A_275 = arith.constant 0 : i32
      %dma_wait3A_276 = arith.constant 0 : i32
      %dma_wait3A_277 = tpu.memref_slice %arg2[%dma_wait3A_275, %dma_wait3A_276] : memref<10240x128xf32, #tpu.memory_space<hbm>> -> memref<10240x128xf32, #tpu.memory_space<hbm>>
      tpu.wait_indirect_dma semaphore(%arg14 : memref<!tpu.dma_semaphore, #tpu.memory_space<semaphore_mem>>) src(%dma_wait3A_277 : memref<10240x128xf32, #tpu.memory_space<hbm>>) dst(%arg11 : memref<128x128xf32, #tpu.memory_space<vmem>>)
      %run_scoped3A_278 = arith.constant 2 : i32
      "tpu.region"() ({
        %run_scoped3A_347 = tpu.sem_alloc : memref<!tpu.dma_semaphore, #tpu.memory_space<semaphore_mem>>
        %dma_start3A_348 = arith.constant 0 : i32
        %dma_start3A_349 = tpu.memref_slice %arg10[%run_scoped3A_278, %dma_start3A_348] : memref<8x128xi32, #tpu.memory_space<vmem>> -> memref<1x128xi32, #tpu.memory_space<vmem>>
        %dma_start3A_350 = tpu.memref_squeeze %dma_start3A_349 : memref<1x128xi32, #tpu.memory_space<vmem>> -> memref<128xi32, #tpu.memory_space<vmem>>
        %dma_start3A_351 = arith.constant 0 : i32
        %dma_start3A_352 = arith.constant 0 : i32
        %dma_start3A_353 = tpu.memref_slice %arg13[%dma_start3A_351, %dma_start3A_352] : memref<10240x128xf32, #tpu.memory_space<vmem_shared>> -> memref<10240x128xf32, #tpu.memory_space<vmem_shared>>
        tpu.enqueue_indirect_dma source(%arg11 : memref<128x128xf32, #tpu.memory_space<vmem>>) target(%dma_start3A_353 : memref<10240x128xf32, #tpu.memory_space<vmem_shared>>) offsets(%dma_start3A_350 : memref<128xi32, #tpu.memory_space<vmem>>) semaphore(%run_scoped3A_347 : memref<!tpu.dma_semaphore, #tpu.memory_space<semaphore_mem>>) {add = true}
        %dma_wait3A_354 = arith.constant 0 : i32
        %dma_wait3A_355 = tpu.memref_slice %arg10[%run_scoped3A_278, %dma_wait3A_354] : memref<8x128xi32, #tpu.memory_space<vmem>> -> memref<1x128xi32, #tpu.memory_space<vmem>>
        %dma_wait3A_356 = tpu.memref_squeeze %dma_wait3A_355 : memref<1x128xi32, #tpu.memory_space<vmem>> -> memref<128xi32, #tpu.memory_space<vmem>>
        %dma_wait3A_357 = arith.constant 0 : i32
        %dma_wait3A_358 = arith.constant 0 : i32
        %dma_wait3A_359 = tpu.memref_slice %arg13[%dma_wait3A_357, %dma_wait3A_358] : memref<10240x128xf32, #tpu.memory_space<vmem_shared>> -> memref<10240x128xf32, #tpu.memory_space<vmem_shared>>
        tpu.wait_indirect_dma semaphore(%run_scoped3A_347 : memref<!tpu.dma_semaphore, #tpu.memory_space<semaphore_mem>>) src(%arg11 : memref<128x128xf32, #tpu.memory_space<vmem>>) dst(%dma_wait3A_359 : memref<10240x128xf32, #tpu.memory_space<vmem_shared>>)
        tpu.yield
      }) : () -> ()
      %dma_start3A_279 = arith.constant 4 : i32
      %dma_start3A_280 = arith.constant 0 : i32
      %dma_start3A_281 = tpu.memref_slice %arg8[%dma_start3A_279, %dma_start3A_280] : memref<8x128xi32, #tpu.memory_space<vmem>> -> memref<1x128xi32, #tpu.memory_space<vmem>>
      %dma_start3A_282 = tpu.memref_squeeze %dma_start3A_281 : memref<1x128xi32, #tpu.memory_space<vmem>> -> memref<128xi32, #tpu.memory_space<vmem>>
      %dma_start3A_283 = arith.constant 0 : i32
      %dma_start3A_284 = arith.constant 0 : i32
      %dma_start3A_285 = tpu.memref_slice %arg2[%dma_start3A_283, %dma_start3A_284] : memref<10240x128xf32, #tpu.memory_space<hbm>> -> memref<10240x128xf32, #tpu.memory_space<hbm>>
      tpu.enqueue_indirect_dma source(%dma_start3A_285 : memref<10240x128xf32, #tpu.memory_space<hbm>>) target(%arg11 : memref<128x128xf32, #tpu.memory_space<vmem>>) offsets(%dma_start3A_282 : memref<128xi32, #tpu.memory_space<vmem>>) semaphore(%arg14 : memref<!tpu.dma_semaphore, #tpu.memory_space<semaphore_mem>>)
      %dma_wait3A_286 = arith.constant 3 : i32
      %dma_wait3A_287 = arith.constant 0 : i32
      %dma_wait3A_288 = tpu.memref_slice %arg8[%dma_wait3A_286, %dma_wait3A_287] : memref<8x128xi32, #tpu.memory_space<vmem>> -> memref<1x128xi32, #tpu.memory_space<vmem>>
      %dma_wait3A_289 = tpu.memref_squeeze %dma_wait3A_288 : memref<1x128xi32, #tpu.memory_space<vmem>> -> memref<128xi32, #tpu.memory_space<vmem>>
      %dma_wait3A_290 = arith.constant 0 : i32
      %dma_wait3A_291 = arith.constant 0 : i32
      %dma_wait3A_292 = tpu.memref_slice %arg2[%dma_wait3A_290, %dma_wait3A_291] : memref<10240x128xf32, #tpu.memory_space<hbm>> -> memref<10240x128xf32, #tpu.memory_space<hbm>>
      tpu.wait_indirect_dma semaphore(%arg15 : memref<!tpu.dma_semaphore, #tpu.memory_space<semaphore_mem>>) src(%dma_wait3A_292 : memref<10240x128xf32, #tpu.memory_space<hbm>>) dst(%arg12 : memref<128x128xf32, #tpu.memory_space<vmem>>)
      %run_scoped3A_293 = arith.constant 3 : i32
      "tpu.region"() ({
        %run_scoped3A_347 = tpu.sem_alloc : memref<!tpu.dma_semaphore, #tpu.memory_space<semaphore_mem>>
        %dma_start3A_348 = arith.constant 0 : i32
        %dma_start3A_349 = tpu.memref_slice %arg10[%run_scoped3A_293, %dma_start3A_348] : memref<8x128xi32, #tpu.memory_space<vmem>> -> memref<1x128xi32, #tpu.memory_space<vmem>>
        %dma_start3A_350 = tpu.memref_squeeze %dma_start3A_349 : memref<1x128xi32, #tpu.memory_space<vmem>> -> memref<128xi32, #tpu.memory_space<vmem>>
        %dma_start3A_351 = arith.constant 0 : i32
        %dma_start3A_352 = arith.constant 0 : i32
        %dma_start3A_353 = tpu.memref_slice %arg13[%dma_start3A_351, %dma_start3A_352] : memref<10240x128xf32, #tpu.memory_space<vmem_shared>> -> memref<10240x128xf32, #tpu.memory_space<vmem_shared>>
        tpu.enqueue_indirect_dma source(%arg12 : memref<128x128xf32, #tpu.memory_space<vmem>>) target(%dma_start3A_353 : memref<10240x128xf32, #tpu.memory_space<vmem_shared>>) offsets(%dma_start3A_350 : memref<128xi32, #tpu.memory_space<vmem>>) semaphore(%run_scoped3A_347 : memref<!tpu.dma_semaphore, #tpu.memory_space<semaphore_mem>>) {add = true}
        %dma_wait3A_354 = arith.constant 0 : i32
        %dma_wait3A_355 = tpu.memref_slice %arg10[%run_scoped3A_293, %dma_wait3A_354] : memref<8x128xi32, #tpu.memory_space<vmem>> -> memref<1x128xi32, #tpu.memory_space<vmem>>
        %dma_wait3A_356 = tpu.memref_squeeze %dma_wait3A_355 : memref<1x128xi32, #tpu.memory_space<vmem>> -> memref<128xi32, #tpu.memory_space<vmem>>
        %dma_wait3A_357 = arith.constant 0 : i32
        %dma_wait3A_358 = arith.constant 0 : i32
        %dma_wait3A_359 = tpu.memref_slice %arg13[%dma_wait3A_357, %dma_wait3A_358] : memref<10240x128xf32, #tpu.memory_space<vmem_shared>> -> memref<10240x128xf32, #tpu.memory_space<vmem_shared>>
        tpu.wait_indirect_dma semaphore(%run_scoped3A_347 : memref<!tpu.dma_semaphore, #tpu.memory_space<semaphore_mem>>) src(%arg12 : memref<128x128xf32, #tpu.memory_space<vmem>>) dst(%dma_wait3A_359 : memref<10240x128xf32, #tpu.memory_space<vmem_shared>>)
        tpu.yield
      }) : () -> ()
      %dma_start3A_294 = arith.constant 5 : i32
      %dma_start3A_295 = arith.constant 0 : i32
      %dma_start3A_296 = tpu.memref_slice %arg8[%dma_start3A_294, %dma_start3A_295] : memref<8x128xi32, #tpu.memory_space<vmem>> -> memref<1x128xi32, #tpu.memory_space<vmem>>
      %dma_start3A_297 = tpu.memref_squeeze %dma_start3A_296 : memref<1x128xi32, #tpu.memory_space<vmem>> -> memref<128xi32, #tpu.memory_space<vmem>>
      %dma_start3A_298 = arith.constant 0 : i32
      %dma_start3A_299 = arith.constant 0 : i32
      %dma_start3A_300 = tpu.memref_slice %arg2[%dma_start3A_298, %dma_start3A_299] : memref<10240x128xf32, #tpu.memory_space<hbm>> -> memref<10240x128xf32, #tpu.memory_space<hbm>>
      tpu.enqueue_indirect_dma source(%dma_start3A_300 : memref<10240x128xf32, #tpu.memory_space<hbm>>) target(%arg12 : memref<128x128xf32, #tpu.memory_space<vmem>>) offsets(%dma_start3A_297 : memref<128xi32, #tpu.memory_space<vmem>>) semaphore(%arg15 : memref<!tpu.dma_semaphore, #tpu.memory_space<semaphore_mem>>)
      %dma_wait3A_301 = arith.constant 4 : i32
      %dma_wait3A_302 = arith.constant 0 : i32
      %dma_wait3A_303 = tpu.memref_slice %arg8[%dma_wait3A_301, %dma_wait3A_302] : memref<8x128xi32, #tpu.memory_space<vmem>> -> memref<1x128xi32, #tpu.memory_space<vmem>>
      %dma_wait3A_304 = tpu.memref_squeeze %dma_wait3A_303 : memref<1x128xi32, #tpu.memory_space<vmem>> -> memref<128xi32, #tpu.memory_space<vmem>>
      %dma_wait3A_305 = arith.constant 0 : i32
      %dma_wait3A_306 = arith.constant 0 : i32
      %dma_wait3A_307 = tpu.memref_slice %arg2[%dma_wait3A_305, %dma_wait3A_306] : memref<10240x128xf32, #tpu.memory_space<hbm>> -> memref<10240x128xf32, #tpu.memory_space<hbm>>
      tpu.wait_indirect_dma semaphore(%arg14 : memref<!tpu.dma_semaphore, #tpu.memory_space<semaphore_mem>>) src(%dma_wait3A_307 : memref<10240x128xf32, #tpu.memory_space<hbm>>) dst(%arg11 : memref<128x128xf32, #tpu.memory_space<vmem>>)
      %run_scoped3A_308 = arith.constant 4 : i32
      "tpu.region"() ({
        %run_scoped3A_347 = tpu.sem_alloc : memref<!tpu.dma_semaphore, #tpu.memory_space<semaphore_mem>>
        %dma_start3A_348 = arith.constant 0 : i32
        %dma_start3A_349 = tpu.memref_slice %arg10[%run_scoped3A_308, %dma_start3A_348] : memref<8x128xi32, #tpu.memory_space<vmem>> -> memref<1x128xi32, #tpu.memory_space<vmem>>
        %dma_start3A_350 = tpu.memref_squeeze %dma_start3A_349 : memref<1x128xi32, #tpu.memory_space<vmem>> -> memref<128xi32, #tpu.memory_space<vmem>>
        %dma_start3A_351 = arith.constant 0 : i32
        %dma_start3A_352 = arith.constant 0 : i32
        %dma_start3A_353 = tpu.memref_slice %arg13[%dma_start3A_351, %dma_start3A_352] : memref<10240x128xf32, #tpu.memory_space<vmem_shared>> -> memref<10240x128xf32, #tpu.memory_space<vmem_shared>>
        tpu.enqueue_indirect_dma source(%arg11 : memref<128x128xf32, #tpu.memory_space<vmem>>) target(%dma_start3A_353 : memref<10240x128xf32, #tpu.memory_space<vmem_shared>>) offsets(%dma_start3A_350 : memref<128xi32, #tpu.memory_space<vmem>>) semaphore(%run_scoped3A_347 : memref<!tpu.dma_semaphore, #tpu.memory_space<semaphore_mem>>) {add = true}
        %dma_wait3A_354 = arith.constant 0 : i32
        %dma_wait3A_355 = tpu.memref_slice %arg10[%run_scoped3A_308, %dma_wait3A_354] : memref<8x128xi32, #tpu.memory_space<vmem>> -> memref<1x128xi32, #tpu.memory_space<vmem>>
        %dma_wait3A_356 = tpu.memref_squeeze %dma_wait3A_355 : memref<1x128xi32, #tpu.memory_space<vmem>> -> memref<128xi32, #tpu.memory_space<vmem>>
        %dma_wait3A_357 = arith.constant 0 : i32
        %dma_wait3A_358 = arith.constant 0 : i32
        %dma_wait3A_359 = tpu.memref_slice %arg13[%dma_wait3A_357, %dma_wait3A_358] : memref<10240x128xf32, #tpu.memory_space<vmem_shared>> -> memref<10240x128xf32, #tpu.memory_space<vmem_shared>>
        tpu.wait_indirect_dma semaphore(%run_scoped3A_347 : memref<!tpu.dma_semaphore, #tpu.memory_space<semaphore_mem>>) src(%arg11 : memref<128x128xf32, #tpu.memory_space<vmem>>) dst(%dma_wait3A_359 : memref<10240x128xf32, #tpu.memory_space<vmem_shared>>)
        tpu.yield
      }) : () -> ()
      %dma_start3A_309 = arith.constant 6 : i32
      %dma_start3A_310 = arith.constant 0 : i32
      %dma_start3A_311 = tpu.memref_slice %arg8[%dma_start3A_309, %dma_start3A_310] : memref<8x128xi32, #tpu.memory_space<vmem>> -> memref<1x128xi32, #tpu.memory_space<vmem>>
      %dma_start3A_312 = tpu.memref_squeeze %dma_start3A_311 : memref<1x128xi32, #tpu.memory_space<vmem>> -> memref<128xi32, #tpu.memory_space<vmem>>
      %dma_start3A_313 = arith.constant 0 : i32
      %dma_start3A_314 = arith.constant 0 : i32
      %dma_start3A_315 = tpu.memref_slice %arg2[%dma_start3A_313, %dma_start3A_314] : memref<10240x128xf32, #tpu.memory_space<hbm>> -> memref<10240x128xf32, #tpu.memory_space<hbm>>
      tpu.enqueue_indirect_dma source(%dma_start3A_315 : memref<10240x128xf32, #tpu.memory_space<hbm>>) target(%arg11 : memref<128x128xf32, #tpu.memory_space<vmem>>) offsets(%dma_start3A_312 : memref<128xi32, #tpu.memory_space<vmem>>) semaphore(%arg14 : memref<!tpu.dma_semaphore, #tpu.memory_space<semaphore_mem>>)
      %dma_wait3A_316 = arith.constant 5 : i32
      %dma_wait3A_317 = arith.constant 0 : i32
      %dma_wait3A_318 = tpu.memref_slice %arg8[%dma_wait3A_316, %dma_wait3A_317] : memref<8x128xi32, #tpu.memory_space<vmem>> -> memref<1x128xi32, #tpu.memory_space<vmem>>
      %dma_wait3A_319 = tpu.memref_squeeze %dma_wait3A_318 : memref<1x128xi32, #tpu.memory_space<vmem>> -> memref<128xi32, #tpu.memory_space<vmem>>
      %dma_wait3A_320 = arith.constant 0 : i32
      %dma_wait3A_321 = arith.constant 0 : i32
      %dma_wait3A_322 = tpu.memref_slice %arg2[%dma_wait3A_320, %dma_wait3A_321] : memref<10240x128xf32, #tpu.memory_space<hbm>> -> memref<10240x128xf32, #tpu.memory_space<hbm>>
      tpu.wait_indirect_dma semaphore(%arg15 : memref<!tpu.dma_semaphore, #tpu.memory_space<semaphore_mem>>) src(%dma_wait3A_322 : memref<10240x128xf32, #tpu.memory_space<hbm>>) dst(%arg12 : memref<128x128xf32, #tpu.memory_space<vmem>>)
      %run_scoped3A_323 = arith.constant 5 : i32
      "tpu.region"() ({
        %run_scoped3A_347 = tpu.sem_alloc : memref<!tpu.dma_semaphore, #tpu.memory_space<semaphore_mem>>
        %dma_start3A_348 = arith.constant 0 : i32
        %dma_start3A_349 = tpu.memref_slice %arg10[%run_scoped3A_323, %dma_start3A_348] : memref<8x128xi32, #tpu.memory_space<vmem>> -> memref<1x128xi32, #tpu.memory_space<vmem>>
        %dma_start3A_350 = tpu.memref_squeeze %dma_start3A_349 : memref<1x128xi32, #tpu.memory_space<vmem>> -> memref<128xi32, #tpu.memory_space<vmem>>
        %dma_start3A_351 = arith.constant 0 : i32
        %dma_start3A_352 = arith.constant 0 : i32
        %dma_start3A_353 = tpu.memref_slice %arg13[%dma_start3A_351, %dma_start3A_352] : memref<10240x128xf32, #tpu.memory_space<vmem_shared>> -> memref<10240x128xf32, #tpu.memory_space<vmem_shared>>
        tpu.enqueue_indirect_dma source(%arg12 : memref<128x128xf32, #tpu.memory_space<vmem>>) target(%dma_start3A_353 : memref<10240x128xf32, #tpu.memory_space<vmem_shared>>) offsets(%dma_start3A_350 : memref<128xi32, #tpu.memory_space<vmem>>) semaphore(%run_scoped3A_347 : memref<!tpu.dma_semaphore, #tpu.memory_space<semaphore_mem>>) {add = true}
        %dma_wait3A_354 = arith.constant 0 : i32
        %dma_wait3A_355 = tpu.memref_slice %arg10[%run_scoped3A_323, %dma_wait3A_354] : memref<8x128xi32, #tpu.memory_space<vmem>> -> memref<1x128xi32, #tpu.memory_space<vmem>>
        %dma_wait3A_356 = tpu.memref_squeeze %dma_wait3A_355 : memref<1x128xi32, #tpu.memory_space<vmem>> -> memref<128xi32, #tpu.memory_space<vmem>>
        %dma_wait3A_357 = arith.constant 0 : i32
        %dma_wait3A_358 = arith.constant 0 : i32
        %dma_wait3A_359 = tpu.memref_slice %arg13[%dma_wait3A_357, %dma_wait3A_358] : memref<10240x128xf32, #tpu.memory_space<vmem_shared>> -> memref<10240x128xf32, #tpu.memory_space<vmem_shared>>
        tpu.wait_indirect_dma semaphore(%run_scoped3A_347 : memref<!tpu.dma_semaphore, #tpu.memory_space<semaphore_mem>>) src(%arg12 : memref<128x128xf32, #tpu.memory_space<vmem>>) dst(%dma_wait3A_359 : memref<10240x128xf32, #tpu.memory_space<vmem_shared>>)
        tpu.yield
      }) : () -> ()
      %dma_start3A_324 = arith.constant 7 : i32
      %dma_start3A_325 = arith.constant 0 : i32
      %dma_start3A_326 = tpu.memref_slice %arg8[%dma_start3A_324, %dma_start3A_325] : memref<8x128xi32, #tpu.memory_space<vmem>> -> memref<1x128xi32, #tpu.memory_space<vmem>>
      %dma_start3A_327 = tpu.memref_squeeze %dma_start3A_326 : memref<1x128xi32, #tpu.memory_space<vmem>> -> memref<128xi32, #tpu.memory_space<vmem>>
      %dma_start3A_328 = arith.constant 0 : i32
      %dma_start3A_329 = arith.constant 0 : i32
      %dma_start3A_330 = tpu.memref_slice %arg2[%dma_start3A_328, %dma_start3A_329] : memref<10240x128xf32, #tpu.memory_space<hbm>> -> memref<10240x128xf32, #tpu.memory_space<hbm>>
      tpu.enqueue_indirect_dma source(%dma_start3A_330 : memref<10240x128xf32, #tpu.memory_space<hbm>>) target(%arg12 : memref<128x128xf32, #tpu.memory_space<vmem>>) offsets(%dma_start3A_327 : memref<128xi32, #tpu.memory_space<vmem>>) semaphore(%arg15 : memref<!tpu.dma_semaphore, #tpu.memory_space<semaphore_mem>>)
      %dma_wait3A_331 = arith.constant 6 : i32
      %dma_wait3A_332 = arith.constant 0 : i32
      %dma_wait3A_333 = tpu.memref_slice %arg8[%dma_wait3A_331, %dma_wait3A_332] : memref<8x128xi32, #tpu.memory_space<vmem>> -> memref<1x128xi32, #tpu.memory_space<vmem>>
      %dma_wait3A_334 = tpu.memref_squeeze %dma_wait3A_333 : memref<1x128xi32, #tpu.memory_space<vmem>> -> memref<128xi32, #tpu.memory_space<vmem>>
      %dma_wait3A_335 = arith.constant 0 : i32
      %dma_wait3A_336 = arith.constant 0 : i32
      %dma_wait3A_337 = tpu.memref_slice %arg2[%dma_wait3A_335, %dma_wait3A_336] : memref<10240x128xf32, #tpu.memory_space<hbm>> -> memref<10240x128xf32, #tpu.memory_space<hbm>>
      tpu.wait_indirect_dma semaphore(%arg14 : memref<!tpu.dma_semaphore, #tpu.memory_space<semaphore_mem>>) src(%dma_wait3A_337 : memref<10240x128xf32, #tpu.memory_space<hbm>>) dst(%arg11 : memref<128x128xf32, #tpu.memory_space<vmem>>)
      %run_scoped3A_338 = arith.constant 6 : i32
      "tpu.region"() ({
        %run_scoped3A_347 = tpu.sem_alloc : memref<!tpu.dma_semaphore, #tpu.memory_space<semaphore_mem>>
        %dma_start3A_348 = arith.constant 0 : i32
        %dma_start3A_349 = tpu.memref_slice %arg10[%run_scoped3A_338, %dma_start3A_348] : memref<8x128xi32, #tpu.memory_space<vmem>> -> memref<1x128xi32, #tpu.memory_space<vmem>>
        %dma_start3A_350 = tpu.memref_squeeze %dma_start3A_349 : memref<1x128xi32, #tpu.memory_space<vmem>> -> memref<128xi32, #tpu.memory_space<vmem>>
        %dma_start3A_351 = arith.constant 0 : i32
        %dma_start3A_352 = arith.constant 0 : i32
        %dma_start3A_353 = tpu.memref_slice %arg13[%dma_start3A_351, %dma_start3A_352] : memref<10240x128xf32, #tpu.memory_space<vmem_shared>> -> memref<10240x128xf32, #tpu.memory_space<vmem_shared>>
        tpu.enqueue_indirect_dma source(%arg11 : memref<128x128xf32, #tpu.memory_space<vmem>>) target(%dma_start3A_353 : memref<10240x128xf32, #tpu.memory_space<vmem_shared>>) offsets(%dma_start3A_350 : memref<128xi32, #tpu.memory_space<vmem>>) semaphore(%run_scoped3A_347 : memref<!tpu.dma_semaphore, #tpu.memory_space<semaphore_mem>>) {add = true}
        %dma_wait3A_354 = arith.constant 0 : i32
        %dma_wait3A_355 = tpu.memref_slice %arg10[%run_scoped3A_338, %dma_wait3A_354] : memref<8x128xi32, #tpu.memory_space<vmem>> -> memref<1x128xi32, #tpu.memory_space<vmem>>
        %dma_wait3A_356 = tpu.memref_squeeze %dma_wait3A_355 : memref<1x128xi32, #tpu.memory_space<vmem>> -> memref<128xi32, #tpu.memory_space<vmem>>
        %dma_wait3A_357 = arith.constant 0 : i32
        %dma_wait3A_358 = arith.constant 0 : i32
        %dma_wait3A_359 = tpu.memref_slice %arg13[%dma_wait3A_357, %dma_wait3A_358] : memref<10240x128xf32, #tpu.memory_space<vmem_shared>> -> memref<10240x128xf32, #tpu.memory_space<vmem_shared>>
        tpu.wait_indirect_dma semaphore(%run_scoped3A_347 : memref<!tpu.dma_semaphore, #tpu.memory_space<semaphore_mem>>) src(%arg11 : memref<128x128xf32, #tpu.memory_space<vmem>>) dst(%dma_wait3A_359 : memref<10240x128xf32, #tpu.memory_space<vmem_shared>>)
        tpu.yield
      }) : () -> ()
      %dma_wait3A_339 = arith.constant 7 : i32
      %dma_wait3A_340 = arith.constant 0 : i32
      %dma_wait3A_341 = tpu.memref_slice %arg8[%dma_wait3A_339, %dma_wait3A_340] : memref<8x128xi32, #tpu.memory_space<vmem>> -> memref<1x128xi32, #tpu.memory_space<vmem>>
      %dma_wait3A_342 = tpu.memref_squeeze %dma_wait3A_341 : memref<1x128xi32, #tpu.memory_space<vmem>> -> memref<128xi32, #tpu.memory_space<vmem>>
      %dma_wait3A_343 = arith.constant 0 : i32
      %dma_wait3A_344 = arith.constant 0 : i32
      %dma_wait3A_345 = tpu.memref_slice %arg2[%dma_wait3A_343, %dma_wait3A_344] : memref<10240x128xf32, #tpu.memory_space<hbm>> -> memref<10240x128xf32, #tpu.memory_space<hbm>>
      tpu.wait_indirect_dma semaphore(%arg15 : memref<!tpu.dma_semaphore, #tpu.memory_space<semaphore_mem>>) src(%dma_wait3A_345 : memref<10240x128xf32, #tpu.memory_space<hbm>>) dst(%arg12 : memref<128x128xf32, #tpu.memory_space<vmem>>)
      %run_scoped3A_346 = arith.constant 7 : i32
      "tpu.region"() ({
        %run_scoped3A_347 = tpu.sem_alloc : memref<!tpu.dma_semaphore, #tpu.memory_space<semaphore_mem>>
        %dma_start3A_348 = arith.constant 0 : i32
        %dma_start3A_349 = tpu.memref_slice %arg10[%run_scoped3A_346, %dma_start3A_348] : memref<8x128xi32, #tpu.memory_space<vmem>> -> memref<1x128xi32, #tpu.memory_space<vmem>>
        %dma_start3A_350 = tpu.memref_squeeze %dma_start3A_349 : memref<1x128xi32, #tpu.memory_space<vmem>> -> memref<128xi32, #tpu.memory_space<vmem>>
        %dma_start3A_351 = arith.constant 0 : i32
        %dma_start3A_352 = arith.constant 0 : i32
        %dma_start3A_353 = tpu.memref_slice %arg13[%dma_start3A_351, %dma_start3A_352] : memref<10240x128xf32, #tpu.memory_space<vmem_shared>> -> memref<10240x128xf32, #tpu.memory_space<vmem_shared>>
        tpu.enqueue_indirect_dma source(%arg12 : memref<128x128xf32, #tpu.memory_space<vmem>>) target(%dma_start3A_353 : memref<10240x128xf32, #tpu.memory_space<vmem_shared>>) offsets(%dma_start3A_350 : memref<128xi32, #tpu.memory_space<vmem>>) semaphore(%run_scoped3A_347 : memref<!tpu.dma_semaphore, #tpu.memory_space<semaphore_mem>>) {add = true}
        %dma_wait3A_354 = arith.constant 0 : i32
        %dma_wait3A_355 = tpu.memref_slice %arg10[%run_scoped3A_346, %dma_wait3A_354] : memref<8x128xi32, #tpu.memory_space<vmem>> -> memref<1x128xi32, #tpu.memory_space<vmem>>
        %dma_wait3A_356 = tpu.memref_squeeze %dma_wait3A_355 : memref<1x128xi32, #tpu.memory_space<vmem>> -> memref<128xi32, #tpu.memory_space<vmem>>
        %dma_wait3A_357 = arith.constant 0 : i32
        %dma_wait3A_358 = arith.constant 0 : i32
        %dma_wait3A_359 = tpu.memref_slice %arg13[%dma_wait3A_357, %dma_wait3A_358] : memref<10240x128xf32, #tpu.memory_space<vmem_shared>> -> memref<10240x128xf32, #tpu.memory_space<vmem_shared>>
        tpu.wait_indirect_dma semaphore(%run_scoped3A_347 : memref<!tpu.dma_semaphore, #tpu.memory_space<semaphore_mem>>) src(%arg12 : memref<128x128xf32, #tpu.memory_space<vmem>>) dst(%dma_wait3A_359 : memref<10240x128xf32, #tpu.memory_space<vmem_shared>>)
        tpu.yield
      }) : () -> ()
    }
    %scan3A_30 = arith.constant 5 : i32
    %dma_wait3A = arith.constant 0 : i32
    %dma_wait3A_31 = tpu.memref_slice %arg3[%mul3A_14, %dma_wait3A] : memref<2560x128xi32, #tpu.memory_space<hbm>> -> memref<8x128xi32, #tpu.memory_space<hbm>>
    %dma_wait3A_32 = arith.constant 0 : i32
    %dma_wait3A_33 = tpu.memref_slice %arg3[%mul3A_14, %dma_wait3A_32] : memref<2560x128xi32, #tpu.memory_space<hbm>> -> memref<8x128xi32, #tpu.memory_space<hbm>>
    tpu.wait_dma2 semaphore(%arg16 : memref<!tpu.dma_semaphore, #tpu.memory_space<semaphore_mem>>) src(%dma_wait3A_33 : memref<8x128xi32, #tpu.memory_space<hbm>>) dst(%arg7 : memref<8x128xi32, #tpu.memory_space<vmem>>)
    %dma_wait3A_34 = arith.constant 0 : i32
    %dma_wait3A_35 = tpu.memref_slice %arg4[%mul3A_14, %dma_wait3A_34] : memref<2560x128xi32, #tpu.memory_space<hbm>> -> memref<8x128xi32, #tpu.memory_space<hbm>>
    %dma_wait3A_36 = arith.constant 0 : i32
    %dma_wait3A_37 = tpu.memref_slice %arg4[%mul3A_14, %dma_wait3A_36] : memref<2560x128xi32, #tpu.memory_space<hbm>> -> memref<8x128xi32, #tpu.memory_space<hbm>>
    tpu.wait_dma2 semaphore(%arg16 : memref<!tpu.dma_semaphore, #tpu.memory_space<semaphore_mem>>) src(%dma_wait3A_37 : memref<8x128xi32, #tpu.memory_space<hbm>>) dst(%arg9 : memref<8x128xi32, #tpu.memory_space<vmem>>)
    %barrier3A_38 = arith.constant 0 : index
    tpu.barrier barrier_id(%barrier3A_38)
    %add3A_39 = arith.constant 0 : i32
    %add3A_40 = arith.addi %mul3A_2, %add3A_39 : i32
    "tpu.region"() ({
      %run_scoped3A = tpu.sem_alloc : memref<!tpu.dma_semaphore, #tpu.memory_space<semaphore_mem>>
      %dma_start3A_59 = arith.constant 0 : i32
      %dma_start3A_60 = tpu.memref_slice %arg13[%add3A_40, %dma_start3A_59] : memref<10240x128xf32, #tpu.memory_space<vmem_shared>> -> memref<128x128xf32, #tpu.memory_space<vmem_shared>>
      %dma_start3A_61 = arith.constant 0 : i32
      %dma_start3A_62 = tpu.memref_slice %arg13[%add3A_40, %dma_start3A_61] : memref<10240x128xf32, #tpu.memory_space<vmem_shared>> -> memref<128x128xf32, #tpu.memory_space<vmem_shared>>
      tpu.enqueue_dma source(%dma_start3A_62 : memref<128x128xf32, #tpu.memory_space<vmem_shared>>) target(%arg11 : memref<128x128xf32, #tpu.memory_space<vmem>>) target_semaphore(%run_scoped3A : memref<!tpu.dma_semaphore, #tpu.memory_space<semaphore_mem>>)
      %dma_wait3A_63 = arith.constant 0 : i32
      %dma_wait3A_64 = tpu.memref_slice %arg13[%add3A_40, %dma_wait3A_63] : memref<10240x128xf32, #tpu.memory_space<vmem_shared>> -> memref<128x128xf32, #tpu.memory_space<vmem_shared>>
      %dma_wait3A_65 = arith.constant 0 : i32
      %dma_wait3A_66 = tpu.memref_slice %arg13[%add3A_40, %dma_wait3A_65] : memref<10240x128xf32, #tpu.memory_space<vmem_shared>> -> memref<128x128xf32, #tpu.memory_space<vmem_shared>>
      tpu.wait_dma2 semaphore(%run_scoped3A : memref<!tpu.dma_semaphore, #tpu.memory_space<semaphore_mem>>) src(%dma_wait3A_66 : memref<128x128xf32, #tpu.memory_space<vmem_shared>>) dst(%arg11 : memref<128x128xf32, #tpu.memory_space<vmem>>)
      tpu.yield
    }) : () -> ()
    %add3A_41 = arith.constant 0 : i32
    %add3A_42 = arith.addi %mul3A_2, %add3A_41 : i32
    "tpu.region"() ({
      %run_scoped3A = tpu.sem_alloc : memref<!tpu.dma_semaphore, #tpu.memory_space<semaphore_mem>>
      %dma_start3A_59 = arith.constant 0 : i32
      %dma_start3A_60 = tpu.memref_slice %arg6[%arg0, %add3A_42, %dma_start3A_59] : memref<2x10240x128xf32, #tpu.memory_space<hbm>> -> memref<1x128x128xf32, #tpu.memory_space<hbm>>
      %dma_start3A_61 = tpu.memref_squeeze %dma_start3A_60 : memref<1x128x128xf32, #tpu.memory_space<hbm>> -> memref<128x128xf32, #tpu.memory_space<hbm>>
      %dma_start3A_62 = arith.constant 0 : i32
      %dma_start3A_63 = tpu.memref_slice %arg6[%arg0, %add3A_42, %dma_start3A_62] : memref<2x10240x128xf32, #tpu.memory_space<hbm>> -> memref<1x128x128xf32, #tpu.memory_space<hbm>>
      %dma_start3A_64 = tpu.memref_squeeze %dma_start3A_63 : memref<1x128x128xf32, #tpu.memory_space<hbm>> -> memref<128x128xf32, #tpu.memory_space<hbm>>
      tpu.enqueue_dma source(%arg11 : memref<128x128xf32, #tpu.memory_space<vmem>>) target(%dma_start3A_64 : memref<128x128xf32, #tpu.memory_space<hbm>>) target_semaphore(%run_scoped3A : memref<!tpu.dma_semaphore, #tpu.memory_space<semaphore_mem>>)
      %dma_wait3A_65 = arith.constant 0 : i32
      %dma_wait3A_66 = tpu.memref_slice %arg6[%arg0, %add3A_42, %dma_wait3A_65] : memref<2x10240x128xf32, #tpu.memory_space<hbm>> -> memref<1x128x128xf32, #tpu.memory_space<hbm>>
      %dma_wait3A_67 = tpu.memref_squeeze %dma_wait3A_66 : memref<1x128x128xf32, #tpu.memory_space<hbm>> -> memref<128x128xf32, #tpu.memory_space<hbm>>
      %dma_wait3A_68 = arith.constant 0 : i32
      %dma_wait3A_69 = tpu.memref_slice %arg6[%arg0, %add3A_42, %dma_wait3A_68] : memref<2x10240x128xf32, #tpu.memory_space<hbm>> -> memref<1x128x128xf32, #tpu.memory_space<hbm>>
      %dma_wait3A_70 = tpu.memref_squeeze %dma_wait3A_69 : memref<1x128x128xf32, #tpu.memory_space<hbm>> -> memref<128x128xf32, #tpu.memory_space<hbm>>
      tpu.wait_dma2 semaphore(%run_scoped3A : memref<!tpu.dma_semaphore, #tpu.memory_space<semaphore_mem>>) src(%arg11 : memref<128x128xf32, #tpu.memory_space<vmem>>) dst(%dma_wait3A_70 : memref<128x128xf32, #tpu.memory_space<hbm>>)
      tpu.yield
    }) : () -> ()
    %add3A_43 = arith.constant 128 : i32
    %add3A_44 = arith.addi %mul3A_2, %add3A_43 : i32
    "tpu.region"() ({
      %run_scoped3A = tpu.sem_alloc : memref<!tpu.dma_semaphore, #tpu.memory_space<semaphore_mem>>
      %dma_start3A_59 = arith.constant 0 : i32
      %dma_start3A_60 = tpu.memref_slice %arg13[%add3A_44, %dma_start3A_59] : memref<10240x128xf32, #tpu.memory_space<vmem_shared>> -> memref<128x128xf32, #tpu.memory_space<vmem_shared>>
      %dma_start3A_61 = arith.constant 0 : i32
      %dma_start3A_62 = tpu.memref_slice %arg13[%add3A_44, %dma_start3A_61] : memref<10240x128xf32, #tpu.memory_space<vmem_shared>> -> memref<128x128xf32, #tpu.memory_space<vmem_shared>>
      tpu.enqueue_dma source(%dma_start3A_62 : memref<128x128xf32, #tpu.memory_space<vmem_shared>>) target(%arg11 : memref<128x128xf32, #tpu.memory_space<vmem>>) target_semaphore(%run_scoped3A : memref<!tpu.dma_semaphore, #tpu.memory_space<semaphore_mem>>)
      %dma_wait3A_63 = arith.constant 0 : i32
      %dma_wait3A_64 = tpu.memref_slice %arg13[%add3A_44, %dma_wait3A_63] : memref<10240x128xf32, #tpu.memory_space<vmem_shared>> -> memref<128x128xf32, #tpu.memory_space<vmem_shared>>
      %dma_wait3A_65 = arith.constant 0 : i32
      %dma_wait3A_66 = tpu.memref_slice %arg13[%add3A_44, %dma_wait3A_65] : memref<10240x128xf32, #tpu.memory_space<vmem_shared>> -> memref<128x128xf32, #tpu.memory_space<vmem_shared>>
      tpu.wait_dma2 semaphore(%run_scoped3A : memref<!tpu.dma_semaphore, #tpu.memory_space<semaphore_mem>>) src(%dma_wait3A_66 : memref<128x128xf32, #tpu.memory_space<vmem_shared>>) dst(%arg11 : memref<128x128xf32, #tpu.memory_space<vmem>>)
      tpu.yield
    }) : () -> ()
    %add3A_45 = arith.constant 128 : i32
    %add3A_46 = arith.addi %mul3A_2, %add3A_45 : i32
    "tpu.region"() ({
      %run_scoped3A = tpu.sem_alloc : memref<!tpu.dma_semaphore, #tpu.memory_space<semaphore_mem>>
      %dma_start3A_59 = arith.constant 0 : i32
      %dma_start3A_60 = tpu.memref_slice %arg6[%arg0, %add3A_46, %dma_start3A_59] : memref<2x10240x128xf32, #tpu.memory_space<hbm>> -> memref<1x128x128xf32, #tpu.memory_space<hbm>>
      %dma_start3A_61 = tpu.memref_squeeze %dma_start3A_60 : memref<1x128x128xf32, #tpu.memory_space<hbm>> -> memref<128x128xf32, #tpu.memory_space<hbm>>
      %dma_start3A_62 = arith.constant 0 : i32
      %dma_start3A_63 = tpu.memref_slice %arg6[%arg0, %add3A_46, %dma_start3A_62] : memref<2x10240x128xf32, #tpu.memory_space<hbm>> -> memref<1x128x128xf32, #tpu.memory_space<hbm>>
      %dma_start3A_64 = tpu.memref_squeeze %dma_start3A_63 : memref<1x128x128xf32, #tpu.memory_space<hbm>> -> memref<128x128xf32, #tpu.memory_space<hbm>>
      tpu.enqueue_dma source(%arg11 : memref<128x128xf32, #tpu.memory_space<vmem>>) target(%dma_start3A_64 : memref<128x128xf32, #tpu.memory_space<hbm>>) target_semaphore(%run_scoped3A : memref<!tpu.dma_semaphore, #tpu.memory_space<semaphore_mem>>)
      %dma_wait3A_65 = arith.constant 0 : i32
      %dma_wait3A_66 = tpu.memref_slice %arg6[%arg0, %add3A_46, %dma_wait3A_65] : memref<2x10240x128xf32, #tpu.memory_space<hbm>> -> memref<1x128x128xf32, #tpu.memory_space<hbm>>
      %dma_wait3A_67 = tpu.memref_squeeze %dma_wait3A_66 : memref<1x128x128xf32, #tpu.memory_space<hbm>> -> memref<128x128xf32, #tpu.memory_space<hbm>>
      %dma_wait3A_68 = arith.constant 0 : i32
      %dma_wait3A_69 = tpu.memref_slice %arg6[%arg0, %add3A_46, %dma_wait3A_68] : memref<2x10240x128xf32, #tpu.memory_space<hbm>> -> memref<1x128x128xf32, #tpu.memory_space<hbm>>
      %dma_wait3A_70 = tpu.memref_squeeze %dma_wait3A_69 : memref<1x128x128xf32, #tpu.memory_space<hbm>> -> memref<128x128xf32, #tpu.memory_space<hbm>>
      tpu.wait_dma2 semaphore(%run_scoped3A : memref<!tpu.dma_semaphore, #tpu.memory_space<semaphore_mem>>) src(%arg11 : memref<128x128xf32, #tpu.memory_space<vmem>>) dst(%dma_wait3A_70 : memref<128x128xf32, #tpu.memory_space<hbm>>)
      tpu.yield
    }) : () -> ()
    %add3A_47 = arith.constant 256 : i32
    %add3A_48 = arith.addi %mul3A_2, %add3A_47 : i32
    "tpu.region"() ({
      %run_scoped3A = tpu.sem_alloc : memref<!tpu.dma_semaphore, #tpu.memory_space<semaphore_mem>>
      %dma_start3A_59 = arith.constant 0 : i32
      %dma_start3A_60 = tpu.memref_slice %arg13[%add3A_48, %dma_start3A_59] : memref<10240x128xf32, #tpu.memory_space<vmem_shared>> -> memref<128x128xf32, #tpu.memory_space<vmem_shared>>
      %dma_start3A_61 = arith.constant 0 : i32
      %dma_start3A_62 = tpu.memref_slice %arg13[%add3A_48, %dma_start3A_61] : memref<10240x128xf32, #tpu.memory_space<vmem_shared>> -> memref<128x128xf32, #tpu.memory_space<vmem_shared>>
      tpu.enqueue_dma source(%dma_start3A_62 : memref<128x128xf32, #tpu.memory_space<vmem_shared>>) target(%arg11 : memref<128x128xf32, #tpu.memory_space<vmem>>) target_semaphore(%run_scoped3A : memref<!tpu.dma_semaphore, #tpu.memory_space<semaphore_mem>>)
      %dma_wait3A_63 = arith.constant 0 : i32
      %dma_wait3A_64 = tpu.memref_slice %arg13[%add3A_48, %dma_wait3A_63] : memref<10240x128xf32, #tpu.memory_space<vmem_shared>> -> memref<128x128xf32, #tpu.memory_space<vmem_shared>>
      %dma_wait3A_65 = arith.constant 0 : i32
      %dma_wait3A_66 = tpu.memref_slice %arg13[%add3A_48, %dma_wait3A_65] : memref<10240x128xf32, #tpu.memory_space<vmem_shared>> -> memref<128x128xf32, #tpu.memory_space<vmem_shared>>
      tpu.wait_dma2 semaphore(%run_scoped3A : memref<!tpu.dma_semaphore, #tpu.memory_space<semaphore_mem>>) src(%dma_wait3A_66 : memref<128x128xf32, #tpu.memory_space<vmem_shared>>) dst(%arg11 : memref<128x128xf32, #tpu.memory_space<vmem>>)
      tpu.yield
    }) : () -> ()
    %add3A_49 = arith.constant 256 : i32
    %add3A_50 = arith.addi %mul3A_2, %add3A_49 : i32
    "tpu.region"() ({
      %run_scoped3A = tpu.sem_alloc : memref<!tpu.dma_semaphore, #tpu.memory_space<semaphore_mem>>
      %dma_start3A_59 = arith.constant 0 : i32
      %dma_start3A_60 = tpu.memref_slice %arg6[%arg0, %add3A_50, %dma_start3A_59] : memref<2x10240x128xf32, #tpu.memory_space<hbm>> -> memref<1x128x128xf32, #tpu.memory_space<hbm>>
      %dma_start3A_61 = tpu.memref_squeeze %dma_start3A_60 : memref<1x128x128xf32, #tpu.memory_space<hbm>> -> memref<128x128xf32, #tpu.memory_space<hbm>>
      %dma_start3A_62 = arith.constant 0 : i32
      %dma_start3A_63 = tpu.memref_slice %arg6[%arg0, %add3A_50, %dma_start3A_62] : memref<2x10240x128xf32, #tpu.memory_space<hbm>> -> memref<1x128x128xf32, #tpu.memory_space<hbm>>
      %dma_start3A_64 = tpu.memref_squeeze %dma_start3A_63 : memref<1x128x128xf32, #tpu.memory_space<hbm>> -> memref<128x128xf32, #tpu.memory_space<hbm>>
      tpu.enqueue_dma source(%arg11 : memref<128x128xf32, #tpu.memory_space<vmem>>) target(%dma_start3A_64 : memref<128x128xf32, #tpu.memory_space<hbm>>) target_semaphore(%run_scoped3A : memref<!tpu.dma_semaphore, #tpu.memory_space<semaphore_mem>>)
      %dma_wait3A_65 = arith.constant 0 : i32
      %dma_wait3A_66 = tpu.memref_slice %arg6[%arg0, %add3A_50, %dma_wait3A_65] : memref<2x10240x128xf32, #tpu.memory_space<hbm>> -> memref<1x128x128xf32, #tpu.memory_space<hbm>>
      %dma_wait3A_67 = tpu.memref_squeeze %dma_wait3A_66 : memref<1x128x128xf32, #tpu.memory_space<hbm>> -> memref<128x128xf32, #tpu.memory_space<hbm>>
      %dma_wait3A_68 = arith.constant 0 : i32
      %dma_wait3A_69 = tpu.memref_slice %arg6[%arg0, %add3A_50, %dma_wait3A_68] : memref<2x10240x128xf32, #tpu.memory_space<hbm>> -> memref<1x128x128xf32, #tpu.memory_space<hbm>>
      %dma_wait3A_70 = tpu.memref_squeeze %dma_wait3A_69 : memref<1x128x128xf32, #tpu.memory_space<hbm>> -> memref<128x128xf32, #tpu.memory_space<hbm>>
      tpu.wait_dma2 semaphore(%run_scoped3A : memref<!tpu.dma_semaphore, #tpu.memory_space<semaphore_mem>>) src(%arg11 : memref<128x128xf32, #tpu.memory_space<vmem>>) dst(%dma_wait3A_70 : memref<128x128xf32, #tpu.memory_space<hbm>>)
      tpu.yield
    }) : () -> ()
    %add3A_51 = arith.constant 384 : i32
    %add3A_52 = arith.addi %mul3A_2, %add3A_51 : i32
    "tpu.region"() ({
      %run_scoped3A = tpu.sem_alloc : memref<!tpu.dma_semaphore, #tpu.memory_space<semaphore_mem>>
      %dma_start3A_59 = arith.constant 0 : i32
      %dma_start3A_60 = tpu.memref_slice %arg13[%add3A_52, %dma_start3A_59] : memref<10240x128xf32, #tpu.memory_space<vmem_shared>> -> memref<128x128xf32, #tpu.memory_space<vmem_shared>>
      %dma_start3A_61 = arith.constant 0 : i32
      %dma_start3A_62 = tpu.memref_slice %arg13[%add3A_52, %dma_start3A_61] : memref<10240x128xf32, #tpu.memory_space<vmem_shared>> -> memref<128x128xf32, #tpu.memory_space<vmem_shared>>
      tpu.enqueue_dma source(%dma_start3A_62 : memref<128x128xf32, #tpu.memory_space<vmem_shared>>) target(%arg11 : memref<128x128xf32, #tpu.memory_space<vmem>>) target_semaphore(%run_scoped3A : memref<!tpu.dma_semaphore, #tpu.memory_space<semaphore_mem>>)
      %dma_wait3A_63 = arith.constant 0 : i32
      %dma_wait3A_64 = tpu.memref_slice %arg13[%add3A_52, %dma_wait3A_63] : memref<10240x128xf32, #tpu.memory_space<vmem_shared>> -> memref<128x128xf32, #tpu.memory_space<vmem_shared>>
      %dma_wait3A_65 = arith.constant 0 : i32
      %dma_wait3A_66 = tpu.memref_slice %arg13[%add3A_52, %dma_wait3A_65] : memref<10240x128xf32, #tpu.memory_space<vmem_shared>> -> memref<128x128xf32, #tpu.memory_space<vmem_shared>>
      tpu.wait_dma2 semaphore(%run_scoped3A : memref<!tpu.dma_semaphore, #tpu.memory_space<semaphore_mem>>) src(%dma_wait3A_66 : memref<128x128xf32, #tpu.memory_space<vmem_shared>>) dst(%arg11 : memref<128x128xf32, #tpu.memory_space<vmem>>)
      tpu.yield
    }) : () -> ()
    %add3A_53 = arith.constant 384 : i32
    %add3A_54 = arith.addi %mul3A_2, %add3A_53 : i32
    "tpu.region"() ({
      %run_scoped3A = tpu.sem_alloc : memref<!tpu.dma_semaphore, #tpu.memory_space<semaphore_mem>>
      %dma_start3A_59 = arith.constant 0 : i32
      %dma_start3A_60 = tpu.memref_slice %arg6[%arg0, %add3A_54, %dma_start3A_59] : memref<2x10240x128xf32, #tpu.memory_space<hbm>> -> memref<1x128x128xf32, #tpu.memory_space<hbm>>
      %dma_start3A_61 = tpu.memref_squeeze %dma_start3A_60 : memref<1x128x128xf32, #tpu.memory_space<hbm>> -> memref<128x128xf32, #tpu.memory_space<hbm>>
      %dma_start3A_62 = arith.constant 0 : i32
      %dma_start3A_63 = tpu.memref_slice %arg6[%arg0, %add3A_54, %dma_start3A_62] : memref<2x10240x128xf32, #tpu.memory_space<hbm>> -> memref<1x128x128xf32, #tpu.memory_space<hbm>>
      %dma_start3A_64 = tpu.memref_squeeze %dma_start3A_63 : memref<1x128x128xf32, #tpu.memory_space<hbm>> -> memref<128x128xf32, #tpu.memory_space<hbm>>
      tpu.enqueue_dma source(%arg11 : memref<128x128xf32, #tpu.memory_space<vmem>>) target(%dma_start3A_64 : memref<128x128xf32, #tpu.memory_space<hbm>>) target_semaphore(%run_scoped3A : memref<!tpu.dma_semaphore, #tpu.memory_space<semaphore_mem>>)
      %dma_wait3A_65 = arith.constant 0 : i32
      %dma_wait3A_66 = tpu.memref_slice %arg6[%arg0, %add3A_54, %dma_wait3A_65] : memref<2x10240x128xf32, #tpu.memory_space<hbm>> -> memref<1x128x128xf32, #tpu.memory_space<hbm>>
      %dma_wait3A_67 = tpu.memref_squeeze %dma_wait3A_66 : memref<1x128x128xf32, #tpu.memory_space<hbm>> -> memref<128x128xf32, #tpu.memory_space<hbm>>
      %dma_wait3A_68 = arith.constant 0 : i32
      %dma_wait3A_69 = tpu.memref_slice %arg6[%arg0, %add3A_54, %dma_wait3A_68] : memref<2x10240x128xf32, #tpu.memory_space<hbm>> -> memref<1x128x128xf32, #tpu.memory_space<hbm>>
      %dma_wait3A_70 = tpu.memref_squeeze %dma_wait3A_69 : memref<1x128x128xf32, #tpu.memory_space<hbm>> -> memref<128x128xf32, #tpu.memory_space<hbm>>
      tpu.wait_dma2 semaphore(%run_scoped3A : memref<!tpu.dma_semaphore, #tpu.memory_space<semaphore_mem>>) src(%arg11 : memref<128x128xf32, #tpu.memory_space<vmem>>) dst(%dma_wait3A_70 : memref<128x128xf32, #tpu.memory_space<hbm>>)
      tpu.yield
    }) : () -> ()
    %add3A_55 = arith.constant 512 : i32
    %add3A_56 = arith.addi %mul3A_2, %add3A_55 : i32
    "tpu.region"() ({
      %run_scoped3A = tpu.sem_alloc : memref<!tpu.dma_semaphore, #tpu.memory_space<semaphore_mem>>
      %dma_start3A_59 = arith.constant 0 : i32
      %dma_start3A_60 = tpu.memref_slice %arg13[%add3A_56, %dma_start3A_59] : memref<10240x128xf32, #tpu.memory_space<vmem_shared>> -> memref<128x128xf32, #tpu.memory_space<vmem_shared>>
      %dma_start3A_61 = arith.constant 0 : i32
      %dma_start3A_62 = tpu.memref_slice %arg13[%add3A_56, %dma_start3A_61] : memref<10240x128xf32, #tpu.memory_space<vmem_shared>> -> memref<128x128xf32, #tpu.memory_space<vmem_shared>>
      tpu.enqueue_dma source(%dma_start3A_62 : memref<128x128xf32, #tpu.memory_space<vmem_shared>>) target(%arg11 : memref<128x128xf32, #tpu.memory_space<vmem>>) target_semaphore(%run_scoped3A : memref<!tpu.dma_semaphore, #tpu.memory_space<semaphore_mem>>)
      %dma_wait3A_63 = arith.constant 0 : i32
      %dma_wait3A_64 = tpu.memref_slice %arg13[%add3A_56, %dma_wait3A_63] : memref<10240x128xf32, #tpu.memory_space<vmem_shared>> -> memref<128x128xf32, #tpu.memory_space<vmem_shared>>
      %dma_wait3A_65 = arith.constant 0 : i32
      %dma_wait3A_66 = tpu.memref_slice %arg13[%add3A_56, %dma_wait3A_65] : memref<10240x128xf32, #tpu.memory_space<vmem_shared>> -> memref<128x128xf32, #tpu.memory_space<vmem_shared>>
      tpu.wait_dma2 semaphore(%run_scoped3A : memref<!tpu.dma_semaphore, #tpu.memory_space<semaphore_mem>>) src(%dma_wait3A_66 : memref<128x128xf32, #tpu.memory_space<vmem_shared>>) dst(%arg11 : memref<128x128xf32, #tpu.memory_space<vmem>>)
      tpu.yield
    }) : () -> ()
    %add3A_57 = arith.constant 512 : i32
    %add3A_58 = arith.addi %mul3A_2, %add3A_57 : i32
    "tpu.region"() ({
      %run_scoped3A = tpu.sem_alloc : memref<!tpu.dma_semaphore, #tpu.memory_space<semaphore_mem>>
      %dma_start3A_59 = arith.constant 0 : i32
      %dma_start3A_60 = tpu.memref_slice %arg6[%arg0, %add3A_58, %dma_start3A_59] : memref<2x10240x128xf32, #tpu.memory_space<hbm>> -> memref<1x128x128xf32, #tpu.memory_space<hbm>>
      %dma_start3A_61 = tpu.memref_squeeze %dma_start3A_60 : memref<1x128x128xf32, #tpu.memory_space<hbm>> -> memref<128x128xf32, #tpu.memory_space<hbm>>
      %dma_start3A_62 = arith.constant 0 : i32
      %dma_start3A_63 = tpu.memref_slice %arg6[%arg0, %add3A_58, %dma_start3A_62] : memref<2x10240x128xf32, #tpu.memory_space<hbm>> -> memref<1x128x128xf32, #tpu.memory_space<hbm>>
      %dma_start3A_64 = tpu.memref_squeeze %dma_start3A_63 : memref<1x128x128xf32, #tpu.memory_space<hbm>> -> memref<128x128xf32, #tpu.memory_space<hbm>>
      tpu.enqueue_dma source(%arg11 : memref<128x128xf32, #tpu.memory_space<vmem>>) target(%dma_start3A_64 : memref<128x128xf32, #tpu.memory_space<hbm>>) target_semaphore(%run_scoped3A : memref<!tpu.dma_semaphore, #tpu.memory_space<semaphore_mem>>)
      %dma_wait3A_65 = arith.constant 0 : i32
      %dma_wait3A_66 = tpu.memref_slice %arg6[%arg0, %add3A_58, %dma_wait3A_65] : memref<2x10240x128xf32, #tpu.memory_space<hbm>> -> memref<1x128x128xf32, #tpu.memory_space<hbm>>
      %dma_wait3A_67 = tpu.memref_squeeze %dma_wait3A_66 : memref<1x128x128xf32, #tpu.memory_space<hbm>> -> memref<128x128xf32, #tpu.memory_space<hbm>>
      %dma_wait3A_68 = arith.constant 0 : i32
      %dma_wait3A_69 = tpu.memref_slice %arg6[%arg0, %add3A_58, %dma_wait3A_68] : memref<2x10240x128xf32, #tpu.memory_space<hbm>> -> memref<1x128x128xf32, #tpu.memory_space<hbm>>
      %dma_wait3A_70 = tpu.memref_squeeze %dma_wait3A_69 : memref<1x128x128xf32, #tpu.memory_space<hbm>> -> memref<128x128xf32, #tpu.memory_space<hbm>>
      tpu.wait_dma2 semaphore(%run_scoped3A : memref<!tpu.dma_semaphore, #tpu.memory_space<semaphore_mem>>) src(%arg11 : memref<128x128xf32, #tpu.memory_space<vmem>>) dst(%dma_wait3A_70 : memref<128x128xf32, #tpu.memory_space<hbm>>)
      tpu.yield
    }) : () -> ()
    return
  }
}

module attributes {stable_mosaic.version = 14 : i64} {
  func.func @_h_body(%arg0: i32, %arg1: memref<8x2048x128xf32, #tpu.memory_space<vmem>>, %arg2: memref<128x16xf32, #tpu.memory_space<vmem>>, %arg3: memref<2048x128xf32, #tpu.memory_space<vmem>>) attributes {dimension_semantics = [#tpu.dimension_semantics<arbitrary>], iteration_bounds = array<i64: 5>, scalar_prefetch = 0 : i64, scratch_operands = 0 : i64, tpu.core_type = #tpu.core_type<tc>, window_params = [{transform_indices = @transform_0, window_bounds = array<i64: 8, 2048, 128>}, {pipeline_mode = #tpu.pipeline_mode<synchronous>, transform_indices = @transform_1, window_bounds = array<i64: 128, 16>}, {transform_indices = @transform_2, window_bounds = array<i64: 2048, 128>}]} {
    %get3A = arith.constant 0 : index
    %get3A_0 = arith.constant 0 : index
    %get3A_1 = arith.constant 0 : index
    %get3A_2 = vector.load %arg1[%get3A, %get3A_0, %get3A_1] : memref<8x2048x128xf32, #tpu.memory_space<vmem>>, vector<1x2048x128xf32>
    %get3A_3 = vector.shape_cast %get3A_2 : vector<1x2048x128xf32> to vector<2048x128xf32>
    %get3A_4 = arith.constant 0 : index
    %get3A_5 = arith.constant 0 : index
    %get3A_6 = vector.load %arg2[%get3A_4, %get3A_5] : memref<128x16xf32, #tpu.memory_space<vmem>>, vector<128x16xf32>
    %dot_general3A = arith.constant dense<0.000000e+00> : vector<2048x16xf32>
    %dot_general3A_7 = tpu.matmul %get3A_3, %get3A_6, %dot_general3A {dimension_numbers = #tpu.dot_dimension_numbers<[1], [0], [0], [1], [0, 0, 1, 1], [], []>, transpose_lhs_hint = false} : vector<2048x128xf32>, vector<128x16xf32>, vector<2048x16xf32> -> vector<2048x16xf32>
    %get3A_8 = arith.constant 1 : index
    %get3A_9 = arith.constant 0 : index
    %get3A_10 = arith.constant 0 : index
    %get3A_11 = vector.load %arg1[%get3A_8, %get3A_9, %get3A_10] : memref<8x2048x128xf32, #tpu.memory_space<vmem>>, vector<1x2048x128xf32>
    %get3A_12 = vector.shape_cast %get3A_11 : vector<1x2048x128xf32> to vector<2048x128xf32>
    %get3A_13 = arith.constant 0 : index
    %get3A_14 = arith.constant 0 : index
    %get3A_15 = vector.load %arg2[%get3A_13, %get3A_14] : memref<128x16xf32, #tpu.memory_space<vmem>>, vector<128x16xf32>
    %dot_general3A_16 = arith.constant dense<0.000000e+00> : vector<2048x16xf32>
    %dot_general3A_17 = tpu.matmul %get3A_12, %get3A_15, %dot_general3A_16 {dimension_numbers = #tpu.dot_dimension_numbers<[1], [0], [0], [1], [0, 0, 1, 1], [], []>, transpose_lhs_hint = false} : vector<2048x128xf32>, vector<128x16xf32>, vector<2048x16xf32> -> vector<2048x16xf32>
    %get3A_18 = arith.constant 2 : index
    %get3A_19 = arith.constant 0 : index
    %get3A_20 = arith.constant 0 : index
    %get3A_21 = vector.load %arg1[%get3A_18, %get3A_19, %get3A_20] : memref<8x2048x128xf32, #tpu.memory_space<vmem>>, vector<1x2048x128xf32>
    %get3A_22 = vector.shape_cast %get3A_21 : vector<1x2048x128xf32> to vector<2048x128xf32>
    %get3A_23 = arith.constant 0 : index
    %get3A_24 = arith.constant 0 : index
    %get3A_25 = vector.load %arg2[%get3A_23, %get3A_24] : memref<128x16xf32, #tpu.memory_space<vmem>>, vector<128x16xf32>
    %dot_general3A_26 = arith.constant dense<0.000000e+00> : vector<2048x16xf32>
    %dot_general3A_27 = tpu.matmul %get3A_22, %get3A_25, %dot_general3A_26 {dimension_numbers = #tpu.dot_dimension_numbers<[1], [0], [0], [1], [0, 0, 1, 1], [], []>, transpose_lhs_hint = false} : vector<2048x128xf32>, vector<128x16xf32>, vector<2048x16xf32> -> vector<2048x16xf32>
    %get3A_28 = arith.constant 3 : index
    %get3A_29 = arith.constant 0 : index
    %get3A_30 = arith.constant 0 : index
    %get3A_31 = vector.load %arg1[%get3A_28, %get3A_29, %get3A_30] : memref<8x2048x128xf32, #tpu.memory_space<vmem>>, vector<1x2048x128xf32>
    %get3A_32 = vector.shape_cast %get3A_31 : vector<1x2048x128xf32> to vector<2048x128xf32>
    %get3A_33 = arith.constant 0 : index
    %get3A_34 = arith.constant 0 : index
    %get3A_35 = vector.load %arg2[%get3A_33, %get3A_34] : memref<128x16xf32, #tpu.memory_space<vmem>>, vector<128x16xf32>
    %dot_general3A_36 = arith.constant dense<0.000000e+00> : vector<2048x16xf32>
    %dot_general3A_37 = tpu.matmul %get3A_32, %get3A_35, %dot_general3A_36 {dimension_numbers = #tpu.dot_dimension_numbers<[1], [0], [0], [1], [0, 0, 1, 1], [], []>, transpose_lhs_hint = false} : vector<2048x128xf32>, vector<128x16xf32>, vector<2048x16xf32> -> vector<2048x16xf32>
    %get3A_38 = arith.constant 4 : index
    %get3A_39 = arith.constant 0 : index
    %get3A_40 = arith.constant 0 : index
    %get3A_41 = vector.load %arg1[%get3A_38, %get3A_39, %get3A_40] : memref<8x2048x128xf32, #tpu.memory_space<vmem>>, vector<1x2048x128xf32>
    %get3A_42 = vector.shape_cast %get3A_41 : vector<1x2048x128xf32> to vector<2048x128xf32>
    %get3A_43 = arith.constant 0 : index
    %get3A_44 = arith.constant 0 : index
    %get3A_45 = vector.load %arg2[%get3A_43, %get3A_44] : memref<128x16xf32, #tpu.memory_space<vmem>>, vector<128x16xf32>
    %dot_general3A_46 = arith.constant dense<0.000000e+00> : vector<2048x16xf32>
    %dot_general3A_47 = tpu.matmul %get3A_42, %get3A_45, %dot_general3A_46 {dimension_numbers = #tpu.dot_dimension_numbers<[1], [0], [0], [1], [0, 0, 1, 1], [], []>, transpose_lhs_hint = false} : vector<2048x128xf32>, vector<128x16xf32>, vector<2048x16xf32> -> vector<2048x16xf32>
    %get3A_48 = arith.constant 5 : index
    %get3A_49 = arith.constant 0 : index
    %get3A_50 = arith.constant 0 : index
    %get3A_51 = vector.load %arg1[%get3A_48, %get3A_49, %get3A_50] : memref<8x2048x128xf32, #tpu.memory_space<vmem>>, vector<1x2048x128xf32>
    %get3A_52 = vector.shape_cast %get3A_51 : vector<1x2048x128xf32> to vector<2048x128xf32>
    %get3A_53 = arith.constant 0 : index
    %get3A_54 = arith.constant 0 : index
    %get3A_55 = vector.load %arg2[%get3A_53, %get3A_54] : memref<128x16xf32, #tpu.memory_space<vmem>>, vector<128x16xf32>
    %dot_general3A_56 = arith.constant dense<0.000000e+00> : vector<2048x16xf32>
    %dot_general3A_57 = tpu.matmul %get3A_52, %get3A_55, %dot_general3A_56 {dimension_numbers = #tpu.dot_dimension_numbers<[1], [0], [0], [1], [0, 0, 1, 1], [], []>, transpose_lhs_hint = false} : vector<2048x128xf32>, vector<128x16xf32>, vector<2048x16xf32> -> vector<2048x16xf32>
    %get3A_58 = arith.constant 6 : index
    %get3A_59 = arith.constant 0 : index
    %get3A_60 = arith.constant 0 : index
    %get3A_61 = vector.load %arg1[%get3A_58, %get3A_59, %get3A_60] : memref<8x2048x128xf32, #tpu.memory_space<vmem>>, vector<1x2048x128xf32>
    %get3A_62 = vector.shape_cast %get3A_61 : vector<1x2048x128xf32> to vector<2048x128xf32>
    %get3A_63 = arith.constant 0 : index
    %get3A_64 = arith.constant 0 : index
    %get3A_65 = vector.load %arg2[%get3A_63, %get3A_64] : memref<128x16xf32, #tpu.memory_space<vmem>>, vector<128x16xf32>
    %dot_general3A_66 = arith.constant dense<0.000000e+00> : vector<2048x16xf32>
    %dot_general3A_67 = tpu.matmul %get3A_62, %get3A_65, %dot_general3A_66 {dimension_numbers = #tpu.dot_dimension_numbers<[1], [0], [0], [1], [0, 0, 1, 1], [], []>, transpose_lhs_hint = false} : vector<2048x128xf32>, vector<128x16xf32>, vector<2048x16xf32> -> vector<2048x16xf32>
    %get3A_68 = arith.constant 7 : index
    %get3A_69 = arith.constant 0 : index
    %get3A_70 = arith.constant 0 : index
    %get3A_71 = vector.load %arg1[%get3A_68, %get3A_69, %get3A_70] : memref<8x2048x128xf32, #tpu.memory_space<vmem>>, vector<1x2048x128xf32>
    %get3A_72 = vector.shape_cast %get3A_71 : vector<1x2048x128xf32> to vector<2048x128xf32>
    %get3A_73 = arith.constant 0 : index
    %get3A_74 = arith.constant 0 : index
    %get3A_75 = vector.load %arg2[%get3A_73, %get3A_74] : memref<128x16xf32, #tpu.memory_space<vmem>>, vector<128x16xf32>
    %dot_general3A_76 = arith.constant dense<0.000000e+00> : vector<2048x16xf32>
    %dot_general3A_77 = tpu.matmul %get3A_72, %get3A_75, %dot_general3A_76 {dimension_numbers = #tpu.dot_dimension_numbers<[1], [0], [0], [1], [0, 0, 1, 1], [], []>, transpose_lhs_hint = false} : vector<2048x128xf32>, vector<128x16xf32>, vector<2048x16xf32> -> vector<2048x16xf32>
    %concatenate3A = tpu.concatenate %dot_general3A_7, %dot_general3A_17, %dot_general3A_27, %dot_general3A_37, %dot_general3A_47, %dot_general3A_57, %dot_general3A_67, %dot_general3A_77 in 1 : vector<2048x16xf32>, vector<2048x16xf32>, vector<2048x16xf32>, vector<2048x16xf32>, vector<2048x16xf32>, vector<2048x16xf32>, vector<2048x16xf32>, vector<2048x16xf32> -> vector<2048x128xf32>
    %swap3A = arith.constant 0 : index
    %swap3A_78 = arith.constant 0 : index
    %swap3A_79 = vector.load %arg3[%swap3A, %swap3A_78] : memref<2048x128xf32, #tpu.memory_space<vmem>>, vector<2048x128xf32>
    tpu.vector_store %arg3[%swap3A, %swap3A_78], %concatenate3A {strides = array<i32>} : memref<2048x128xf32, #tpu.memory_space<vmem>>, vector<2048x128xf32>,
    return
  }
  func.func @transform_0(%arg0: i32) -> (i32, i32, i32) {
    %c0_i32 = arith.constant 0 : i32
    %c0_i32_0 = arith.constant 0 : i32
    %c0_i32_1 = arith.constant 0 : i32
    return %c0_i32, %arg0, %c0_i32_0 : i32, i32, i32
  }
  func.func @transform_1(%arg0: i32) -> (i32, i32) {
    %c0_i32 = arith.constant 0 : i32
    %c0_i32_0 = arith.constant 0 : i32
    %c0_i32_1 = arith.constant 0 : i32
    return %c0_i32, %c0_i32_0 : i32, i32
  }
  func.func @transform_2(%arg0: i32) -> (i32, i32) {
    %c0_i32 = arith.constant 0 : i32
    %c0_i32_0 = arith.constant 0 : i32
    return %arg0, %c0_i32 : i32, i32
  }
}

module attributes {stable_mosaic.version = 14 : i64} {
  func.func @_scale_body(%arg0: i32, %arg1: memref<2048x128xf32, #tpu.memory_space<vmem>>, %arg2: memref<2x2048x128xf32, #tpu.memory_space<vmem>>, %arg3: memref<2048x128xf32, #tpu.memory_space<vmem>>, %arg4: memref<2048x16xf32, #tpu.memory_space<vmem>>) attributes {dimension_semantics = [#tpu.dimension_semantics<arbitrary>], iteration_bounds = array<i64: 5>, scalar_prefetch = 0 : i64, scratch_operands = 0 : i64, tpu.core_type = #tpu.core_type<tc>, window_params = [{transform_indices = @transform_0, window_bounds = array<i64: 2048, 128>}, {transform_indices = @transform_1, window_bounds = array<i64: 2, 2048, 128>}, {transform_indices = @transform_2, window_bounds = array<i64: 2048, 128>}, {transform_indices = @transform_3, window_bounds = array<i64: 2048, 16>}]} {
    %get3A = arith.constant 0 : index
    %get3A_0 = arith.constant 0 : index
    %get3A_1 = arith.constant 0 : index
    %get3A_2 = vector.load %arg2[%get3A, %get3A_0, %get3A_1] : memref<2x2048x128xf32, #tpu.memory_space<vmem>>, vector<1x2048x1xf32>
    %get3A_3 = vector.shape_cast %get3A_2 : vector<1x2048x1xf32> to vector<2048x1xf32>
    %get3A_4 = arith.constant 1 : index
    %get3A_5 = arith.constant 0 : index
    %get3A_6 = arith.constant 0 : index
    %get3A_7 = vector.load %arg2[%get3A_4, %get3A_5, %get3A_6] : memref<2x2048x128xf32, #tpu.memory_space<vmem>>, vector<1x2048x1xf32>
    %get3A_8 = vector.shape_cast %get3A_7 : vector<1x2048x1xf32> to vector<2048x1xf32>
    %add3A = arith.addf %get3A_3, %get3A_8 : vector<2048x1xf32>
    %add3A_9 = arith.constant 1.000000e+00 : f32
    %add3A_10 = vector.broadcast %add3A_9 : f32 to vector<2048x1xf32>
    %add3A_11 = arith.addf %add3A, %add3A_10 : vector<2048x1xf32>
    %rsqrt3A = math.rsqrt %add3A_11 : vector<2048x1xf32>
    %mul3A = arith.constant 2048 : i32
    %mul3A_12 = arith.muli %arg0, %mul3A : i32
    %iota3A = tpu.iota {dimensions = array<i32: 0>} : vector<2048x1xi32>
    %add3A_13 = vector.broadcast %mul3A_12 : i32 to vector<2048x1xi32>
    %add3A_14 = arith.addi %add3A_13, %iota3A : vector<2048x1xi32>
    %lt3A = arith.constant 10000 : i32
    %lt3A_15 = vector.broadcast %lt3A : i32 to vector<2048x1xi32>
    %lt3A_16 = arith.cmpi slt, %add3A_14, %lt3A_15 : vector<2048x1xi32>
    %get3A_17 = arith.constant 0 : index
    %get3A_18 = arith.constant 0 : index
    %get3A_19 = vector.load %arg1[%get3A_17, %get3A_18] : memref<2048x128xf32, #tpu.memory_space<vmem>>, vector<2048x128xf32>
    %mul3A_20 = vector.broadcast %rsqrt3A : vector<2048x1xf32> to vector<2048x128xf32>
    %mul3A_21 = arith.mulf %get3A_19, %mul3A_20 : vector<2048x128xf32>
    %jit3A = arith.constant 0.000000e+00 : f32
    %broadcast_in_dim3A = vector.shape_cast %lt3A_16 : vector<2048x1xi1> to vector<2048x1xi1>
    %broadcast_in_dim3A_22 = vector.broadcast %broadcast_in_dim3A : vector<2048x1xi1> to vector<2048x128xi1>
    %broadcast_in_dim3A_23 = vector.broadcast %jit3A : f32 to vector<2048x128xf32>
    %select_n3A = arith.select %broadcast_in_dim3A_22, %mul3A_21, %broadcast_in_dim3A_23 : vector<2048x128xi1>, vector<2048x128xf32>
    %swap3A = arith.constant 0 : index
    %swap3A_24 = arith.constant 0 : index
    %swap3A_25 = vector.load %arg3[%swap3A, %swap3A_24] : memref<2048x128xf32, #tpu.memory_space<vmem>>, vector<2048x128xf32>
    tpu.vector_store %arg3[%swap3A, %swap3A_24], %select_n3A {strides = array<i32>} : memref<2048x128xf32, #tpu.memory_space<vmem>>, vector<2048x128xf32>,
    %broadcast_in_dim3A_26 = vector.shape_cast %rsqrt3A : vector<2048x1xf32> to vector<2048x1xf32>
    %broadcast_in_dim3A_27 = vector.broadcast %broadcast_in_dim3A_26 : vector<2048x1xf32> to vector<2048x16xf32>
    %jit3A_28 = arith.constant 0.000000e+00 : f32
    %broadcast_in_dim3A_29 = vector.shape_cast %lt3A_16 : vector<2048x1xi1> to vector<2048x1xi1>
    %broadcast_in_dim3A_30 = vector.broadcast %broadcast_in_dim3A_29 : vector<2048x1xi1> to vector<2048x16xi1>
    %broadcast_in_dim3A_31 = vector.broadcast %jit3A_28 : f32 to vector<2048x16xf32>
    %select_n3A_32 = arith.select %broadcast_in_dim3A_30, %broadcast_in_dim3A_27, %broadcast_in_dim3A_31 : vector<2048x16xi1>, vector<2048x16xf32>
    %swap3A_33 = arith.constant 0 : index
    %swap3A_34 = arith.constant 0 : index
    %swap3A_35 = vector.load %arg4[%swap3A_33, %swap3A_34] : memref<2048x16xf32, #tpu.memory_space<vmem>>, vector<2048x16xf32>
    tpu.vector_store %arg4[%swap3A_33, %swap3A_34], %select_n3A_32 {strides = array<i32>} : memref<2048x16xf32, #tpu.memory_space<vmem>>, vector<2048x16xf32>,
    return
  }
  func.func @transform_0(%arg0: i32) -> (i32, i32) {
    %c0_i32 = arith.constant 0 : i32
    %c0_i32_0 = arith.constant 0 : i32
    return %arg0, %c0_i32 : i32, i32
  }
  func.func @transform_1(%arg0: i32) -> (i32, i32, i32) {
    %c0_i32 = arith.constant 0 : i32
    %c0_i32_0 = arith.constant 0 : i32
    %c0_i32_1 = arith.constant 0 : i32
    return %c0_i32, %arg0, %c0_i32_0 : i32, i32, i32
  }
  func.func @transform_2(%arg0: i32) -> (i32, i32) {
    %c0_i32 = arith.constant 0 : i32
    %c0_i32_0 = arith.constant 0 : i32
    return %arg0, %c0_i32 : i32, i32
  }
  func.func @transform_3(%arg0: i32) -> (i32, i32) {
    %c0_i32 = arith.constant 0 : i32
    %c0_i32_0 = arith.constant 0 : i32
    return %arg0, %c0_i32 : i32, i32
  }
}

module attributes {stable_mosaic.version = 14 : i64} {
  func.func @_lstm_body(%arg0: i32, %arg1: memref<2x2048x128xf32, #tpu.memory_space<vmem>>, %arg2: memref<2048x128xf32, #tpu.memory_space<vmem>>, %arg3: memref<2048x16xf32, #tpu.memory_space<vmem>>, %arg4: memref<1x128xf32, #tpu.memory_space<vmem>>, %arg5: memref<16x64xf32, #tpu.memory_space<vmem>>, %arg6: memref<16x64xf32, #tpu.memory_space<vmem>>, %arg7: memref<1x64xf32, #tpu.memory_space<vmem>>, %arg8: memref<16x1xf32, #tpu.memory_space<vmem>>, %arg9: memref<1x1xf32, #tpu.memory_space<vmem>>, %arg10: memref<2048x1xf32, #tpu.memory_space<vmem>>) attributes {dimension_semantics = [#tpu.dimension_semantics<arbitrary>], iteration_bounds = array<i64: 5>, scalar_prefetch = 0 : i64, scratch_operands = 0 : i64, tpu.core_type = #tpu.core_type<tc>, window_params = [{transform_indices = @transform_0, window_bounds = array<i64: 2, 2048, 128>}, {transform_indices = @transform_1, window_bounds = array<i64: 2048, 128>}, {transform_indices = @transform_2, window_bounds = array<i64: 2048, 16>}, {pipeline_mode = #tpu.pipeline_mode<synchronous>, transform_indices = @transform_3, window_bounds = array<i64: 1, 128>}, {pipeline_mode = #tpu.pipeline_mode<synchronous>, transform_indices = @transform_4, window_bounds = array<i64: 16, 64>}, {pipeline_mode = #tpu.pipeline_mode<synchronous>, transform_indices = @transform_5, window_bounds = array<i64: 16, 64>}, {pipeline_mode = #tpu.pipeline_mode<synchronous>, transform_indices = @transform_6, window_bounds = array<i64: 1, 64>}, {pipeline_mode = #tpu.pipeline_mode<synchronous>, transform_indices = @transform_7, window_bounds = array<i64: 16, 1>}, {pipeline_mode = #tpu.pipeline_mode<synchronous>, transform_indices = @transform_8, window_bounds = array<i64: 1, 1>}, {transform_indices = @transform_9, window_bounds = array<i64: 2048, 1>}]} {
    %get3A = arith.constant 0 : index
    %get3A_0 = arith.constant 0 : index
    %get3A_1 = vector.load %arg3[%get3A, %get3A_0] : memref<2048x16xf32, #tpu.memory_space<vmem>>, vector<2048x16xf32>
    %slice3A = vector.extract_strided_slice %get3A_1 {offsets = [0, 0], sizes = [2048, 1], strides = [1, 1]} : vector<2048x16xf32> to vector<2048x1xf32>
    %get3A_2 = arith.constant 0 : index
    %get3A_3 = arith.constant 0 : index
    %get3A_4 = arith.constant 0 : index
    %get3A_5 = vector.load %arg1[%get3A_2, %get3A_3, %get3A_4] : memref<2x2048x128xf32, #tpu.memory_space<vmem>>, vector<1x2048x128xf32>
    %get3A_6 = vector.shape_cast %get3A_5 : vector<1x2048x128xf32> to vector<2048x128xf32>
    %get3A_7 = arith.constant 1 : index
    %get3A_8 = arith.constant 0 : index
    %get3A_9 = arith.constant 0 : index
    %get3A_10 = vector.load %arg1[%get3A_7, %get3A_8, %get3A_9] : memref<2x2048x128xf32, #tpu.memory_space<vmem>>, vector<1x2048x128xf32>
    %get3A_11 = vector.shape_cast %get3A_10 : vector<1x2048x128xf32> to vector<2048x128xf32>
    %add3A = arith.addf %get3A_6, %get3A_11 : vector<2048x128xf32>
    %get3A_12 = arith.constant 0 : index
    %get3A_13 = arith.constant 0 : index
    %get3A_14 = vector.load %arg2[%get3A_12, %get3A_13] : memref<2048x128xf32, #tpu.memory_space<vmem>>, vector<2048x128xf32>
    %add3A_15 = arith.addf %add3A, %get3A_14 : vector<2048x128xf32>
    %mul3A = vector.broadcast %slice3A : vector<2048x1xf32> to vector<2048x128xf32>
    %mul3A_16 = arith.mulf %mul3A, %add3A_15 : vector<2048x128xf32>
    %get3A_17 = arith.constant 0 : index
    %get3A_18 = arith.constant 0 : index
    %get3A_19 = vector.load %arg4[%get3A_17, %get3A_18] : memref<1x128xf32, #tpu.memory_space<vmem>>, vector<1x128xf32>
    %add3A_20 = vector.broadcast %get3A_19 : vector<1x128xf32> to vector<2048x128xf32>
    %add3A_21 = arith.addf %mul3A_16, %add3A_20 : vector<2048x128xf32>
    %max3A = arith.constant 0.000000e+00 : f32
    %max3A_22 = vector.broadcast %max3A : f32 to vector<2048x128xf32>
    %max3A_23 = arith.maximumf %add3A_21, %max3A_22 : vector<2048x128xf32>
    %broadcast_in_dim3A = arith.constant 0.000000e+00 : f32
    %broadcast_in_dim3A_24 = vector.broadcast %broadcast_in_dim3A : f32 to vector<2048x16xf32>
    %broadcast_in_dim3A_25 = arith.constant 0.000000e+00 : f32
    %broadcast_in_dim3A_26 = vector.broadcast %broadcast_in_dim3A_25 : f32 to vector<2048x16xf32>
    %get3A_27 = arith.constant 0 : index
    %get3A_28 = arith.constant 0 : index
    %get3A_29 = vector.load %arg7[%get3A_27, %get3A_28] : memref<1x64xf32, #tpu.memory_space<vmem>>, vector<1x64xf32>
    %slice3A_30 = vector.extract_strided_slice %max3A_23 {offsets = [0, 0], sizes = [2048, 16], strides = [1, 1]} : vector<2048x128xf32> to vector<2048x16xf32>
    %get3A_31 = arith.constant 0 : index
    %get3A_32 = arith.constant 0 : index
    %get3A_33 = vector.load %arg5[%get3A_31, %get3A_32] : memref<16x64xf32, #tpu.memory_space<vmem>>, vector<16x64xf32>
    %dot_general3A = arith.constant dense<0.000000e+00> : vector<2048x64xf32>
    %dot_general3A_34 = tpu.matmul %slice3A_30, %get3A_33, %dot_general3A {dimension_numbers = #tpu.dot_dimension_numbers<[1], [0], [0], [1], [0, 0, 1, 1], [], []>, transpose_lhs_hint = false} : vector<2048x16xf32>, vector<16x64xf32>, vector<2048x64xf32> -> vector<2048x64xf32>
    %get3A_35 = arith.constant 0 : index
    %get3A_36 = arith.constant 0 : index
    %get3A_37 = vector.load %arg6[%get3A_35, %get3A_36] : memref<16x64xf32, #tpu.memory_space<vmem>>, vector<16x64xf32>
    %dot_general3A_38 = arith.constant dense<0.000000e+00> : vector<2048x64xf32>
    %dot_general3A_39 = tpu.matmul %broadcast_in_dim3A_24, %get3A_37, %dot_general3A_38 {dimension_numbers = #tpu.dot_dimension_numbers<[1], [0], [0], [1], [0, 0, 1, 1], [], []>, transpose_lhs_hint = false} : vector<2048x16xf32>, vector<16x64xf32>, vector<2048x64xf32> -> vector<2048x64xf32>
    %add3A_40 = arith.addf %dot_general3A_34, %dot_general3A_39 : vector<2048x64xf32>
    %add3A_41 = vector.broadcast %get3A_29 : vector<1x64xf32> to vector<2048x64xf32>
    %add3A_42 = arith.addf %add3A_40, %add3A_41 : vector<2048x64xf32>
    %slice3A_43 = vector.extract_strided_slice %add3A_42 {offsets = [0, 0], sizes = [2048, 16], strides = [1, 1]} : vector<2048x64xf32> to vector<2048x16xf32>
    %logistic3A = arith.negf %slice3A_43 : vector<2048x16xf32>
    %logistic3A_44 = math.exp %logistic3A : vector<2048x16xf32>
    %logistic3A_45 = arith.constant 1.000000e+00 : f32
    %logistic3A_46 = vector.broadcast %logistic3A_45 : f32 to vector<2048x16xf32>
    %logistic3A_47 = arith.addf %logistic3A_46, %logistic3A_44 : vector<2048x16xf32>
    %logistic3A_48 = arith.divf %logistic3A_46, %logistic3A_47 : vector<2048x16xf32>
    %slice3A_49 = vector.extract_strided_slice %add3A_42 {offsets = [0, 16], sizes = [2048, 16], strides = [1, 1]} : vector<2048x64xf32> to vector<2048x16xf32>
    %logistic3A_50 = arith.negf %slice3A_49 : vector<2048x16xf32>
    %logistic3A_51 = math.exp %logistic3A_50 : vector<2048x16xf32>
    %logistic3A_52 = arith.constant 1.000000e+00 : f32
    %logistic3A_53 = vector.broadcast %logistic3A_52 : f32 to vector<2048x16xf32>
    %logistic3A_54 = arith.addf %logistic3A_53, %logistic3A_51 : vector<2048x16xf32>
    %logistic3A_55 = arith.divf %logistic3A_53, %logistic3A_54 : vector<2048x16xf32>
    %slice3A_56 = vector.extract_strided_slice %add3A_42 {offsets = [0, 32], sizes = [2048, 16], strides = [1, 1]} : vector<2048x64xf32> to vector<2048x16xf32>
    %tanh3A = math.tanh %slice3A_56 : vector<2048x16xf32>
    %slice3A_57 = vector.extract_strided_slice %add3A_42 {offsets = [0, 48], sizes = [2048, 16], strides = [1, 1]} : vector<2048x64xf32> to vector<2048x16xf32>
    %logistic3A_58 = arith.negf %slice3A_57 : vector<2048x16xf32>
    %logistic3A_59 = math.exp %logistic3A_58 : vector<2048x16xf32>
    %logistic3A_60 = arith.constant 1.000000e+00 : f32
    %logistic3A_61 = vector.broadcast %logistic3A_60 : f32 to vector<2048x16xf32>
    %logistic3A_62 = arith.addf %logistic3A_61, %logistic3A_59 : vector<2048x16xf32>
    %logistic3A_63 = arith.divf %logistic3A_61, %logistic3A_62 : vector<2048x16xf32>
    %mul3A_64 = arith.mulf %logistic3A_55, %broadcast_in_dim3A_26 : vector<2048x16xf32>
    %mul3A_65 = arith.mulf %logistic3A_48, %tanh3A : vector<2048x16xf32>
    %add3A_66 = arith.addf %mul3A_64, %mul3A_65 : vector<2048x16xf32>
    %tanh3A_67 = math.tanh %add3A_66 : vector<2048x16xf32>
    %mul3A_68 = arith.mulf %logistic3A_63, %tanh3A_67 : vector<2048x16xf32>
    %slice3A_69 = vector.extract_strided_slice %max3A_23 {offsets = [0, 16], sizes = [2048, 16], strides = [1, 1]} : vector<2048x128xf32> to vector<2048x16xf32>
    %get3A_70 = arith.constant 0 : index
    %get3A_71 = arith.constant 0 : index
    %get3A_72 = vector.load %arg5[%get3A_70, %get3A_71] : memref<16x64xf32, #tpu.memory_space<vmem>>, vector<16x64xf32>
    %dot_general3A_73 = arith.constant dense<0.000000e+00> : vector<2048x64xf32>
    %dot_general3A_74 = tpu.matmul %slice3A_69, %get3A_72, %dot_general3A_73 {dimension_numbers = #tpu.dot_dimension_numbers<[1], [0], [0], [1], [0, 0, 1, 1], [], []>, transpose_lhs_hint = false} : vector<2048x16xf32>, vector<16x64xf32>, vector<2048x64xf32> -> vector<2048x64xf32>
    %get3A_75 = arith.constant 0 : index
    %get3A_76 = arith.constant 0 : index
    %get3A_77 = vector.load %arg6[%get3A_75, %get3A_76] : memref<16x64xf32, #tpu.memory_space<vmem>>, vector<16x64xf32>
    %dot_general3A_78 = arith.constant dense<0.000000e+00> : vector<2048x64xf32>
    %dot_general3A_79 = tpu.matmul %mul3A_68, %get3A_77, %dot_general3A_78 {dimension_numbers = #tpu.dot_dimension_numbers<[1], [0], [0], [1], [0, 0, 1, 1], [], []>, transpose_lhs_hint = false} : vector<2048x16xf32>, vector<16x64xf32>, vector<2048x64xf32> -> vector<2048x64xf32>
    %add3A_80 = arith.addf %dot_general3A_74, %dot_general3A_79 : vector<2048x64xf32>
    %add3A_81 = vector.broadcast %get3A_29 : vector<1x64xf32> to vector<2048x64xf32>
    %add3A_82 = arith.addf %add3A_80, %add3A_81 : vector<2048x64xf32>
    %slice3A_83 = vector.extract_strided_slice %add3A_82 {offsets = [0, 0], sizes = [2048, 16], strides = [1, 1]} : vector<2048x64xf32> to vector<2048x16xf32>
    %logistic3A_84 = arith.negf %slice3A_83 : vector<2048x16xf32>
    %logistic3A_85 = math.exp %logistic3A_84 : vector<2048x16xf32>
    %logistic3A_86 = arith.constant 1.000000e+00 : f32
    %logistic3A_87 = vector.broadcast %logistic3A_86 : f32 to vector<2048x16xf32>
    %logistic3A_88 = arith.addf %logistic3A_87, %logistic3A_85 : vector<2048x16xf32>
    %logistic3A_89 = arith.divf %logistic3A_87, %logistic3A_88 : vector<2048x16xf32>
    %slice3A_90 = vector.extract_strided_slice %add3A_82 {offsets = [0, 16], sizes = [2048, 16], strides = [1, 1]} : vector<2048x64xf32> to vector<2048x16xf32>
    %logistic3A_91 = arith.negf %slice3A_90 : vector<2048x16xf32>
    %logistic3A_92 = math.exp %logistic3A_91 : vector<2048x16xf32>
    %logistic3A_93 = arith.constant 1.000000e+00 : f32
    %logistic3A_94 = vector.broadcast %logistic3A_93 : f32 to vector<2048x16xf32>
    %logistic3A_95 = arith.addf %logistic3A_94, %logistic3A_92 : vector<2048x16xf32>
    %logistic3A_96 = arith.divf %logistic3A_94, %logistic3A_95 : vector<2048x16xf32>
    %slice3A_97 = vector.extract_strided_slice %add3A_82 {offsets = [0, 32], sizes = [2048, 16], strides = [1, 1]} : vector<2048x64xf32> to vector<2048x16xf32>
    %tanh3A_98 = math.tanh %slice3A_97 : vector<2048x16xf32>
    %slice3A_99 = vector.extract_strided_slice %add3A_82 {offsets = [0, 48], sizes = [2048, 16], strides = [1, 1]} : vector<2048x64xf32> to vector<2048x16xf32>
    %logistic3A_100 = arith.negf %slice3A_99 : vector<2048x16xf32>
    %logistic3A_101 = math.exp %logistic3A_100 : vector<2048x16xf32>
    %logistic3A_102 = arith.constant 1.000000e+00 : f32
    %logistic3A_103 = vector.broadcast %logistic3A_102 : f32 to vector<2048x16xf32>
    %logistic3A_104 = arith.addf %logistic3A_103, %logistic3A_101 : vector<2048x16xf32>
    %logistic3A_105 = arith.divf %logistic3A_103, %logistic3A_104 : vector<2048x16xf32>
    %mul3A_106 = arith.mulf %logistic3A_96, %add3A_66 : vector<2048x16xf32>
    %mul3A_107 = arith.mulf %logistic3A_89, %tanh3A_98 : vector<2048x16xf32>
    %add3A_108 = arith.addf %mul3A_106, %mul3A_107 : vector<2048x16xf32>
    %tanh3A_109 = math.tanh %add3A_108 : vector<2048x16xf32>
    %mul3A_110 = arith.mulf %logistic3A_105, %tanh3A_109 : vector<2048x16xf32>
    %slice3A_111 = vector.extract_strided_slice %max3A_23 {offsets = [0, 32], sizes = [2048, 16], strides = [1, 1]} : vector<2048x128xf32> to vector<2048x16xf32>
    %get3A_112 = arith.constant 0 : index
    %get3A_113 = arith.constant 0 : index
    %get3A_114 = vector.load %arg5[%get3A_112, %get3A_113] : memref<16x64xf32, #tpu.memory_space<vmem>>, vector<16x64xf32>
    %dot_general3A_115 = arith.constant dense<0.000000e+00> : vector<2048x64xf32>
    %dot_general3A_116 = tpu.matmul %slice3A_111, %get3A_114, %dot_general3A_115 {dimension_numbers = #tpu.dot_dimension_numbers<[1], [0], [0], [1], [0, 0, 1, 1], [], []>, transpose_lhs_hint = false} : vector<2048x16xf32>, vector<16x64xf32>, vector<2048x64xf32> -> vector<2048x64xf32>
    %get3A_117 = arith.constant 0 : index
    %get3A_118 = arith.constant 0 : index
    %get3A_119 = vector.load %arg6[%get3A_117, %get3A_118] : memref<16x64xf32, #tpu.memory_space<vmem>>, vector<16x64xf32>
    %dot_general3A_120 = arith.constant dense<0.000000e+00> : vector<2048x64xf32>
    %dot_general3A_121 = tpu.matmul %mul3A_110, %get3A_119, %dot_general3A_120 {dimension_numbers = #tpu.dot_dimension_numbers<[1], [0], [0], [1], [0, 0, 1, 1], [], []>, transpose_lhs_hint = false} : vector<2048x16xf32>, vector<16x64xf32>, vector<2048x64xf32> -> vector<2048x64xf32>
    %add3A_122 = arith.addf %dot_general3A_116, %dot_general3A_121 : vector<2048x64xf32>
    %add3A_123 = vector.broadcast %get3A_29 : vector<1x64xf32> to vector<2048x64xf32>
    %add3A_124 = arith.addf %add3A_122, %add3A_123 : vector<2048x64xf32>
    %slice3A_125 = vector.extract_strided_slice %add3A_124 {offsets = [0, 0], sizes = [2048, 16], strides = [1, 1]} : vector<2048x64xf32> to vector<2048x16xf32>
    %logistic3A_126 = arith.negf %slice3A_125 : vector<2048x16xf32>
    %logistic3A_127 = math.exp %logistic3A_126 : vector<2048x16xf32>
    %logistic3A_128 = arith.constant 1.000000e+00 : f32
    %logistic3A_129 = vector.broadcast %logistic3A_128 : f32 to vector<2048x16xf32>
    %logistic3A_130 = arith.addf %logistic3A_129, %logistic3A_127 : vector<2048x16xf32>
    %logistic3A_131 = arith.divf %logistic3A_129, %logistic3A_130 : vector<2048x16xf32>
    %slice3A_132 = vector.extract_strided_slice %add3A_124 {offsets = [0, 16], sizes = [2048, 16], strides = [1, 1]} : vector<2048x64xf32> to vector<2048x16xf32>
    %logistic3A_133 = arith.negf %slice3A_132 : vector<2048x16xf32>
    %logistic3A_134 = math.exp %logistic3A_133 : vector<2048x16xf32>
    %logistic3A_135 = arith.constant 1.000000e+00 : f32
    %logistic3A_136 = vector.broadcast %logistic3A_135 : f32 to vector<2048x16xf32>
    %logistic3A_137 = arith.addf %logistic3A_136, %logistic3A_134 : vector<2048x16xf32>
    %logistic3A_138 = arith.divf %logistic3A_136, %logistic3A_137 : vector<2048x16xf32>
    %slice3A_139 = vector.extract_strided_slice %add3A_124 {offsets = [0, 32], sizes = [2048, 16], strides = [1, 1]} : vector<2048x64xf32> to vector<2048x16xf32>
    %tanh3A_140 = math.tanh %slice3A_139 : vector<2048x16xf32>
    %slice3A_141 = vector.extract_strided_slice %add3A_124 {offsets = [0, 48], sizes = [2048, 16], strides = [1, 1]} : vector<2048x64xf32> to vector<2048x16xf32>
    %logistic3A_142 = arith.negf %slice3A_141 : vector<2048x16xf32>
    %logistic3A_143 = math.exp %logistic3A_142 : vector<2048x16xf32>
    %logistic3A_144 = arith.constant 1.000000e+00 : f32
    %logistic3A_145 = vector.broadcast %logistic3A_144 : f32 to vector<2048x16xf32>
    %logistic3A_146 = arith.addf %logistic3A_145, %logistic3A_143 : vector<2048x16xf32>
    %logistic3A_147 = arith.divf %logistic3A_145, %logistic3A_146 : vector<2048x16xf32>
    %mul3A_148 = arith.mulf %logistic3A_138, %add3A_108 : vector<2048x16xf32>
    %mul3A_149 = arith.mulf %logistic3A_131, %tanh3A_140 : vector<2048x16xf32>
    %add3A_150 = arith.addf %mul3A_148, %mul3A_149 : vector<2048x16xf32>
    %tanh3A_151 = math.tanh %add3A_150 : vector<2048x16xf32>
    %mul3A_152 = arith.mulf %logistic3A_147, %tanh3A_151 : vector<2048x16xf32>
    %slice3A_153 = vector.extract_strided_slice %max3A_23 {offsets = [0, 48], sizes = [2048, 16], strides = [1, 1]} : vector<2048x128xf32> to vector<2048x16xf32>
    %get3A_154 = arith.constant 0 : index
    %get3A_155 = arith.constant 0 : index
    %get3A_156 = vector.load %arg5[%get3A_154, %get3A_155] : memref<16x64xf32, #tpu.memory_space<vmem>>, vector<16x64xf32>
    %dot_general3A_157 = arith.constant dense<0.000000e+00> : vector<2048x64xf32>
    %dot_general3A_158 = tpu.matmul %slice3A_153, %get3A_156, %dot_general3A_157 {dimension_numbers = #tpu.dot_dimension_numbers<[1], [0], [0], [1], [0, 0, 1, 1], [], []>, transpose_lhs_hint = false} : vector<2048x16xf32>, vector<16x64xf32>, vector<2048x64xf32> -> vector<2048x64xf32>
    %get3A_159 = arith.constant 0 : index
    %get3A_160 = arith.constant 0 : index
    %get3A_161 = vector.load %arg6[%get3A_159, %get3A_160] : memref<16x64xf32, #tpu.memory_space<vmem>>, vector<16x64xf32>
    %dot_general3A_162 = arith.constant dense<0.000000e+00> : vector<2048x64xf32>
    %dot_general3A_163 = tpu.matmul %mul3A_152, %get3A_161, %dot_general3A_162 {dimension_numbers = #tpu.dot_dimension_numbers<[1], [0], [0], [1], [0, 0, 1, 1], [], []>, transpose_lhs_hint = false} : vector<2048x16xf32>, vector<16x64xf32>, vector<2048x64xf32> -> vector<2048x64xf32>
    %add3A_164 = arith.addf %dot_general3A_158, %dot_general3A_163 : vector<2048x64xf32>
    %add3A_165 = vector.broadcast %get3A_29 : vector<1x64xf32> to vector<2048x64xf32>
    %add3A_166 = arith.addf %add3A_164, %add3A_165 : vector<2048x64xf32>
    %slice3A_167 = vector.extract_strided_slice %add3A_166 {offsets = [0, 0], sizes = [2048, 16], strides = [1, 1]} : vector<2048x64xf32> to vector<2048x16xf32>
    %logistic3A_168 = arith.negf %slice3A_167 : vector<2048x16xf32>
    %logistic3A_169 = math.exp %logistic3A_168 : vector<2048x16xf32>
    %logistic3A_170 = arith.constant 1.000000e+00 : f32
    %logistic3A_171 = vector.broadcast %logistic3A_170 : f32 to vector<2048x16xf32>
    %logistic3A_172 = arith.addf %logistic3A_171, %logistic3A_169 : vector<2048x16xf32>
    %logistic3A_173 = arith.divf %logistic3A_171, %logistic3A_172 : vector<2048x16xf32>
    %slice3A_174 = vector.extract_strided_slice %add3A_166 {offsets = [0, 16], sizes = [2048, 16], strides = [1, 1]} : vector<2048x64xf32> to vector<2048x16xf32>
    %logistic3A_175 = arith.negf %slice3A_174 : vector<2048x16xf32>
    %logistic3A_176 = math.exp %logistic3A_175 : vector<2048x16xf32>
    %logistic3A_177 = arith.constant 1.000000e+00 : f32
    %logistic3A_178 = vector.broadcast %logistic3A_177 : f32 to vector<2048x16xf32>
    %logistic3A_179 = arith.addf %logistic3A_178, %logistic3A_176 : vector<2048x16xf32>
    %logistic3A_180 = arith.divf %logistic3A_178, %logistic3A_179 : vector<2048x16xf32>
    %slice3A_181 = vector.extract_strided_slice %add3A_166 {offsets = [0, 32], sizes = [2048, 16], strides = [1, 1]} : vector<2048x64xf32> to vector<2048x16xf32>
    %tanh3A_182 = math.tanh %slice3A_181 : vector<2048x16xf32>
    %slice3A_183 = vector.extract_strided_slice %add3A_166 {offsets = [0, 48], sizes = [2048, 16], strides = [1, 1]} : vector<2048x64xf32> to vector<2048x16xf32>
    %logistic3A_184 = arith.negf %slice3A_183 : vector<2048x16xf32>
    %logistic3A_185 = math.exp %logistic3A_184 : vector<2048x16xf32>
    %logistic3A_186 = arith.constant 1.000000e+00 : f32
    %logistic3A_187 = vector.broadcast %logistic3A_186 : f32 to vector<2048x16xf32>
    %logistic3A_188 = arith.addf %logistic3A_187, %logistic3A_185 : vector<2048x16xf32>
    %logistic3A_189 = arith.divf %logistic3A_187, %logistic3A_188 : vector<2048x16xf32>
    %mul3A_190 = arith.mulf %logistic3A_180, %add3A_150 : vector<2048x16xf32>
    %mul3A_191 = arith.mulf %logistic3A_173, %tanh3A_182 : vector<2048x16xf32>
    %add3A_192 = arith.addf %mul3A_190, %mul3A_191 : vector<2048x16xf32>
    %tanh3A_193 = math.tanh %add3A_192 : vector<2048x16xf32>
    %mul3A_194 = arith.mulf %logistic3A_189, %tanh3A_193 : vector<2048x16xf32>
    %slice3A_195 = vector.extract_strided_slice %max3A_23 {offsets = [0, 64], sizes = [2048, 16], strides = [1, 1]} : vector<2048x128xf32> to vector<2048x16xf32>
    %get3A_196 = arith.constant 0 : index
    %get3A_197 = arith.constant 0 : index
    %get3A_198 = vector.load %arg5[%get3A_196, %get3A_197] : memref<16x64xf32, #tpu.memory_space<vmem>>, vector<16x64xf32>
    %dot_general3A_199 = arith.constant dense<0.000000e+00> : vector<2048x64xf32>
    %dot_general3A_200 = tpu.matmul %slice3A_195, %get3A_198, %dot_general3A_199 {dimension_numbers = #tpu.dot_dimension_numbers<[1], [0], [0], [1], [0, 0, 1, 1], [], []>, transpose_lhs_hint = false} : vector<2048x16xf32>, vector<16x64xf32>, vector<2048x64xf32> -> vector<2048x64xf32>
    %get3A_201 = arith.constant 0 : index
    %get3A_202 = arith.constant 0 : index
    %get3A_203 = vector.load %arg6[%get3A_201, %get3A_202] : memref<16x64xf32, #tpu.memory_space<vmem>>, vector<16x64xf32>
    %dot_general3A_204 = arith.constant dense<0.000000e+00> : vector<2048x64xf32>
    %dot_general3A_205 = tpu.matmul %mul3A_194, %get3A_203, %dot_general3A_204 {dimension_numbers = #tpu.dot_dimension_numbers<[1], [0], [0], [1], [0, 0, 1, 1], [], []>, transpose_lhs_hint = false} : vector<2048x16xf32>, vector<16x64xf32>, vector<2048x64xf32> -> vector<2048x64xf32>
    %add3A_206 = arith.addf %dot_general3A_200, %dot_general3A_205 : vector<2048x64xf32>
    %add3A_207 = vector.broadcast %get3A_29 : vector<1x64xf32> to vector<2048x64xf32>
    %add3A_208 = arith.addf %add3A_206, %add3A_207 : vector<2048x64xf32>
    %slice3A_209 = vector.extract_strided_slice %add3A_208 {offsets = [0, 0], sizes = [2048, 16], strides = [1, 1]} : vector<2048x64xf32> to vector<2048x16xf32>
    %logistic3A_210 = arith.negf %slice3A_209 : vector<2048x16xf32>
    %logistic3A_211 = math.exp %logistic3A_210 : vector<2048x16xf32>
    %logistic3A_212 = arith.constant 1.000000e+00 : f32
    %logistic3A_213 = vector.broadcast %logistic3A_212 : f32 to vector<2048x16xf32>
    %logistic3A_214 = arith.addf %logistic3A_213, %logistic3A_211 : vector<2048x16xf32>
    %logistic3A_215 = arith.divf %logistic3A_213, %logistic3A_214 : vector<2048x16xf32>
    %slice3A_216 = vector.extract_strided_slice %add3A_208 {offsets = [0, 16], sizes = [2048, 16], strides = [1, 1]} : vector<2048x64xf32> to vector<2048x16xf32>
    %logistic3A_217 = arith.negf %slice3A_216 : vector<2048x16xf32>
    %logistic3A_218 = math.exp %logistic3A_217 : vector<2048x16xf32>
    %logistic3A_219 = arith.constant 1.000000e+00 : f32
    %logistic3A_220 = vector.broadcast %logistic3A_219 : f32 to vector<2048x16xf32>
    %logistic3A_221 = arith.addf %logistic3A_220, %logistic3A_218 : vector<2048x16xf32>
    %logistic3A_222 = arith.divf %logistic3A_220, %logistic3A_221 : vector<2048x16xf32>
    %slice3A_223 = vector.extract_strided_slice %add3A_208 {offsets = [0, 32], sizes = [2048, 16], strides = [1, 1]} : vector<2048x64xf32> to vector<2048x16xf32>
    %tanh3A_224 = math.tanh %slice3A_223 : vector<2048x16xf32>
    %slice3A_225 = vector.extract_strided_slice %add3A_208 {offsets = [0, 48], sizes = [2048, 16], strides = [1, 1]} : vector<2048x64xf32> to vector<2048x16xf32>
    %logistic3A_226 = arith.negf %slice3A_225 : vector<2048x16xf32>
    %logistic3A_227 = math.exp %logistic3A_226 : vector<2048x16xf32>
    %logistic3A_228 = arith.constant 1.000000e+00 : f32
    %logistic3A_229 = vector.broadcast %logistic3A_228 : f32 to vector<2048x16xf32>
    %logistic3A_230 = arith.addf %logistic3A_229, %logistic3A_227 : vector<2048x16xf32>
    %logistic3A_231 = arith.divf %logistic3A_229, %logistic3A_230 : vector<2048x16xf32>
    %mul3A_232 = arith.mulf %logistic3A_222, %add3A_192 : vector<2048x16xf32>
    %mul3A_233 = arith.mulf %logistic3A_215, %tanh3A_224 : vector<2048x16xf32>
    %add3A_234 = arith.addf %mul3A_232, %mul3A_233 : vector<2048x16xf32>
    %tanh3A_235 = math.tanh %add3A_234 : vector<2048x16xf32>
    %mul3A_236 = arith.mulf %logistic3A_231, %tanh3A_235 : vector<2048x16xf32>
    %slice3A_237 = vector.extract_strided_slice %max3A_23 {offsets = [0, 80], sizes = [2048, 16], strides = [1, 1]} : vector<2048x128xf32> to vector<2048x16xf32>
    %get3A_238 = arith.constant 0 : index
    %get3A_239 = arith.constant 0 : index
    %get3A_240 = vector.load %arg5[%get3A_238, %get3A_239] : memref<16x64xf32, #tpu.memory_space<vmem>>, vector<16x64xf32>
    %dot_general3A_241 = arith.constant dense<0.000000e+00> : vector<2048x64xf32>
    %dot_general3A_242 = tpu.matmul %slice3A_237, %get3A_240, %dot_general3A_241 {dimension_numbers = #tpu.dot_dimension_numbers<[1], [0], [0], [1], [0, 0, 1, 1], [], []>, transpose_lhs_hint = false} : vector<2048x16xf32>, vector<16x64xf32>, vector<2048x64xf32> -> vector<2048x64xf32>
    %get3A_243 = arith.constant 0 : index
    %get3A_244 = arith.constant 0 : index
    %get3A_245 = vector.load %arg6[%get3A_243, %get3A_244] : memref<16x64xf32, #tpu.memory_space<vmem>>, vector<16x64xf32>
    %dot_general3A_246 = arith.constant dense<0.000000e+00> : vector<2048x64xf32>
    %dot_general3A_247 = tpu.matmul %mul3A_236, %get3A_245, %dot_general3A_246 {dimension_numbers = #tpu.dot_dimension_numbers<[1], [0], [0], [1], [0, 0, 1, 1], [], []>, transpose_lhs_hint = false} : vector<2048x16xf32>, vector<16x64xf32>, vector<2048x64xf32> -> vector<2048x64xf32>
    %add3A_248 = arith.addf %dot_general3A_242, %dot_general3A_247 : vector<2048x64xf32>
    %add3A_249 = vector.broadcast %get3A_29 : vector<1x64xf32> to vector<2048x64xf32>
    %add3A_250 = arith.addf %add3A_248, %add3A_249 : vector<2048x64xf32>
    %slice3A_251 = vector.extract_strided_slice %add3A_250 {offsets = [0, 0], sizes = [2048, 16], strides = [1, 1]} : vector<2048x64xf32> to vector<2048x16xf32>
    %logistic3A_252 = arith.negf %slice3A_251 : vector<2048x16xf32>
    %logistic3A_253 = math.exp %logistic3A_252 : vector<2048x16xf32>
    %logistic3A_254 = arith.constant 1.000000e+00 : f32
    %logistic3A_255 = vector.broadcast %logistic3A_254 : f32 to vector<2048x16xf32>
    %logistic3A_256 = arith.addf %logistic3A_255, %logistic3A_253 : vector<2048x16xf32>
    %logistic3A_257 = arith.divf %logistic3A_255, %logistic3A_256 : vector<2048x16xf32>
    %slice3A_258 = vector.extract_strided_slice %add3A_250 {offsets = [0, 16], sizes = [2048, 16], strides = [1, 1]} : vector<2048x64xf32> to vector<2048x16xf32>
    %logistic3A_259 = arith.negf %slice3A_258 : vector<2048x16xf32>
    %logistic3A_260 = math.exp %logistic3A_259 : vector<2048x16xf32>
    %logistic3A_261 = arith.constant 1.000000e+00 : f32
    %logistic3A_262 = vector.broadcast %logistic3A_261 : f32 to vector<2048x16xf32>
    %logistic3A_263 = arith.addf %logistic3A_262, %logistic3A_260 : vector<2048x16xf32>
    %logistic3A_264 = arith.divf %logistic3A_262, %logistic3A_263 : vector<2048x16xf32>
    %slice3A_265 = vector.extract_strided_slice %add3A_250 {offsets = [0, 32], sizes = [2048, 16], strides = [1, 1]} : vector<2048x64xf32> to vector<2048x16xf32>
    %tanh3A_266 = math.tanh %slice3A_265 : vector<2048x16xf32>
    %slice3A_267 = vector.extract_strided_slice %add3A_250 {offsets = [0, 48], sizes = [2048, 16], strides = [1, 1]} : vector<2048x64xf32> to vector<2048x16xf32>
    %logistic3A_268 = arith.negf %slice3A_267 : vector<2048x16xf32>
    %logistic3A_269 = math.exp %logistic3A_268 : vector<2048x16xf32>
    %logistic3A_270 = arith.constant 1.000000e+00 : f32
    %logistic3A_271 = vector.broadcast %logistic3A_270 : f32 to vector<2048x16xf32>
    %logistic3A_272 = arith.addf %logistic3A_271, %logistic3A_269 : vector<2048x16xf32>
    %logistic3A_273 = arith.divf %logistic3A_271, %logistic3A_272 : vector<2048x16xf32>
    %mul3A_274 = arith.mulf %logistic3A_264, %add3A_234 : vector<2048x16xf32>
    %mul3A_275 = arith.mulf %logistic3A_257, %tanh3A_266 : vector<2048x16xf32>
    %add3A_276 = arith.addf %mul3A_274, %mul3A_275 : vector<2048x16xf32>
    %tanh3A_277 = math.tanh %add3A_276 : vector<2048x16xf32>
    %mul3A_278 = arith.mulf %logistic3A_273, %tanh3A_277 : vector<2048x16xf32>
    %slice3A_279 = vector.extract_strided_slice %max3A_23 {offsets = [0, 96], sizes = [2048, 16], strides = [1, 1]} : vector<2048x128xf32> to vector<2048x16xf32>
    %get3A_280 = arith.constant 0 : index
    %get3A_281 = arith.constant 0 : index
    %get3A_282 = vector.load %arg5[%get3A_280, %get3A_281] : memref<16x64xf32, #tpu.memory_space<vmem>>, vector<16x64xf32>
    %dot_general3A_283 = arith.constant dense<0.000000e+00> : vector<2048x64xf32>
    %dot_general3A_284 = tpu.matmul %slice3A_279, %get3A_282, %dot_general3A_283 {dimension_numbers = #tpu.dot_dimension_numbers<[1], [0], [0], [1], [0, 0, 1, 1], [], []>, transpose_lhs_hint = false} : vector<2048x16xf32>, vector<16x64xf32>, vector<2048x64xf32> -> vector<2048x64xf32>
    %get3A_285 = arith.constant 0 : index
    %get3A_286 = arith.constant 0 : index
    %get3A_287 = vector.load %arg6[%get3A_285, %get3A_286] : memref<16x64xf32, #tpu.memory_space<vmem>>, vector<16x64xf32>
    %dot_general3A_288 = arith.constant dense<0.000000e+00> : vector<2048x64xf32>
    %dot_general3A_289 = tpu.matmul %mul3A_278, %get3A_287, %dot_general3A_288 {dimension_numbers = #tpu.dot_dimension_numbers<[1], [0], [0], [1], [0, 0, 1, 1], [], []>, transpose_lhs_hint = false} : vector<2048x16xf32>, vector<16x64xf32>, vector<2048x64xf32> -> vector<2048x64xf32>
    %add3A_290 = arith.addf %dot_general3A_284, %dot_general3A_289 : vector<2048x64xf32>
    %add3A_291 = vector.broadcast %get3A_29 : vector<1x64xf32> to vector<2048x64xf32>
    %add3A_292 = arith.addf %add3A_290, %add3A_291 : vector<2048x64xf32>
    %slice3A_293 = vector.extract_strided_slice %add3A_292 {offsets = [0, 0], sizes = [2048, 16], strides = [1, 1]} : vector<2048x64xf32> to vector<2048x16xf32>
    %logistic3A_294 = arith.negf %slice3A_293 : vector<2048x16xf32>
    %logistic3A_295 = math.exp %logistic3A_294 : vector<2048x16xf32>
    %logistic3A_296 = arith.constant 1.000000e+00 : f32
    %logistic3A_297 = vector.broadcast %logistic3A_296 : f32 to vector<2048x16xf32>
    %logistic3A_298 = arith.addf %logistic3A_297, %logistic3A_295 : vector<2048x16xf32>
    %logistic3A_299 = arith.divf %logistic3A_297, %logistic3A_298 : vector<2048x16xf32>
    %slice3A_300 = vector.extract_strided_slice %add3A_292 {offsets = [0, 16], sizes = [2048, 16], strides = [1, 1]} : vector<2048x64xf32> to vector<2048x16xf32>
    %logistic3A_301 = arith.negf %slice3A_300 : vector<2048x16xf32>
    %logistic3A_302 = math.exp %logistic3A_301 : vector<2048x16xf32>
    %logistic3A_303 = arith.constant 1.000000e+00 : f32
    %logistic3A_304 = vector.broadcast %logistic3A_303 : f32 to vector<2048x16xf32>
    %logistic3A_305 = arith.addf %logistic3A_304, %logistic3A_302 : vector<2048x16xf32>
    %logistic3A_306 = arith.divf %logistic3A_304, %logistic3A_305 : vector<2048x16xf32>
    %slice3A_307 = vector.extract_strided_slice %add3A_292 {offsets = [0, 32], sizes = [2048, 16], strides = [1, 1]} : vector<2048x64xf32> to vector<2048x16xf32>
    %tanh3A_308 = math.tanh %slice3A_307 : vector<2048x16xf32>
    %slice3A_309 = vector.extract_strided_slice %add3A_292 {offsets = [0, 48], sizes = [2048, 16], strides = [1, 1]} : vector<2048x64xf32> to vector<2048x16xf32>
    %logistic3A_310 = arith.negf %slice3A_309 : vector<2048x16xf32>
    %logistic3A_311 = math.exp %logistic3A_310 : vector<2048x16xf32>
    %logistic3A_312 = arith.constant 1.000000e+00 : f32
    %logistic3A_313 = vector.broadcast %logistic3A_312 : f32 to vector<2048x16xf32>
    %logistic3A_314 = arith.addf %logistic3A_313, %logistic3A_311 : vector<2048x16xf32>
    %logistic3A_315 = arith.divf %logistic3A_313, %logistic3A_314 : vector<2048x16xf32>
    %mul3A_316 = arith.mulf %logistic3A_306, %add3A_276 : vector<2048x16xf32>
    %mul3A_317 = arith.mulf %logistic3A_299, %tanh3A_308 : vector<2048x16xf32>
    %add3A_318 = arith.addf %mul3A_316, %mul3A_317 : vector<2048x16xf32>
    %tanh3A_319 = math.tanh %add3A_318 : vector<2048x16xf32>
    %mul3A_320 = arith.mulf %logistic3A_315, %tanh3A_319 : vector<2048x16xf32>
    %slice3A_321 = vector.extract_strided_slice %max3A_23 {offsets = [0, 112], sizes = [2048, 16], strides = [1, 1]} : vector<2048x128xf32> to vector<2048x16xf32>
    %get3A_322 = arith.constant 0 : index
    %get3A_323 = arith.constant 0 : index
    %get3A_324 = vector.load %arg5[%get3A_322, %get3A_323] : memref<16x64xf32, #tpu.memory_space<vmem>>, vector<16x64xf32>
    %dot_general3A_325 = arith.constant dense<0.000000e+00> : vector<2048x64xf32>
    %dot_general3A_326 = tpu.matmul %slice3A_321, %get3A_324, %dot_general3A_325 {dimension_numbers = #tpu.dot_dimension_numbers<[1], [0], [0], [1], [0, 0, 1, 1], [], []>, transpose_lhs_hint = false} : vector<2048x16xf32>, vector<16x64xf32>, vector<2048x64xf32> -> vector<2048x64xf32>
    %get3A_327 = arith.constant 0 : index
    %get3A_328 = arith.constant 0 : index
    %get3A_329 = vector.load %arg6[%get3A_327, %get3A_328] : memref<16x64xf32, #tpu.memory_space<vmem>>, vector<16x64xf32>
    %dot_general3A_330 = arith.constant dense<0.000000e+00> : vector<2048x64xf32>
    %dot_general3A_331 = tpu.matmul %mul3A_320, %get3A_329, %dot_general3A_330 {dimension_numbers = #tpu.dot_dimension_numbers<[1], [0], [0], [1], [0, 0, 1, 1], [], []>, transpose_lhs_hint = false} : vector<2048x16xf32>, vector<16x64xf32>, vector<2048x64xf32> -> vector<2048x64xf32>
    %add3A_332 = arith.addf %dot_general3A_326, %dot_general3A_331 : vector<2048x64xf32>
    %add3A_333 = vector.broadcast %get3A_29 : vector<1x64xf32> to vector<2048x64xf32>
    %add3A_334 = arith.addf %add3A_332, %add3A_333 : vector<2048x64xf32>
    %slice3A_335 = vector.extract_strided_slice %add3A_334 {offsets = [0, 0], sizes = [2048, 16], strides = [1, 1]} : vector<2048x64xf32> to vector<2048x16xf32>
    %logistic3A_336 = arith.negf %slice3A_335 : vector<2048x16xf32>
    %logistic3A_337 = math.exp %logistic3A_336 : vector<2048x16xf32>
    %logistic3A_338 = arith.constant 1.000000e+00 : f32
    %logistic3A_339 = vector.broadcast %logistic3A_338 : f32 to vector<2048x16xf32>
    %logistic3A_340 = arith.addf %logistic3A_339, %logistic3A_337 : vector<2048x16xf32>
    %logistic3A_341 = arith.divf %logistic3A_339, %logistic3A_340 : vector<2048x16xf32>
    %slice3A_342 = vector.extract_strided_slice %add3A_334 {offsets = [0, 16], sizes = [2048, 16], strides = [1, 1]} : vector<2048x64xf32> to vector<2048x16xf32>
    %logistic3A_343 = arith.negf %slice3A_342 : vector<2048x16xf32>
    %logistic3A_344 = math.exp %logistic3A_343 : vector<2048x16xf32>
    %logistic3A_345 = arith.constant 1.000000e+00 : f32
    %logistic3A_346 = vector.broadcast %logistic3A_345 : f32 to vector<2048x16xf32>
    %logistic3A_347 = arith.addf %logistic3A_346, %logistic3A_344 : vector<2048x16xf32>
    %logistic3A_348 = arith.divf %logistic3A_346, %logistic3A_347 : vector<2048x16xf32>
    %slice3A_349 = vector.extract_strided_slice %add3A_334 {offsets = [0, 32], sizes = [2048, 16], strides = [1, 1]} : vector<2048x64xf32> to vector<2048x16xf32>
    %tanh3A_350 = math.tanh %slice3A_349 : vector<2048x16xf32>
    %slice3A_351 = vector.extract_strided_slice %add3A_334 {offsets = [0, 48], sizes = [2048, 16], strides = [1, 1]} : vector<2048x64xf32> to vector<2048x16xf32>
    %logistic3A_352 = arith.negf %slice3A_351 : vector<2048x16xf32>
    %logistic3A_353 = math.exp %logistic3A_352 : vector<2048x16xf32>
    %logistic3A_354 = arith.constant 1.000000e+00 : f32
    %logistic3A_355 = vector.broadcast %logistic3A_354 : f32 to vector<2048x16xf32>
    %logistic3A_356 = arith.addf %logistic3A_355, %logistic3A_353 : vector<2048x16xf32>
    %logistic3A_357 = arith.divf %logistic3A_355, %logistic3A_356 : vector<2048x16xf32>
    %mul3A_358 = arith.mulf %logistic3A_348, %add3A_318 : vector<2048x16xf32>
    %mul3A_359 = arith.mulf %logistic3A_341, %tanh3A_350 : vector<2048x16xf32>
    %add3A_360 = arith.addf %mul3A_358, %mul3A_359 : vector<2048x16xf32>
    %tanh3A_361 = math.tanh %add3A_360 : vector<2048x16xf32>
    %mul3A_362 = arith.mulf %logistic3A_357, %tanh3A_361 : vector<2048x16xf32>
    %get3A_363 = arith.constant 0 : index
    %get3A_364 = arith.constant 0 : index
    %get3A_365 = vector.load %arg8[%get3A_363, %get3A_364] : memref<16x1xf32, #tpu.memory_space<vmem>>, vector<16x1xf32>
    %dot_general3A_366 = arith.constant dense<0.000000e+00> : vector<2048x1xf32>
    %dot_general3A_367 = tpu.matmul %mul3A_362, %get3A_365, %dot_general3A_366 {dimension_numbers = #tpu.dot_dimension_numbers<[1], [0], [0], [1], [0, 0, 1, 1], [], []>, transpose_lhs_hint = false} : vector<2048x16xf32>, vector<16x1xf32>, vector<2048x1xf32> -> vector<2048x1xf32>
    %get3A_368 = arith.constant 0 : index
    %get3A_369 = arith.constant 0 : index
    %get3A_370 = vector.load %arg9[%get3A_368, %get3A_369] : memref<1x1xf32, #tpu.memory_space<vmem>>, vector<1x1xf32>
    %add3A_371 = vector.broadcast %get3A_370 : vector<1x1xf32> to vector<2048x1xf32>
    %add3A_372 = arith.addf %dot_general3A_367, %add3A_371 : vector<2048x1xf32>
    %swap3A = arith.constant 0 : index
    %swap3A_373 = arith.constant 0 : index
    %swap3A_374 = vector.load %arg10[%swap3A, %swap3A_373] : memref<2048x1xf32, #tpu.memory_space<vmem>>, vector<2048x1xf32>
    tpu.vector_store %arg10[%swap3A, %swap3A_373], %add3A_372 {strides = array<i32>} : memref<2048x1xf32, #tpu.memory_space<vmem>>, vector<2048x1xf32>,
    return
  }
  func.func @transform_0(%arg0: i32) -> (i32, i32, i32) {
    %c0_i32 = arith.constant 0 : i32
    %c0_i32_0 = arith.constant 0 : i32
    %c0_i32_1 = arith.constant 0 : i32
    return %c0_i32, %arg0, %c0_i32_0 : i32, i32, i32
  }
  func.func @transform_1(%arg0: i32) -> (i32, i32) {
    %c0_i32 = arith.constant 0 : i32
    %c0_i32_0 = arith.constant 0 : i32
    return %arg0, %c0_i32 : i32, i32
  }
  func.func @transform_2(%arg0: i32) -> (i32, i32) {
    %c0_i32 = arith.constant 0 : i32
    %c0_i32_0 = arith.constant 0 : i32
    return %arg0, %c0_i32 : i32, i32
  }
  func.func @transform_3(%arg0: i32) -> (i32, i32) {
    %c0_i32 = arith.constant 0 : i32
    %c0_i32_0 = arith.constant 0 : i32
    %c0_i32_1 = arith.constant 0 : i32
    return %c0_i32, %c0_i32_0 : i32, i32
  }
  func.func @transform_4(%arg0: i32) -> (i32, i32) {
    %c0_i32 = arith.constant 0 : i32
    %c0_i32_0 = arith.constant 0 : i32
    %c0_i32_1 = arith.constant 0 : i32
    return %c0_i32, %c0_i32_0 : i32, i32
  }
  func.func @transform_5(%arg0: i32) -> (i32, i32) {
    %c0_i32 = arith.constant 0 : i32
    %c0_i32_0 = arith.constant 0 : i32
    %c0_i32_1 = arith.constant 0 : i32
    return %c0_i32, %c0_i32_0 : i32, i32
  }
  func.func @transform_6(%arg0: i32) -> (i32, i32) {
    %c0_i32 = arith.constant 0 : i32
    %c0_i32_0 = arith.constant 0 : i32
    %c0_i32_1 = arith.constant 0 : i32
    return %c0_i32, %c0_i32_0 : i32, i32
  }
  func.func @transform_7(%arg0: i32) -> (i32, i32) {
    %c0_i32 = arith.constant 0 : i32
    %c0_i32_0 = arith.constant 0 : i32
    %c0_i32_1 = arith.constant 0 : i32
    return %c0_i32, %c0_i32_0 : i32, i32
  }
  func.func @transform_8(%arg0: i32) -> (i32, i32) {
    %c0_i32 = arith.constant 0 : i32
    %c0_i32_0 = arith.constant 0 : i32
    %c0_i32_1 = arith.constant 0 : i32
    return %c0_i32, %c0_i32_0 : i32, i32
  }
  func.func @transform_9(%arg0: i32) -> (i32, i32) {
    %c0_i32 = arith.constant 0 : i32
    %c0_i32_0 = arith.constant 0 : i32
    return %arg0, %c0_i32 : i32, i32
  }
}

</mosaic_0001>

<sc_bundles>
// kernel: kernel.10.cloned.1.call-start
scs
__scs_entry_jumppad:
0x0: {  	(pc) =	sbr.rel $0x88, $3  }
0x1: {  	(tag) =	ssettag $0x0;
	lr =	simm.s32 $0x1  }
0x2: {  	[smem:$0x3F97] =	sst lr;
	_ =	strace $0xD0000000  }
0x3: {  	_ = 	snop  }
0x4: {  	_ = 	snop  }
0x5: {  	_ = 	snop  }
0x6: {  	_ = 	snop  }
0x7: {  	_ = 	snop  }
__scs_overlays_trampoline_lowered:
0x8: {  	[smem:$0x3FA6] =	sst s0  }
0x9: {  	[smem:$0x3FA7] =	sst s1  }
0xa: {  	[smem:$0x3FA8] =	sst s2  }
0xb: {  	[smem:$0x3FA9] =	sst s3  }
0xc: {  	[smem:$0x3FAA] =	sst s4  }
0xd: {  	[smem:$0x3FAB] =	sst s5  }
0xe: {  	[smem:$0x3FAC] =	sst s6  }
0xf: {  	[smem:$0x3FAD] =	sst s7  }
0x10: {  	[smem:$0x3FAE] =	sst s8  }
0x11: {  	[smem:$0x3FAF] =	sst s9;
	s0 =	simm.s32 @!p0 $0x0  }
0x12: {  	s1 =	sld [smem:$0x3F95];
	s0 =	simm.s32 @p0 $0x1  }
0x13: {  	[smem:$0x3FB0] =	sst s0;
	s0 =	simm.s32 @!p1 $0x0  }
0x14: {  	s2 =	sld [smem:$0x3F94];
	s0 =	simm.s32 @p1 $0x1  }
0x15: {  	[smem:$0x3FB1] =	sst s0;
	s0 =	simm.s32 @!p2 $0x0  }
0x16: {  	s3 =	sld [smem:$0x3FDB];
	s0 =	simm.s32 @p2 $0x1  }
0x17: {  	s4 =	simm.s32 $0x1BF5;
	[smem:$0x3FB3] =	sst s0  }
0x18: {  	s0 =	sld [smem:$0x3F96];
	_ =	swait.ge [sflag:s4], $0x0  }
0x19: {  	s7 =	sld [smem:$0x3F97]  }
0x1a: {  	s8 =	sadd.s32 $0xFFFFE003, lr  }
0x1b: {  	s9 =	sadd.s32 $0xFFFFFEF7, lr;
	s5 =	simm.s32 $0xFFFFFFFF;
	p2 =	slt.u32 s8, $0xFFFFF086  }
0x1c: {  	p1 =	slt.u32 s9, $0xF7A;
	s5 =	simm.s32 @!p2 $0x0  }
0x1d: {  	s5 =	simm.s32 @p1 $0x1;
	p0 =	seq.s32 s7, s2  }
0x1e: {  	s7 =	smul.u32 @!p0 $0xF7A, s2;
	p2 =	seq.s32 @!p0 s5, $0x0  }
0x1f: {  	s9 =	smul.u32 $0xF7A, s1;
	s8 =	simm.s32 @!p0 $0x1BF5;
	p2 =	por !p2, p0  }
0x20: {  	[sflag:s8] =	ssyncset.s32 @!p0 $0xFFFFF086;
	s6 =	sadd.s32 @!p0 s3, s7;
	s7 =	simm.s32 @!p0 $0x108  }
0x21: {  	s3 =	sadd.s32 s3, s9;
	s6 =	sadd.s32 @!p0 $0x88, s6;
	s7 =	simm.s32 @p2 $0x1082  }
0x22: {  	[simem:s7], [sflag:s8] =	dma.local @!p0 [hbm:s6], $0xF7A  }
0x23: {  	s9 =	sor.u32 $0xD0000000, s2;
	s6 =	simm.s32 $0x108;
	_ =	swait.ge @!p0 [sflag:s8], $0x0  }
0x24: {  	s3 =	sadd.s32 $0x88, s3;
	s6 =	simm.s32 @!p1 $0x1082;
	[sflag:s4] =	ssyncset.s32 $0xFFFFF086  }
0x25: {  	[simem:s6], [sflag:s4] =	dma.local [hbm:s3], $0xF7A  }
0x26: {  	[smem:$0x3F97] =	sst s1;
	(tag) =	ssettag s2;
	_ =	strace s9  }
0x27: {  	s1 =	sld [smem:$0x3FA7]  }
0x28: {  	s2 =	sld [smem:$0x3FA8]  }
0x29: {  	s4 =	sld [smem:$0x3FAA]  }
0x2a: {  	p0 =	seq.s32 s5, $0x0;
	s5 =	sld [smem:$0x3FAB]  }
0x2b: {  	s6 =	sld [smem:$0x3FAC]  }
0x2c: {  	s7 =	sld [smem:$0x3FAD]  }
0x2d: {  	s3 =	simm.s32 $0x108;
	s8 =	sld [smem:$0x3FAE]  }
0x2e: {  	s3 =	simm.s32 @!p0 $0x1082;
	s9 =	sld [smem:$0x3FAF]  }
0x2f: {  	lr =	sadd.s32 s0, s3;
	s0 =	sld [smem:$0x3FA6]  }
0x30: {  	s3 =	sld [smem:$0x3FA9]  }
0x31: {  	[smem:$0x3FB2] =	sst s10  }
0x32: {  	s10 =	sld [smem:$0x3FB0];
	_ =	sdelay $0x3  }
0x33: {  	p0 =	seq.s32 s10, $0x1;
	s10 =	sld [smem:$0x3FB2];
	_ =	sdelay $0x3  }
0x34: {  	[smem:$0x3FB2] =	sst s10  }
0x35: {  	s10 =	sld [smem:$0x3FB1];
	_ =	sdelay $0x3  }
0x36: {  	p1 =	seq.s32 s10, $0x1;
	s10 =	sld [smem:$0x3FB2];
	_ =	sdelay $0x3  }
0x37: {  	[smem:$0x3FB2] =	sst s10  }
0x38: {  	s10 =	sld [smem:$0x3FB3]  }
0x39: {  	_ = 	snop;
	(pc) =	sbr.ind lr, $3  }
0x3a: {  	_ = 	snop  }
0x3b: {  	_ = 	snop  }
0x3c: {  	p2 =	seq.s32 s10, $0x1;
	s10 =	sld [smem:$0x3FB2]  }
0x3d: {  	_ =	shalt  }
0x3e: {  	_ =	shalt  }
0x3f: {  	_ =	shalt  }
0x40: {  	_ =	shalt  }
0x41: {  	_ =	shalt  }
0x42: {  	_ =	shalt  }
0x43: {  	_ =	shalt  }
0x44: {  	_ =	shalt  }
0x45: {  	_ =	shalt  }
0x46: {  	_ =	shalt  }
0x47: {  	_ =	shalt  }
0x48: {  	_ =	shalt  }
0x49: {  	_ =	shalt  }
0x4a: {  	_ =	shalt  }
0x4b: {  	_ =	shalt  }
0x4c: {  	_ =	shalt  }
0x4d: {  	_ =	shalt  }
0x4e: {  	_ =	shalt  }
0x4f: {  	_ =	shalt  }
0x50: {  	_ =	shalt  }
0x51: {  	_ =	shalt  }
0x52: {  	_ =	shalt  }
0x53: {  	_ =	shalt  }
0x54: {  	_ =	shalt  }
0x55: {  	_ =	shalt  }
0x56: {  	_ =	shalt  }
0x57: {  	_ =	shalt  }
0x58: {  	_ =	shalt  }
0x59: {  	_ =	shalt  }
0x5a: {  	_ =	shalt  }
0x5b: {  	_ =	shalt  }
0x5c: {  	_ =	shalt  }
0x5d: {  	_ =	shalt  }
0x5e: {  	_ =	shalt  }
0x5f: {  	_ =	shalt  }
0x60: {  	_ =	shalt  }
0x61: {  	_ =	shalt  }
0x62: {  	_ =	shalt  }
0x63: {  	_ =	shalt  }
0x64: {  	_ =	shalt  }
0x65: {  	_ =	shalt  }
0x66: {  	_ =	shalt  }
0x67: {  	_ =	shalt  }
0x68: {  	_ =	shalt  }
0x69: {  	_ =	shalt  }
0x6a: {  	_ =	shalt  }
0x6b: {  	_ =	shalt  }
0x6c: {  	_ =	shalt  }
0x6d: {  	_ =	shalt  }
0x6e: {  	_ =	shalt  }
0x6f: {  	_ =	shalt  }
0x70: {  	_ =	shalt  }
0x71: {  	_ =	shalt  }
0x72: {  	_ =	shalt  }
0x73: {  	_ =	shalt  }
0x74: {  	_ =	shalt  }
0x75: {  	_ =	shalt  }
0x76: {  	_ =	shalt  }
0x77: {  	_ =	shalt  }
0x78: {  	_ =	shalt  }
0x79: {  	_ =	shalt  }
0x7a: {  	_ =	shalt  }
0x7b: {  	_ =	shalt  }
0x7c: {  	_ =	shalt  }
0x7d: {  	_ =	shalt  }
0x7e: {  	_ =	shalt  }
0x7f: {  	_ =	shalt  }
0x80: {  	_ =	shalt  }
0x81: {  	_ =	shalt  }
0x82: {  	_ =	shalt  }
0x83: {  	_ =	shalt  }
0x84: {  	_ =	shalt  }
0x85: {  	_ =	shalt  }
0x86: {  	_ =	shalt  }
0x87: {  	_ =	shalt  }
.Lfunc_end0:
.L_simem_size_0:
called_computation.1_lowered:
.L_overlay_start_0:
0x88: {  	s2 =	sld [smem:$0x3FD9]  }
0x89: {  	s3 =	sld [smem:$0x3FFE];
	_ =	sdelay $0x1  }
0x8a: {  	s1 =	srdreg.scid  }
0x8b: {  	s0 =	sand.u32 $0x1, s1  }
0x8c: {  	s16 =	sshll.u32 s0, $0xA;
	s2 =	sadd.s32 s3, s2  }
0x8d: {  	s2 =	sadd.s32 s2, s16  }
0x8e: {  	[smem:$0x3FBE] =	sst s2  }
0x8f: {  	_ = 	snop  }
0x90: {  	(tm) =	ssettm $0x1  }
0x91: {  	s17 =	sld [smem:$0x3FFB];
	_ =	sdelay $0x3  }
0x92: {  	_ =	strace s17  }
0x93: {  	s2 =	sld [smem:$0x3FFC];
	_ =	sdelay $0x3  }
0x94: {  	_ =	strace s2  }
0x95: {  	s2 =	sld [smem:$0x3FFD];
	_ =	sdelay $0x3  }
0x96: {  	_ =	strace s2  }
0x97: {  	_ =	strace $0x8FFFFFFF  }
0x98: {  	s18 =	sld [smem:$0x3FDB];
	_ =	sdelay $0x1  }
0x99: {  	s19 =	simm.s32 $_scs_section_size  }
0x9a: {  	s4 =	simm.s32 $_size__tile_overlayer_lowered;
	s5 =	simm.s32 $_tile_overlayer_lowered  }
0x9b: {  	s22 =	simm.s32 $0x1BFF;
	s21 =	sshll.u32 s5, $0x1;
	s2 =	sadd.s32 s19, s18  }
0x9c: {  	s6 =	simm.s32 $0x0;
	s20 =	sshll.u32 s4, $0x1;
	s4 =	sadd.s32 s21, s2  }
0x9d: {  	[timem:s6], [sflag:s22] =	dma.local [hbm:s4], s20  }
0x9e: {  	_ =	swait.ge [sflag:s22], s20  }
0x9f: {  	s3 =	ssub.s32 $0x0, s20;
	[sflag:s22] =	ssyncset.done $0x0  }
0xa0: {  	[sflag:s22] =	ssyncadd.s32 s3;
	_ =	sdelay $0x1  }
0xa1: {  	s23 =	simm.s32 $0x1B8B  }
0xa2: {  	_ =	swait.ge [sflag:s23], $0x1  }
0xa3: {  	[sflag:s23] =	ssyncset.done $0x0  }
0xa4: {  	s25 =	simm.s32 $0x1B8E;
	s24 =	sld [smem:$0x3FFE];
	[sflag:s23] =	ssyncadd.s32 $0xFFFFFFFF  }
0xa5: {  	s26 =	simm.s32 $execute0_lowered;
	[smem:$0x3FD2] =	sst s25  }
0xa6: {  	s4 =	sshll.u32 s26, $0x1;
	_ =	strace $0x80000049;
	[dreg:$0x1] =	wrdreg $0xFFFFFFFF  }
0xa7: {  	s28 =	simm.s32 $_size_execute0_lowered;
	s2 =	sadd.s32 s2, s4;
	[dreg:$0x0] =	wrdreg $0x0  }
0xa8: {  	s4 =	sshll.u32 s28, $0x1;
	[dreg:$0x2] =	wrdreg s2  }
0xa9: {  	[dreg:$0x3] =	wrdreg s4  }
0xaa: {  	[dreg:$0x4] =	wrdreg $0xC0  }
0xab: {  	_ =	task [dreg:s6], $0x5FFFF  }
0xac: {  	[dreg:$0x1] =	wrdreg $0xFFFFFFFF  }
0xad: {  	[dreg:$0x0] =	wrdreg $0x60  }
0xae: {  	[dreg:$0x2] =	wrdreg s24  }
0xaf: {  	[dreg:$0x3] =	wrdreg $0x90000  }
0xb0: {  	[dreg:$0x4] =	wrdreg $0x9  }
0xb1: {  	_ =	task.clear_ibuf [dreg:s6], $0x5FFFF;
	_ =	strace $0x90000049  }
0xb2: {  	s29 =	simm.s32 $0x9;
	_ =	strace $0x8000004B  }
0xb3: {  	_ =	swait.ge [sflag:s29], $0x1  }
0xb4: {  	[sflag:s29] =	ssyncadd.s32 $0xFFFFFFFF  }
0xb5: {  	_ =	strace $0x9000004B  }
0xb6: {  	_ =	sfence  }
0xb7: {  	s30 =	sld [smem:$0x0];
	_ =	sdelay $0x2  }
0xb8: {  	s31 =	sshll.u32 s1, $0xD;
	s1 =	sshrl.u32 s1, $0x2  }
0xb9: {  	s3 =	sand.u32 $0x4000, s31;
	s1 =	sadd.s32 s1, s30  }
0xba: {  	s0 =	sor.u32 s3, s0;
	s1 =	sshll.u32 s1, $0x11  }
0xbb: {  	s0 =	sor.u32 s1, s0  }
0xbc: {  	s0 =	sadd.s32 $0x8F2B, s0  }
0xbd: {  	[sflag:s0] =	ssyncadd.remote.s32 $0x1  }
0xbe: {  	_ =	sfence.sel $0xFFFF  }
0xbf: {  	[dreg:$0x0] =	wrdreg $0xFFFFFFFF;
	(pc) =	sbr.abs _section_cstart, $3  }
0xc0: {  	[dreg:$0x1] =	wrdreg $0xFFFFFFFF  }
0xc1: {  	_ =	task.clear_ibuf [dreg:s6], $0x2FFFF;
	_ =	strace $0x9FFFFFFF  }
0xc2: {  	(tm) =	ssettm $0x7FFFFFFF  }
0xc3: {  	_ =	shalt  }
tec
execute0_lowered:
.L_overlay_start_1:
0x0: {  	(tag) =	ssettag $0x1  }
0x1: {  	s3 =	rddreg [dreg:$0x0]  }
0x2: {  	s1 =	rddreg [dreg:$0x1]  }
0x3: {  	s2 =	simm.s32 $0x0;
	s0 =	srdreg.scid;
	s24 =	stileid.u32  }
0x4: {  	s28 =	simm.s32 $0x400;
	s29 =	simm.s32 $0xC00;
	s30 =	simm.s32 $0x80  }
0x5: {  	s31 =	simm.s32 $0x5000;
	[smem:$0x7FF] =	sst s2;
	s4 =	sadd.s32 $0x3D600, s3  }
0x6: {  	s0 =	sand.u32 $0x1, s0;
	s5 =	sadd.s32 $0x1600, s3;
	s9 =	smul.u32 $0x50000, s24  }
0x7: {  	s6 =	sadd.s32 $0xB600, s3;
	s14 =	smul.u32 $0x14000, s24;
	s7 =	sadd.s32 $0x15600, s3  }
0x8: {  	s19 =	smul.u32 $0x500, s24;
	_ =	strace $0x8000004A;
	s8 =	ssub.s32 $0x2, s0  }
0x9: {  	[dreg:$0x1a] =	wrdreg s7;
	s7 =	sadd.s32 $0x65600, s3;
	s25 =	sshll.u32 s0, $0x4  }
0xa: {  	s18 =	smul.u32 $0x5000, s0;
	s10 =	sshrl.u32 s8, $0x1;
	s9 =	sshrl.u32 s9, $0x2  }
0xb: {  	s15 =	sadd.s32 $0x4000, s14;
	s13 =	sor.u32 s24, s25;
	s16 =	sadd.s32 $0x8000, s14  }
0xc: {  	s17 =	sadd.s32 $0xC000, s14;
	s20 =	sadd.s32 $0x10000, s14;
	s25 =	simm.s32 $0x880  }
0xd: {  	s3 =	ssub.s32 s8, s10;
	[dreg:$0x6] =	wrdreg s25;
	s25 =	simm.s32 $0x200  }
0xe: {  	s22 =	sadd.s32 s18, s5;
	s12 =	sadd.s32 s20, s1;
	[dreg:$0x9] =	wrdreg s25  }
0xf: {  	s18 =	sadd.s32 s18, s6;
	s22 =	sadd.s32 s19, s22;
	[dreg:$0x1d] =	wrdreg s12  }
0x10: {  	s10 =	sadd.s32 s15, s1;
	s18 =	sadd.s32 s19, s18;
	[dreg:$0x3] =	wrdreg s22  }
0x11: {  	s23 =	smul.u32 $0x500, s13;
	s25 =	simm.s32 $0xA00;
	[dreg:$0x4] =	wrdreg s18  }
0x12: {  	s21 =	smul.u32 $0x50, s13;
	s3 =	smax.u32 s3, $0x1;
	[dreg:$0xc] =	wrdreg s25  }
0x13: {  	s11 =	sadd.s32 s17, s1;
	s26 =	sadd.s32 s5, s23;
	[smem:$0x7FD] =	sst s3  }
0x14: {  	s13 =	sadd.s32 $0x48, s21;
	s21 =	sadd.s32 s6, s23;
	[dreg:$0x1e] =	wrdreg s26  }
0x15: {  	s19 =	smul.u32 $0x140000, s0;
	s23 =	simm.s32 $0x100;
	[dreg:$0x1f] =	wrdreg s21  }
0x16: {  	s8 =	sadd.s32 s16, s1;
	s22 =	smov.u32 s11;
	[dreg:$0x5] =	wrdreg s23  }
0x17: {  	s14 =	sadd.s32 s14, s19;
	s26 =	simm.s32 $0x180;
	[dreg:$0x1c] =	wrdreg s22  }
0x18: {  	s23 =	simm.s32 $0x900;
	s15 =	sadd.s32 s19, s15;
	[dreg:$0x7] =	wrdreg s26  }
0x19: {  	s11 =	sadd.s32 s19, s20;
	s20 =	smov.u32 s8;
	[dreg:$0x8] =	wrdreg s23  }
0x1a: {  	s14 =	sshrl.u32 s14, $0x3;
	s26 =	simm.s32 $0x980;
	[dreg:$0x1b] =	wrdreg s20  }
0x1b: {  	s23 =	sadd.s32 s19, s16;
	s16 =	simm.s32 $0xA80;
	[dreg:$0xa] =	wrdreg s26  }
0x1c: {  	s15 =	sshrl.u32 s15, $0x3;
	s21 =	sadd.s32 s7, s14;
	[dreg:$0xe] =	wrdreg s16  }
0x1d: {  	s9 =	sadd.s32 s9, s1;
	s18 =	sadd.s32 s7, s15;
	[smem:$0x7F8] =	sst s21  }
0x1e: {  	s0 =	smul.u32 $0x500, s0;
	s26 =	simm.s32 $0x300;
	[smem:$0x7F9] =	sst s18  }
0x1f: {  	s15 =	sshrl.u32 s23, $0x3;
	s23 =	simm.s32 $0xB00;
	[dreg:$0xd] =	wrdreg s26  }
0x20: {  	s3 =	simm.s32 $0x2;
	s16 =	simm.s32 $0x480;
	[dreg:$0x10] =	wrdreg s23  }
0x21: {  	s14 =	simm.s32 $0x700;
	s21 =	simm.s32 $0x280;
	[dreg:$0x12] =	wrdreg s16  }
0x22: {  	s15 =	sadd.s32 s7, s15;
	s18 =	sadd.s32 s19, s17;
	[dreg:$0xb] =	wrdreg s21  }
0x23: {  	s26 =	simm.s32 $0xB80;
	s17 =	simm.s32 $0x500;
	[smem:$0x7FA] =	sst s15  }
0x24: {  	s19 =	simm.s32 $0x580;
	s23 =	simm.s32 $0xD00;
	[dreg:$0x11] =	wrdreg s26  }
0x25: {  	s16 =	simm.s32 $0x780;
	s21 =	simm.s32 $0x380;
	[dreg:$0x13] =	wrdreg s17  }
0x26: {  	s15 =	sshrl.u32 s18, $0x3;
	s18 =	simm.s32 $0xC80;
	[dreg:$0x15] =	wrdreg s19  }
0x27: {  	[dreg:$0x16] =	wrdreg s23;
	s26 =	simm.s32 $0x680;
	s23 =	simm.s32 $0x1000  }
0x28: {  	s17 =	simm.s32 $0xF00;
	s19 =	simm.s32 $0x0;
	[dreg:$0xf] =	wrdreg s21  }
0x29: {  	s25 =	sadd.s32 s7, s15;
	s15 =	sshrl.u32 s11, $0x3;
	[dreg:$0x14] =	wrdreg s18  }
0x2a: {  	s21 =	smul.u32 $0x50, s24;
	s24 =	simm.s32 $0x600;
	[dreg:$0x19] =	wrdreg s26  }
0x2b: {  	s26 =	simm.s32 $0x3;
	s18 =	simm.s32 $0xF80;
	[smem:$0x7FB] =	sst s25  }
0x2c: {  	s7 =	sadd.s32 s7, s15;
	[dreg:$0x17] =	wrdreg s24;
	s25 =	simm.s32 $0xD80  }
0x2d: {  	s24 =	simm.s32 $0x4;
	s15 =	simm.s32 $0xE80;
	[smem:$0x7FC] =	sst s7  }
0x2e: {  	s0 =	sadd.s32 s21, s0;
	[dreg:$0x18] =	wrdreg s25;
	s25 =	simm.s32 $0x800  }
0x2f: {  	s7 =	simm.s32 $0xE00;
	s21 =	sadd.s32 $0x10, s0;
	s0 =	simm.s32 $0x1  }
.LBB2_1:
0x30: {  	s8 =	rddreg [dreg:$0x1a]  }
0x31: {  	[tilespmem:s23], [sflag:$0x4] =	stream.linear.gather [hbm4b:s8+s2], $0x4000, $0x38;
	[tilespmem:$0x1D000] =	vst v63  }
0x32: {  	_ =	swait.ge [sflag:s24], $0x4000  }
0x33: {  	[sflag:s24] =	ssyncset.done $0x0  }
0x34: {  	[sflag:s24] =	ssyncadd.s32 $0xFFFFC000  }
0x35: {  	[spmem:s9] =	stream.linear.scatter [tilespmem:s23], [sflag:$0x4], $0x4000, $0x38;
	[tilespmem:$0x1D000] =	vst v63  }
0x36: {  	_ =	swait.ge [sflag:s24], $0x4000  }
0x37: {  	[sflag:s24] =	ssyncset.done $0x0  }
0x38: {  	[sflag:s24] =	ssyncadd.s32 $0xFFFFC000  }
0x39: {  	[spmem:s10] =	stream.linear.scatter [tilespmem:s23], [sflag:$0x4], $0x4000, $0x38;
	[tilespmem:$0x1D000] =	vst v63  }
0x3a: {  	_ =	swait.ge [sflag:s24], $0x4000  }
0x3b: {  	[sflag:s24] =	ssyncset.done $0x0  }
0x3c: {  	[sflag:s24] =	ssyncadd.s32 $0xFFFFC000  }
0x3d: {  	[spmem:s20] =	stream.linear.scatter [tilespmem:s23], [sflag:$0x4], $0x4000, $0x38;
	[tilespmem:$0x1D000] =	vst v63  }
0x3e: {  	_ =	swait.ge [sflag:s24], $0x4000  }
0x3f: {  	[sflag:s24] =	ssyncset.done $0x0  }
0x40: {  	[sflag:s24] =	ssyncadd.s32 $0xFFFFC000  }
0x41: {  	[spmem:s22] =	stream.linear.scatter [tilespmem:s23], [sflag:$0x4], $0x4000, $0x38;
	[tilespmem:$0x1D000] =	vst v63  }
0x42: {  	_ =	swait.ge [sflag:s24], $0x4000  }
0x43: {  	[sflag:s24] =	ssyncset.done $0x0  }
0x44: {  	s11 =	smov.u32 s9;
	s9 =	smov.u32 s12;
	[sflag:s24] =	ssyncadd.s32 $0xFFFFC000  }
0x45: {  	[spmem:s9] =	stream.linear.scatter [tilespmem:s23], [sflag:$0x4], $0x4000, $0x38;
	[tilespmem:$0x1D000] =	vst v63  }
0x46: {  	_ =	swait.ge [sflag:s24], $0x4000  }
0x47: {  	[sflag:s24] =	ssyncset.done $0x0  }
0x48: {  	[sflag:s24] =	ssyncadd.s32 $0xFFFFC000  }
0x49: {  	[bflag:$0x0] =	sbarrier.arrive $0xFFFF  }
0x4a: {  	s20 =	rddreg [dreg:$0x1e]  }
0x4b: {  	[tilespmem:s2], [sflag:$0x3] =	stream.linear.gather [hbm4b:s20+s2], $0x400, $0x38;
	[tilespmem:$0x1D000] =	vst v63  }
0x4c: {  	s22 =	rddreg [dreg:$0x1f]  }
0x4d: {  	[tilespmem:s25], [sflag:$0x3] =	stream.linear.gather [hbm4b:s22+s2], $0x400, $0x38;
	[tilespmem:$0x1D000] =	vst v63  }
0x4e: {  	_ =	swait.ge [sflag:s26], $0x400  }
0x4f: {  	[sflag:s26] =	ssyncset.done $0x0  }
0x50: {  	[sflag:s26] =	ssyncadd.s32 $0xFFFFFC00  }
0x51: {  	_ =	swait.ge [sflag:s26], $0x400  }
0x52: {  	s12 =	smov.u32 s10;
	s9 =	rddreg [dreg:$0x3];
	[sflag:s26] =	ssyncset.done $0x0  }
0x53: {  	s10 =	rddreg [dreg:$0x4];
	[sflag:s26] =	ssyncadd.s32 $0xFFFFFC00;
	s20 =	sadd.s32 $0x80, s9  }
0x54: {  	[tilespmem:s28], [sflag:$0x3] =	stream.linear.gather [hbm4b:s20+s2], $0x400, $0x38;
	[tilespmem:$0x1D000] =	vst v63  }
0x55: {  	s8 =	sadd.s32 $0x80, s10  }
0x56: {  	[tilespmem:s29], [sflag:$0x3] =	stream.linear.gather [hbm4b:s8+s2], $0x400, $0x38;
	[tilespmem:$0x1D000] =	vst v63  }
0x57: {  	_ = 	snop  }
0x58: {  	[tilespmem:s23], [sflag:$0x1] =	stream.indirect.gather [hbm4b:s4+s30], $0x80, s2, s30, $0xb8;
	[tilespmem:$0x1D000] =	vst v63  }
0x59: {  	_ = 	snop  }
0x5a: {  	[tilespmem:s31], [sflag:$0x2] =	stream.indirect.gather [hbm4b:s4+s30], $0x80, s30, s30, $0xb8;
	[tilespmem:$0x1D000] =	vst v63  }
0x5b: {  	_ =	swait.ge [sflag:s0], $0x4000  }
0x5c: {  	[sflag:s0] =	ssyncset.done $0x0  }
0x5d: {  	[sflag:s0] =	ssyncadd.s32 $0xFFFFC000  }
0x5e: {  	[spmem:s1] =	stream.indirect.scatter.add.f32 [tilespmem:s23], [sflag:$0x4], $0x80, s25, s30, $0xb8;
	[tilespmem:$0x1D000] =	vst v63  }
0x5f: {  	_ =	swait.ge [sflag:s24], $0x4000  }
0x60: {  	[sflag:s24] =	ssyncset.done $0x0  }
0x61: {  	s9 =	rddreg [dreg:$0x5];
	[sflag:s24] =	ssyncadd.s32 $0xFFFFC000  }
0x62: {  	[tilespmem:s23], [sflag:$0x1] =	stream.indirect.gather [hbm4b:s4+s30], $0x80, s9, s30, $0xb8;
	[tilespmem:$0x1D000] =	vst v63  }
0x63: {  	_ =	swait.ge [sflag:s3], $0x4000  }
0x64: {  	[sflag:s3] =	ssyncset.done $0x0  }
0x65: {  	s10 =	rddreg [dreg:$0x6];
	[sflag:s3] =	ssyncadd.s32 $0xFFFFC000  }
0x66: {  	[spmem:s1] =	stream.indirect.scatter.add.f32 [tilespmem:s31], [sflag:$0x4], $0x80, s10, s30, $0xb8;
	[tilespmem:$0x1D000] =	vst v63  }
0x67: {  	_ =	swait.ge [sflag:s24], $0x4000  }
0x68: {  	[sflag:s24] =	ssyncset.done $0x0  }
0x69: {  	s22 =	rddreg [dreg:$0x7];
	[sflag:s24] =	ssyncadd.s32 $0xFFFFC000  }
0x6a: {  	[tilespmem:s31], [sflag:$0x2] =	stream.indirect.gather [hbm4b:s4+s30], $0x80, s22, s30, $0xb8;
	[tilespmem:$0x1D000] =	vst v63  }
0x6b: {  	_ =	swait.ge [sflag:s0], $0x4000  }
0x6c: {  	[sflag:s0] =	ssyncset.done $0x0  }
0x6d: {  	s8 =	rddreg [dreg:$0x8];
	[sflag:s0] =	ssyncadd.s32 $0xFFFFC000  }
0x6e: {  	[spmem:s1] =	stream.indirect.scatter.add.f32 [tilespmem:s23], [sflag:$0x4], $0x80, s8, s30, $0xb8;
	[tilespmem:$0x1D000] =	vst v63  }
0x6f: {  	_ =	swait.ge [sflag:s24], $0x4000  }
0x70: {  	[sflag:s24] =	ssyncset.done $0x0  }
0x71: {  	s9 =	rddreg [dreg:$0x9];
	[sflag:s24] =	ssyncadd.s32 $0xFFFFC000  }
0x72: {  	[tilespmem:s23], [sflag:$0x1] =	stream.indirect.gather [hbm4b:s4+s30], $0x80, s9, s30, $0xb8;
	[tilespmem:$0x1D000] =	vst v63  }
0x73: {  	_ =	swait.ge [sflag:s3], $0x4000  }
0x74: {  	[sflag:s3] =	ssyncset.done $0x0  }
0x75: {  	s10 =	rddreg [dreg:$0xa];
	[sflag:s3] =	ssyncadd.s32 $0xFFFFC000  }
0x76: {  	[spmem:s1] =	stream.indirect.scatter.add.f32 [tilespmem:s31], [sflag:$0x4], $0x80, s10, s30, $0xb8;
	[tilespmem:$0x1D000] =	vst v63  }
0x77: {  	_ =	swait.ge [sflag:s24], $0x4000  }
0x78: {  	[sflag:s24] =	ssyncset.done $0x0  }
0x79: {  	s22 =	rddreg [dreg:$0xb];
	[sflag:s24] =	ssyncadd.s32 $0xFFFFC000  }
0x7a: {  	[tilespmem:s31], [sflag:$0x2] =	stream.indirect.gather [hbm4b:s4+s30], $0x80, s22, s30, $0xb8;
	[tilespmem:$0x1D000] =	vst v63  }
0x7b: {  	_ =	swait.ge [sflag:s0], $0x4000  }
0x7c: {  	[sflag:s0] =	ssyncset.done $0x0  }
0x7d: {  	s8 =	rddreg [dreg:$0xc];
	[sflag:s0] =	ssyncadd.s32 $0xFFFFC000  }
0x7e: {  	[spmem:s1] =	stream.indirect.scatter.add.f32 [tilespmem:s23], [sflag:$0x4], $0x80, s8, s30, $0xb8;
	[tilespmem:$0x1D000] =	vst v63  }
0x7f: {  	_ =	swait.ge [sflag:s24], $0x4000  }
0x80: {  	[sflag:s24] =	ssyncset.done $0x0  }
0x81: {  	s9 =	rddreg [dreg:$0xd];
	[sflag:s24] =	ssyncadd.s32 $0xFFFFC000  }
0x82: {  	[tilespmem:s23], [sflag:$0x1] =	stream.indirect.gather [hbm4b:s4+s30], $0x80, s9, s30, $0xb8;
	[tilespmem:$0x1D000] =	vst v63  }
0x83: {  	_ =	swait.ge [sflag:s3], $0x4000  }
0x84: {  	[sflag:s3] =	ssyncset.done $0x0  }
0x85: {  	s10 =	rddreg [dreg:$0xe];
	[sflag:s3] =	ssyncadd.s32 $0xFFFFC000  }
0x86: {  	[spmem:s1] =	stream.indirect.scatter.add.f32 [tilespmem:s31], [sflag:$0x4], $0x80, s10, s30, $0xb8;
	[tilespmem:$0x1D000] =	vst v63  }
0x87: {  	_ =	swait.ge [sflag:s24], $0x4000  }
0x88: {  	[sflag:s24] =	ssyncset.done $0x0  }
0x89: {  	s22 =	rddreg [dreg:$0xf];
	[sflag:s24] =	ssyncadd.s32 $0xFFFFC000  }
0x8a: {  	[tilespmem:s31], [sflag:$0x2] =	stream.indirect.gather [hbm4b:s4+s30], $0x80, s22, s30, $0xb8;
	[tilespmem:$0x1D000] =	vst v63  }
0x8b: {  	_ =	swait.ge [sflag:s0], $0x4000  }
0x8c: {  	[sflag:s0] =	ssyncset.done $0x0  }
0x8d: {  	s8 =	rddreg [dreg:$0x10];
	[sflag:s0] =	ssyncadd.s32 $0xFFFFC000  }
0x8e: {  	[spmem:s1] =	stream.indirect.scatter.add.f32 [tilespmem:s23], [sflag:$0x4], $0x80, s8, s30, $0xb8;
	[tilespmem:$0x1D000] =	vst v63  }
0x8f: {  	_ =	swait.ge [sflag:s24], $0x4000  }
0x90: {  	[sflag:s24] =	ssyncset.done $0x0  }
0x91: {  	[sflag:s24] =	ssyncadd.s32 $0xFFFFC000  }
0x92: {  	_ =	swait.ge [sflag:s3], $0x4000  }
0x93: {  	[sflag:s3] =	ssyncset.done $0x0  }
0x94: {  	s9 =	rddreg [dreg:$0x11];
	[sflag:s3] =	ssyncadd.s32 $0xFFFFC000  }
0x95: {  	[spmem:s1] =	stream.indirect.scatter.add.f32 [tilespmem:s31], [sflag:$0x4], $0x80, s9, s30, $0xb8;
	[tilespmem:$0x1D000] =	vst v63  }
0x96: {  	_ =	swait.ge [sflag:s24], $0x4000  }
0x97: {  	[sflag:s24] =	ssyncset.done $0x0  }
0x98: {  	[sflag:s24] =	ssyncadd.s32 $0xFFFFC000  }
0x99: {  	_ =	swait.ge [sflag:s26], $0x400  }
0x9a: {  	[sflag:s26] =	ssyncset.done $0x0  }
0x9b: {  	p0 =	slt.s32 s21, s13;
	s20 =	smov.u32 s13;
	[sflag:s26] =	ssyncadd.s32 $0xFFFFFC00  }
0x9c: {  	s20 =	smov.u32 @p0 s21;
	_ =	swait.ge [sflag:s26], $0x400  }
0x9d: {  	s20 =	sshll.u32 s20, $0x4;
	[sflag:s26] =	ssyncset.done $0x0  }
0x9e: {  	s10 =	sadd.s32 s5, s20;
	[sflag:s26] =	ssyncadd.s32 $0xFFFFFC00  }
0x9f: {  	[tilespmem:s2], [sflag:$0x3] =	stream.linear.gather [hbm4b:s10+s2], $0x400, $0x38;
	[tilespmem:$0x1D000] =	vst v63  }
0xa0: {  	s20 =	sadd.s32 s6, s20  }
0xa1: {  	[tilespmem:s25], [sflag:$0x3] =	stream.linear.gather [hbm4b:s20+s2], $0x400, $0x38;
	[tilespmem:$0x1D000] =	vst v63  }
0xa2: {  	_ = 	snop  }
0xa3: {  	[tilespmem:s23], [sflag:$0x1] =	stream.indirect.gather [hbm4b:s4+s30], $0x80, s28, s30, $0xb8;
	[tilespmem:$0x1D000] =	vst v63  }
0xa4: {  	s8 =	rddreg [dreg:$0x12]  }
0xa5: {  	[tilespmem:s31], [sflag:$0x2] =	stream.indirect.gather [hbm4b:s4+s30], $0x80, s8, s30, $0xb8;
	[tilespmem:$0x1D000] =	vst v63  }
0xa6: {  	_ =	swait.ge [sflag:s0], $0x4000  }
0xa7: {  	[sflag:s0] =	ssyncset.done $0x0  }
0xa8: {  	[sflag:s0] =	ssyncadd.s32 $0xFFFFC000  }
0xa9: {  	[spmem:s1] =	stream.indirect.scatter.add.f32 [tilespmem:s23], [sflag:$0x4], $0x80, s29, s30, $0xb8;
	[tilespmem:$0x1D000] =	vst v63  }
0xaa: {  	_ =	swait.ge [sflag:s24], $0x4000  }
0xab: {  	[sflag:s24] =	ssyncset.done $0x0  }
0xac: {  	s9 =	rddreg [dreg:$0x13];
	[sflag:s24] =	ssyncadd.s32 $0xFFFFC000  }
0xad: {  	[tilespmem:s23], [sflag:$0x1] =	stream.indirect.gather [hbm4b:s4+s30], $0x80, s9, s30, $0xb8;
	[tilespmem:$0x1D000] =	vst v63  }
0xae: {  	_ =	swait.ge [sflag:s3], $0x4000  }
0xaf: {  	[sflag:s3] =	ssyncset.done $0x0  }
0xb0: {  	s10 =	rddreg [dreg:$0x14];
	[sflag:s3] =	ssyncadd.s32 $0xFFFFC000  }
0xb1: {  	[spmem:s1] =	stream.indirect.scatter.add.f32 [tilespmem:s31], [sflag:$0x4], $0x80, s10, s30, $0xb8;
	[tilespmem:$0x1D000] =	vst v63  }
0xb2: {  	_ =	swait.ge [sflag:s24], $0x4000  }
0xb3: {  	[sflag:s24] =	ssyncset.done $0x0  }
0xb4: {  	s22 =	rddreg [dreg:$0x15];
	[sflag:s24] =	ssyncadd.s32 $0xFFFFC000  }
0xb5: {  	[tilespmem:s31], [sflag:$0x2] =	stream.indirect.gather [hbm4b:s4+s30], $0x80, s22, s30, $0xb8;
	[tilespmem:$0x1D000] =	vst v63  }
0xb6: {  	_ =	swait.ge [sflag:s0], $0x4000  }
0xb7: {  	[sflag:s0] =	ssyncset.done $0x0  }
0xb8: {  	s8 =	rddreg [dreg:$0x16];
	[sflag:s0] =	ssyncadd.s32 $0xFFFFC000  }
0xb9: {  	[spmem:s1] =	stream.indirect.scatter.add.f32 [tilespmem:s23], [sflag:$0x4], $0x80, s8, s30, $0xb8;
	[tilespmem:$0x1D000] =	vst v63  }
0xba: {  	_ =	swait.ge [sflag:s24], $0x4000  }
0xbb: {  	[sflag:s24] =	ssyncset.done $0x0  }
0xbc: {  	s9 =	rddreg [dreg:$0x17];
	[sflag:s24] =	ssyncadd.s32 $0xFFFFC000  }
0xbd: {  	[tilespmem:s23], [sflag:$0x1] =	stream.indirect.gather [hbm4b:s4+s30], $0x80, s9, s30, $0xb8;
	[tilespmem:$0x1D000] =	vst v63  }
0xbe: {  	_ =	swait.ge [sflag:s3], $0x4000  }
0xbf: {  	[sflag:s3] =	ssyncset.done $0x0  }
0xc0: {  	s10 =	rddreg [dreg:$0x18];
	[sflag:s3] =	ssyncadd.s32 $0xFFFFC000  }
0xc1: {  	[spmem:s1] =	stream.indirect.scatter.add.f32 [tilespmem:s31], [sflag:$0x4], $0x80, s10, s30, $0xb8;
	[tilespmem:$0x1D000] =	vst v63  }
0xc2: {  	_ =	swait.ge [sflag:s24], $0x4000  }
0xc3: {  	[sflag:s24] =	ssyncset.done $0x0  }
0xc4: {  	s22 =	rddreg [dreg:$0x19];
	[sflag:s24] =	ssyncadd.s32 $0xFFFFC000  }
0xc5: {  	[tilespmem:s31], [sflag:$0x2] =	stream.indirect.gather [hbm4b:s4+s30], $0x80, s22, s30, $0xb8;
	[tilespmem:$0x1D000] =	vst v63  }
0xc6: {  	_ =	swait.ge [sflag:s0], $0x4000  }
0xc7: {  	[sflag:s0] =	ssyncset.done $0x0  }
0xc8: {  	[sflag:s0] =	ssyncadd.s32 $0xFFFFC000  }
0xc9: {  	[spmem:s1] =	stream.indirect.scatter.add.f32 [tilespmem:s23], [sflag:$0x4], $0x80, s7, s30, $0xb8;
	[tilespmem:$0x1D000] =	vst v63  }
0xca: {  	_ =	swait.ge [sflag:s24], $0x4000  }
0xcb: {  	[sflag:s24] =	ssyncset.done $0x0  }
0xcc: {  	[sflag:s24] =	ssyncadd.s32 $0xFFFFC000  }
0xcd: {  	[tilespmem:s23], [sflag:$0x1] =	stream.indirect.gather [hbm4b:s4+s30], $0x80, s14, s30, $0xb8;
	[tilespmem:$0x1D000] =	vst v63  }
0xce: {  	_ =	swait.ge [sflag:s3], $0x4000  }
0xcf: {  	[sflag:s3] =	ssyncset.done $0x0  }
0xd0: {  	[sflag:s3] =	ssyncadd.s32 $0xFFFFC000  }
0xd1: {  	[spmem:s1] =	stream.indirect.scatter.add.f32 [tilespmem:s31], [sflag:$0x4], $0x80, s15, s30, $0xb8;
	[tilespmem:$0x1D000] =	vst v63  }
0xd2: {  	_ =	swait.ge [sflag:s24], $0x4000  }
0xd3: {  	[sflag:s24] =	ssyncset.done $0x0  }
0xd4: {  	[sflag:s24] =	ssyncadd.s32 $0xFFFFC000  }
0xd5: {  	[tilespmem:s31], [sflag:$0x2] =	stream.indirect.gather [hbm4b:s4+s30], $0x80, s16, s30, $0xb8;
	[tilespmem:$0x1D000] =	vst v63  }
0xd6: {  	_ =	swait.ge [sflag:s0], $0x4000  }
0xd7: {  	[sflag:s0] =	ssyncset.done $0x0  }
0xd8: {  	[sflag:s0] =	ssyncadd.s32 $0xFFFFC000  }
0xd9: {  	[spmem:s1] =	stream.indirect.scatter.add.f32 [tilespmem:s23], [sflag:$0x4], $0x80, s17, s30, $0xb8;
	[tilespmem:$0x1D000] =	vst v63  }
0xda: {  	_ =	swait.ge [sflag:s24], $0x4000  }
0xdb: {  	[sflag:s24] =	ssyncset.done $0x0  }
0xdc: {  	[sflag:s24] =	ssyncadd.s32 $0xFFFFC000  }
0xdd: {  	_ =	swait.ge [sflag:s3], $0x4000  }
0xde: {  	[sflag:s3] =	ssyncset.done $0x0  }
0xdf: {  	[sflag:s3] =	ssyncadd.s32 $0xFFFFC000  }
0xe0: {  	[spmem:s1] =	stream.indirect.scatter.add.f32 [tilespmem:s31], [sflag:$0x4], $0x80, s18, s30, $0xb8;
	[tilespmem:$0x1D000] =	vst v63  }
0xe1: {  	_ =	swait.ge [sflag:s24], $0x4000  }
0xe2: {  	s20 =	simm.s32 $0x180;
	s22 =	smov.u32 s21;
	[sflag:s24] =	ssyncset.done $0x0  }
.LBB2_2:
0xe3: {  	[sflag:s24] =	ssyncadd.s32 $0xFFFFC000  }
0xe4: {  	_ =	swait.ge [sflag:s26], $0x400  }
0xe5: {  	[sflag:s26] =	ssyncset.done $0x0  }
0xe6: {  	[sflag:s26] =	ssyncadd.s32 $0xFFFFFC00  }
0xe7: {  	_ =	swait.ge [sflag:s26], $0x400  }
0xe8: {  	s8 =	smov.u32 s20;
	s9 =	rddreg [dreg:$0x3];
	[sflag:s26] =	ssyncset.done $0x0  }
0xe9: {  	s10 =	rddreg [dreg:$0x4];
	[sflag:s26] =	ssyncadd.s32 $0xFFFFFC00;
	s9 =	sadd.s32 s8, s9  }
0xea: {  	[tilespmem:s28], [sflag:$0x3] =	stream.linear.gather [hbm4b:s9+s2], $0x400, $0x38;
	[tilespmem:$0x1D000] =	vst v63  }
0xeb: {  	s8 =	sadd.s32 s8, s10  }
0xec: {  	[tilespmem:s29], [sflag:$0x3] =	stream.linear.gather [hbm4b:s8+s2], $0x400, $0x38;
	[tilespmem:$0x1D000] =	vst v63  }
0xed: {  	_ = 	snop  }
0xee: {  	[tilespmem:s23], [sflag:$0x1] =	stream.indirect.gather [hbm4b:s4+s30], $0x80, s2, s30, $0xb8;
	[tilespmem:$0x1D000] =	vst v63  }
0xef: {  	_ = 	snop  }
0xf0: {  	[tilespmem:s31], [sflag:$0x2] =	stream.indirect.gather [hbm4b:s4+s30], $0x80, s30, s30, $0xb8;
	[tilespmem:$0x1D000] =	vst v63  }
0xf1: {  	_ =	swait.ge [sflag:s0], $0x4000  }
0xf2: {  	[sflag:s0] =	ssyncset.done $0x0  }
0xf3: {  	[sflag:s0] =	ssyncadd.s32 $0xFFFFC000  }
0xf4: {  	[spmem:s1] =	stream.indirect.scatter.add.f32 [tilespmem:s23], [sflag:$0x4], $0x80, s25, s30, $0xb8;
	[tilespmem:$0x1D000] =	vst v63  }
0xf5: {  	_ =	swait.ge [sflag:s24], $0x4000  }
0xf6: {  	[sflag:s24] =	ssyncset.done $0x0  }
0xf7: {  	s9 =	rddreg [dreg:$0x5];
	[sflag:s24] =	ssyncadd.s32 $0xFFFFC000  }
0xf8: {  	[tilespmem:s23], [sflag:$0x1] =	stream.indirect.gather [hbm4b:s4+s30], $0x80, s9, s30, $0xb8;
	[tilespmem:$0x1D000] =	vst v63  }
0xf9: {  	_ =	swait.ge [sflag:s3], $0x4000  }
0xfa: {  	[sflag:s3] =	ssyncset.done $0x0  }
0xfb: {  	s10 =	rddreg [dreg:$0x6];
	[sflag:s3] =	ssyncadd.s32 $0xFFFFC000  }
0xfc: {  	[spmem:s1] =	stream.indirect.scatter.add.f32 [tilespmem:s31], [sflag:$0x4], $0x80, s10, s30, $0xb8;
	[tilespmem:$0x1D000] =	vst v63  }
0xfd: {  	_ =	swait.ge [sflag:s24], $0x4000  }
0xfe: {  	[sflag:s24] =	ssyncset.done $0x0  }
0xff: {  	s9 =	rddreg [dreg:$0x7];
	[sflag:s24] =	ssyncadd.s32 $0xFFFFC000  }
0x100: {  	[tilespmem:s31], [sflag:$0x2] =	stream.indirect.gather [hbm4b:s4+s30], $0x80, s9, s30, $0xb8;
	[tilespmem:$0x1D000] =	vst v63  }
0x101: {  	_ =	swait.ge [sflag:s0], $0x4000  }
0x102: {  	[sflag:s0] =	ssyncset.done $0x0  }
0x103: {  	s10 =	rddreg [dreg:$0x8];
	[sflag:s0] =	ssyncadd.s32 $0xFFFFC000  }
0x104: {  	[spmem:s1] =	stream.indirect.scatter.add.f32 [tilespmem:s23], [sflag:$0x4], $0x80, s10, s30, $0xb8;
	[tilespmem:$0x1D000] =	vst v63  }
0x105: {  	_ =	swait.ge [sflag:s24], $0x4000  }
0x106: {  	[sflag:s24] =	ssyncset.done $0x0  }
0x107: {  	s9 =	rddreg [dreg:$0x9];
	[sflag:s24] =	ssyncadd.s32 $0xFFFFC000  }
0x108: {  	[tilespmem:s23], [sflag:$0x1] =	stream.indirect.gather [hbm4b:s4+s30], $0x80, s9, s30, $0xb8;
	[tilespmem:$0x1D000] =	vst v63  }
0x109: {  	_ =	swait.ge [sflag:s3], $0x4000  }
0x10a: {  	[sflag:s3] =	ssyncset.done $0x0  }
0x10b: {  	s10 =	rddreg [dreg:$0xa];
	[sflag:s3] =	ssyncadd.s32 $0xFFFFC000  }
0x10c: {  	[spmem:s1] =	stream.indirect.scatter.add.f32 [tilespmem:s31], [sflag:$0x4], $0x80, s10, s30, $0xb8;
	[tilespmem:$0x1D000] =	vst v63  }
0x10d: {  	_ =	swait.ge [sflag:s24], $0x4000  }
0x10e: {  	[sflag:s24] =	ssyncset.done $0x0  }
0x10f: {  	s9 =	rddreg [dreg:$0xb];
	[sflag:s24] =	ssyncadd.s32 $0xFFFFC000  }
0x110: {  	[tilespmem:s31], [sflag:$0x2] =	stream.indirect.gather [hbm4b:s4+s30], $0x80, s9, s30, $0xb8;
	[tilespmem:$0x1D000] =	vst v63  }
0x111: {  	_ =	swait.ge [sflag:s0], $0x4000  }
0x112: {  	[sflag:s0] =	ssyncset.done $0x0  }
0x113: {  	s10 =	rddreg [dreg:$0xc];
	[sflag:s0] =	ssyncadd.s32 $0xFFFFC000  }
0x114: {  	[spmem:s1] =	stream.indirect.scatter.add.f32 [tilespmem:s23], [sflag:$0x4], $0x80, s10, s30, $0xb8;
	[tilespmem:$0x1D000] =	vst v63  }
0x115: {  	_ =	swait.ge [sflag:s24], $0x4000  }
0x116: {  	[sflag:s24] =	ssyncset.done $0x0  }
0x117: {  	s9 =	rddreg [dreg:$0xd];
	[sflag:s24] =	ssyncadd.s32 $0xFFFFC000  }
0x118: {  	[tilespmem:s23], [sflag:$0x1] =	stream.indirect.gather [hbm4b:s4+s30], $0x80, s9, s30, $0xb8;
	[tilespmem:$0x1D000] =	vst v63  }
0x119: {  	_ =	swait.ge [sflag:s3], $0x4000  }
0x11a: {  	[sflag:s3] =	ssyncset.done $0x0  }
0x11b: {  	s10 =	rddreg [dreg:$0xe];
	[sflag:s3] =	ssyncadd.s32 $0xFFFFC000  }
0x11c: {  	[spmem:s1] =	stream.indirect.scatter.add.f32 [tilespmem:s31], [sflag:$0x4], $0x80, s10, s30, $0xb8;
	[tilespmem:$0x1D000] =	vst v63  }
0x11d: {  	_ =	swait.ge [sflag:s24], $0x4000  }
0x11e: {  	[sflag:s24] =	ssyncset.done $0x0  }
0x11f: {  	s9 =	rddreg [dreg:$0xf];
	[sflag:s24] =	ssyncadd.s32 $0xFFFFC000  }
0x120: {  	[tilespmem:s31], [sflag:$0x2] =	stream.indirect.gather [hbm4b:s4+s30], $0x80, s9, s30, $0xb8;
	[tilespmem:$0x1D000] =	vst v63  }
0x121: {  	_ =	swait.ge [sflag:s0], $0x4000  }
0x122: {  	[sflag:s0] =	ssyncset.done $0x0  }
0x123: {  	s10 =	rddreg [dreg:$0x10];
	[sflag:s0] =	ssyncadd.s32 $0xFFFFC000  }
0x124: {  	[spmem:s1] =	stream.indirect.scatter.add.f32 [tilespmem:s23], [sflag:$0x4], $0x80, s10, s30, $0xb8;
	[tilespmem:$0x1D000] =	vst v63  }
0x125: {  	_ =	swait.ge [sflag:s24], $0x4000  }
0x126: {  	[sflag:s24] =	ssyncset.done $0x0  }
0x127: {  	[sflag:s24] =	ssyncadd.s32 $0xFFFFC000  }
0x128: {  	_ =	swait.ge [sflag:s3], $0x4000  }
0x129: {  	[sflag:s3] =	ssyncset.done $0x0  }
0x12a: {  	s9 =	rddreg [dreg:$0x11];
	[sflag:s3] =	ssyncadd.s32 $0xFFFFC000  }
0x12b: {  	[spmem:s1] =	stream.indirect.scatter.add.f32 [tilespmem:s31], [sflag:$0x4], $0x80, s9, s30, $0xb8;
	[tilespmem:$0x1D000] =	vst v63  }
0x12c: {  	_ =	swait.ge [sflag:s24], $0x4000  }
0x12d: {  	[sflag:s24] =	ssyncset.done $0x0  }
0x12e: {  	[sflag:s24] =	ssyncadd.s32 $0xFFFFC000  }
0x12f: {  	_ =	swait.ge [sflag:s26], $0x400  }
0x130: {  	s22 =	sadd.s32 $0x10, s22;
	[sflag:s26] =	ssyncset.done $0x0  }
0x131: {  	p1 =	slt.s32 s22, s13;
	s8 =	smov.u32 s13;
	[sflag:s26] =	ssyncadd.s32 $0xFFFFFC00  }
0x132: {  	s8 =	smov.u32 @p1 s22;
	_ =	swait.ge [sflag:s26], $0x400  }
0x133: {  	s8 =	sshll.u32 s8, $0x4;
	[sflag:s26] =	ssyncset.done $0x0  }
0x134: {  	s10 =	sadd.s32 s5, s8;
	[sflag:s26] =	ssyncadd.s32 $0xFFFFFC00  }
0x135: {  	[tilespmem:s2], [sflag:$0x3] =	stream.linear.gather [hbm4b:s10+s2], $0x400, $0x38;
	[tilespmem:$0x1D000] =	vst v63  }
0x136: {  	s8 =	sadd.s32 s6, s8  }
0x137: {  	[tilespmem:s25], [sflag:$0x3] =	stream.linear.gather [hbm4b:s8+s2], $0x400, $0x38;
	[tilespmem:$0x1D000] =	vst v63  }
0x138: {  	_ = 	snop  }
0x139: {  	[tilespmem:s23], [sflag:$0x1] =	stream.indirect.gather [hbm4b:s4+s30], $0x80, s28, s30, $0xb8;
	[tilespmem:$0x1D000] =	vst v63  }
0x13a: {  	s9 =	rddreg [dreg:$0x12]  }
0x13b: {  	[tilespmem:s31], [sflag:$0x2] =	stream.indirect.gather [hbm4b:s4+s30], $0x80, s9, s30, $0xb8;
	[tilespmem:$0x1D000] =	vst v63  }
0x13c: {  	_ =	swait.ge [sflag:s0], $0x4000  }
0x13d: {  	[sflag:s0] =	ssyncset.done $0x0  }
0x13e: {  	[sflag:s0] =	ssyncadd.s32 $0xFFFFC000  }
0x13f: {  	[spmem:s1] =	stream.indirect.scatter.add.f32 [tilespmem:s23], [sflag:$0x4], $0x80, s29, s30, $0xb8;
	[tilespmem:$0x1D000] =	vst v63  }
0x140: {  	_ =	swait.ge [sflag:s24], $0x4000  }
0x141: {  	[sflag:s24] =	ssyncset.done $0x0  }
0x142: {  	s10 =	rddreg [dreg:$0x13];
	[sflag:s24] =	ssyncadd.s32 $0xFFFFC000  }
0x143: {  	[tilespmem:s23], [sflag:$0x1] =	stream.indirect.gather [hbm4b:s4+s30], $0x80, s10, s30, $0xb8;
	[tilespmem:$0x1D000] =	vst v63  }
0x144: {  	_ =	swait.ge [sflag:s3], $0x4000  }
0x145: {  	[sflag:s3] =	ssyncset.done $0x0  }
0x146: {  	s9 =	rddreg [dreg:$0x14];
	[sflag:s3] =	ssyncadd.s32 $0xFFFFC000  }
0x147: {  	[spmem:s1] =	stream.indirect.scatter.add.f32 [tilespmem:s31], [sflag:$0x4], $0x80, s9, s30, $0xb8;
	[tilespmem:$0x1D000] =	vst v63  }
0x148: {  	_ =	swait.ge [sflag:s24], $0x4000  }
0x149: {  	[sflag:s24] =	ssyncset.done $0x0  }
0x14a: {  	s10 =	rddreg [dreg:$0x15];
	[sflag:s24] =	ssyncadd.s32 $0xFFFFC000  }
0x14b: {  	[tilespmem:s31], [sflag:$0x2] =	stream.indirect.gather [hbm4b:s4+s30], $0x80, s10, s30, $0xb8;
	[tilespmem:$0x1D000] =	vst v63  }
0x14c: {  	_ =	swait.ge [sflag:s0], $0x4000  }
0x14d: {  	[sflag:s0] =	ssyncset.done $0x0  }
0x14e: {  	s9 =	rddreg [dreg:$0x16];
	[sflag:s0] =	ssyncadd.s32 $0xFFFFC000  }
0x14f: {  	[spmem:s1] =	stream.indirect.scatter.add.f32 [tilespmem:s23], [sflag:$0x4], $0x80, s9, s30, $0xb8;
	[tilespmem:$0x1D000] =	vst v63  }
0x150: {  	_ =	swait.ge [sflag:s24], $0x4000  }
0x151: {  	[sflag:s24] =	ssyncset.done $0x0  }
0x152: {  	s10 =	rddreg [dreg:$0x17];
	[sflag:s24] =	ssyncadd.s32 $0xFFFFC000  }
0x153: {  	[tilespmem:s23], [sflag:$0x1] =	stream.indirect.gather [hbm4b:s4+s30], $0x80, s10, s30, $0xb8;
	[tilespmem:$0x1D000] =	vst v63  }
0x154: {  	_ =	swait.ge [sflag:s3], $0x4000  }
0x155: {  	[sflag:s3] =	ssyncset.done $0x0  }
0x156: {  	s9 =	rddreg [dreg:$0x18];
	[sflag:s3] =	ssyncadd.s32 $0xFFFFC000  }
0x157: {  	[spmem:s1] =	stream.indirect.scatter.add.f32 [tilespmem:s31], [sflag:$0x4], $0x80, s9, s30, $0xb8;
	[tilespmem:$0x1D000] =	vst v63  }
0x158: {  	_ =	swait.ge [sflag:s24], $0x4000  }
0x159: {  	[sflag:s24] =	ssyncset.done $0x0  }
0x15a: {  	s10 =	rddreg [dreg:$0x19];
	[sflag:s24] =	ssyncadd.s32 $0xFFFFC000  }
0x15b: {  	[tilespmem:s31], [sflag:$0x2] =	stream.indirect.gather [hbm4b:s4+s30], $0x80, s10, s30, $0xb8;
	[tilespmem:$0x1D000] =	vst v63  }
0x15c: {  	_ =	swait.ge [sflag:s0], $0x4000  }
0x15d: {  	[sflag:s0] =	ssyncset.done $0x0  }
0x15e: {  	[sflag:s0] =	ssyncadd.s32 $0xFFFFC000  }
0x15f: {  	[spmem:s1] =	stream.indirect.scatter.add.f32 [tilespmem:s23], [sflag:$0x4], $0x80, s7, s30, $0xb8;
	[tilespmem:$0x1D000] =	vst v63  }
0x160: {  	_ =	swait.ge [sflag:s24], $0x4000  }
0x161: {  	[sflag:s24] =	ssyncset.done $0x0  }
0x162: {  	[sflag:s24] =	ssyncadd.s32 $0xFFFFC000  }
0x163: {  	[tilespmem:s23], [sflag:$0x1] =	stream.indirect.gather [hbm4b:s4+s30], $0x80, s14, s30, $0xb8;
	[tilespmem:$0x1D000] =	vst v63  }
0x164: {  	_ =	swait.ge [sflag:s3], $0x4000  }
0x165: {  	[sflag:s3] =	ssyncset.done $0x0  }
0x166: {  	[sflag:s3] =	ssyncadd.s32 $0xFFFFC000  }
0x167: {  	[spmem:s1] =	stream.indirect.scatter.add.f32 [tilespmem:s31], [sflag:$0x4], $0x80, s15, s30, $0xb8;
	[tilespmem:$0x1D000] =	vst v63  }
0x168: {  	_ =	swait.ge [sflag:s24], $0x4000  }
0x169: {  	[sflag:s24] =	ssyncset.done $0x0  }
0x16a: {  	[sflag:s24] =	ssyncadd.s32 $0xFFFFC000  }
0x16b: {  	[tilespmem:s31], [sflag:$0x2] =	stream.indirect.gather [hbm4b:s4+s30], $0x80, s16, s30, $0xb8;
	[tilespmem:$0x1D000] =	vst v63  }
0x16c: {  	_ =	swait.ge [sflag:s0], $0x4000  }
0x16d: {  	[sflag:s0] =	ssyncset.done $0x0  }
0x16e: {  	[sflag:s0] =	ssyncadd.s32 $0xFFFFC000  }
0x16f: {  	[spmem:s1] =	stream.indirect.scatter.add.f32 [tilespmem:s23], [sflag:$0x4], $0x80, s17, s30, $0xb8;
	[tilespmem:$0x1D000] =	vst v63  }
0x170: {  	_ =	swait.ge [sflag:s24], $0x4000  }
0x171: {  	[sflag:s24] =	ssyncset.done $0x0  }
0x172: {  	[sflag:s24] =	ssyncadd.s32 $0xFFFFC000  }
0x173: {  	p0 =	sne.s32 s20, $0x480;
	_ =	swait.ge [sflag:s3], $0x4000  }
.Ltmp0:
0x174: {  	[sflag:s3] =	ssyncset.done $0x0;
	(pc) =	sbr.rel @p0 .LBB2_2-.Ltmp0, $4  }
0x175: {  	[sflag:s3] =	ssyncadd.s32 $0xFFFFC000  }
0x176: {  	[spmem:s1] =	stream.indirect.scatter.add.f32 [tilespmem:s31], [sflag:$0x4], $0x80, s18, s30, $0xb8;
	[tilespmem:$0x1D000] =	vst v63  }
0x177: {  	_ =	swait.ge [sflag:s24], $0x4000  }
0x178: {  	s20 =	sadd.s32 $0x100, s20;
	[sflag:s24] =	ssyncset.done $0x0  }
0x179: {  	[sflag:s24] =	ssyncadd.s32 $0xFFFFC000  }
0x17a: {  	_ =	swait.ge [sflag:s26], $0x400  }
0x17b: {  	[sflag:s26] =	ssyncset.done $0x0  }
0x17c: {  	[sflag:s26] =	ssyncadd.s32 $0xFFFFFC00  }
0x17d: {  	_ =	swait.ge [sflag:s26], $0x400  }
0x17e: {  	[sflag:s26] =	ssyncset.done $0x0  }
0x17f: {  	[sflag:s26] =	ssyncadd.s32 $0xFFFFFC00  }
0x180: {  	[bflag:$0x0] =	sbarrier.arrive $0xFFFF  }
0x181: {  	[tilespmem:s23], [sflag:$0x4] =	stream.linear.gather [spmem:s11], $0x4000, $0x38;
	[tilespmem:$0x1D000] =	vst v63  }
0x182: {  	_ =	swait.ge [sflag:s24], $0x4000  }
0x183: {  	s8 =	sld [smem:$0x7F8]  }
0x184: {  	[sflag:s24] =	ssyncset.done $0x0  }
0x185: {  	[sflag:s24] =	ssyncadd.s32 $0xFFFFC000  }
0x186: {  	[hbm4b:s8+s2] =	stream.linear.scatter [tilespmem:s23], [sflag:$0x4], $0x4000, $0x38;
	[tilespmem:$0x1D000] =	vst v63  }
0x187: {  	_ =	swait.ge [sflag:s24], $0x4000  }
0x188: {  	[sflag:s24] =	ssyncset.done $0x0  }
0x189: {  	[sflag:s24] =	ssyncadd.s32 $0xFFFFC000  }
0x18a: {  	[tilespmem:s23], [sflag:$0x4] =	stream.linear.gather [spmem:s12], $0x4000, $0x38;
	[tilespmem:$0x1D000] =	vst v63  }
0x18b: {  	_ =	swait.ge [sflag:s24], $0x4000  }
0x18c: {  	s22 =	sld [smem:$0x7F9]  }
0x18d: {  	[sflag:s24] =	ssyncset.done $0x0  }
0x18e: {  	[sflag:s24] =	ssyncadd.s32 $0xFFFFC000  }
0x18f: {  	[hbm4b:s22+s2] =	stream.linear.scatter [tilespmem:s23], [sflag:$0x4], $0x4000, $0x38;
	[tilespmem:$0x1D000] =	vst v63  }
0x190: {  	_ =	swait.ge [sflag:s24], $0x4000  }
0x191: {  	[sflag:s24] =	ssyncset.done $0x0  }
0x192: {  	s20 =	rddreg [dreg:$0x1b];
	[sflag:s24] =	ssyncadd.s32 $0xFFFFC000  }
0x193: {  	[tilespmem:s23], [sflag:$0x4] =	stream.linear.gather [spmem:s20], $0x4000, $0x38;
	[tilespmem:$0x1D000] =	vst v63  }
0x194: {  	_ =	swait.ge [sflag:s24], $0x4000  }
0x195: {  	s9 =	smov.u32 s11;
	s11 =	sld [smem:$0x7FA]  }
0x196: {  	[sflag:s24] =	ssyncset.done $0x0  }
0x197: {  	[sflag:s24] =	ssyncadd.s32 $0xFFFFC000  }
0x198: {  	[hbm4b:s11+s2] =	stream.linear.scatter [tilespmem:s23], [sflag:$0x4], $0x4000, $0x38;
	[tilespmem:$0x1D000] =	vst v63  }
0x199: {  	_ =	swait.ge [sflag:s24], $0x4000  }
0x19a: {  	[sflag:s24] =	ssyncset.done $0x0  }
0x19b: {  	s22 =	rddreg [dreg:$0x1c];
	[sflag:s24] =	ssyncadd.s32 $0xFFFFC000  }
0x19c: {  	[tilespmem:s23], [sflag:$0x4] =	stream.linear.gather [spmem:s22], $0x4000, $0x38;
	[tilespmem:$0x1D000] =	vst v63  }
0x19d: {  	_ =	swait.ge [sflag:s24], $0x4000  }
0x19e: {  	s10 =	smov.u32 s12;
	s12 =	sld [smem:$0x7FB]  }
0x19f: {  	[sflag:s24] =	ssyncset.done $0x0  }
0x1a0: {  	[sflag:s24] =	ssyncadd.s32 $0xFFFFC000  }
0x1a1: {  	[hbm4b:s12+s2] =	stream.linear.scatter [tilespmem:s23], [sflag:$0x4], $0x4000, $0x38;
	[tilespmem:$0x1D000] =	vst v63  }
0x1a2: {  	_ =	swait.ge [sflag:s24], $0x4000  }
0x1a3: {  	[sflag:s24] =	ssyncset.done $0x0  }
0x1a4: {  	s12 =	rddreg [dreg:$0x1d];
	[sflag:s24] =	ssyncadd.s32 $0xFFFFC000  }
0x1a5: {  	[tilespmem:s23], [sflag:$0x4] =	stream.linear.gather [spmem:s12], $0x4000, $0x38;
	[tilespmem:$0x1D000] =	vst v63  }
0x1a6: {  	_ =	swait.ge [sflag:s24], $0x4000  }
0x1a7: {  	s11 =	sld [smem:$0x7FC]  }
0x1a8: {  	[sflag:s24] =	ssyncset.done $0x0  }
0x1a9: {  	[sflag:s24] =	ssyncadd.s32 $0xFFFFC000  }
0x1aa: {  	[hbm4b:s11+s2] =	stream.linear.scatter [tilespmem:s23], [sflag:$0x4], $0x4000, $0x38;
	[tilespmem:$0x1D000] =	vst v63  }
0x1ab: {  	_ =	swait.ge [sflag:s24], $0x4000  }
0x1ac: {  	s11 =	sld [smem:$0x7FD];
	_ =	sdelay $0x1  }
0x1ad: {  	s19 =	sadd.s32 $0x1, s19  }
0x1ae: {  	p0 =	sne.s32 s19, s11  }
.Ltmp1:
0x1af: {  	_ = 	snop;
	(pc) =	sbr.rel @p0 .LBB2_1-.Ltmp1, $3  }
0x1b0: {  	_ =	sdelay $0x1  }
0x1b1: {  	[sflag:s24] =	ssyncset.done $0x0  }
0x1b2: {  	[sflag:s24] =	ssyncadd.s32 $0xFFFFC000  }
0x1b3: {  	_ =	sfence.sel $0x180000  }
0x1b4: {  	[bflag:$0x0] =	sbarrier.arrive $0xFFFF  }
0x1b5: {  	_ =	strace $0x9000004A  }
0x1b6: {  	s0 =	stileid.u32;
	[bflag:$0x2] =	sbarrier.arrive $0xFFFF  }
0x1b7: {  	p0 =	sne.s32 s0, $0x0;
	s0 =	rddreg [dreg:$0x2]  }
0x1b8: {  	s0 =	sadd.s32 @!p0 $0x100000, s0  }
0x1b9: {  	[sflag:s0] =	ssyncadd.tile.s32 @!p0 $0x1;
	_ =	shalt  }
.Lfunc_end2:
_tile_overlayer_lowered:
.L_overlay_start_2:
0x1ba: {  	(tag) =	ssettag $0x2  }
0x1bb: {  	s0 =	rddreg [dreg:$0x0];
	s2 =	stileid.u32  }
0x1bc: {  	s1 =	rddreg [dreg:$0x1];
	p0 =	sne.s32 s2, $0x0  }
0x1bd: {  	s3 =	rddreg [dreg:$0x2];
	[bflag:$0x3] =	sbarrier.arrive $0xFFFF;
	s2 =	simm.s32 @!p0 $0x1C04  }
0x1be: {  	[timem:s3], [sflag:s2] =	dma.local @!p0 [hbm:s0], s1  }
0x1bf: {  	s0 =	simm.s32 @!p0 $0x4  }
0x1c0: {  	_ =	swait.ge @!p0 [sflag:s0], s1  }
0x1c1: {  	s1 =	ssub.s32 @!p0 $0x0, s1;
	[sflag:s0] =	ssyncset.done @!p0 $0x0  }
0x1c2: {  	[sflag:s0] =	ssyncadd.s32 @!p0 s1  }
0x1c3: {  	[bflag:$0x3] =	sbarrier.arrive $0xFFFF  }
0x1c4: {  	_ =	shalt  }

// kernel: kernel.7.cloned.1.call-start
scs
__scs_entry_jumppad:
0x0: {  	(pc) =	sbr.rel $0x88, $3  }
0x1: {  	(tag) =	ssettag $0x0;
	lr =	simm.s32 $0x1  }
0x2: {  	[smem:$0x3F97] =	sst lr;
	_ =	strace $0xD0000000  }
0x3: {  	_ = 	snop  }
0x4: {  	_ = 	snop  }
0x5: {  	_ = 	snop  }
0x6: {  	_ = 	snop  }
0x7: {  	_ = 	snop  }
__scs_overlays_trampoline_lowered:
0x8: {  	[smem:$0x3FA6] =	sst s0  }
0x9: {  	[smem:$0x3FA7] =	sst s1  }
0xa: {  	[smem:$0x3FA8] =	sst s2  }
0xb: {  	[smem:$0x3FA9] =	sst s3  }
0xc: {  	[smem:$0x3FAA] =	sst s4  }
0xd: {  	[smem:$0x3FAB] =	sst s5  }
0xe: {  	[smem:$0x3FAC] =	sst s6  }
0xf: {  	[smem:$0x3FAD] =	sst s7  }
0x10: {  	[smem:$0x3FAE] =	sst s8  }
0x11: {  	[smem:$0x3FAF] =	sst s9;
	s0 =	simm.s32 @!p0 $0x0  }
0x12: {  	s1 =	sld [smem:$0x3F95];
	s0 =	simm.s32 @p0 $0x1  }
0x13: {  	[smem:$0x3FB0] =	sst s0;
	s0 =	simm.s32 @!p1 $0x0  }
0x14: {  	s2 =	sld [smem:$0x3F94];
	s0 =	simm.s32 @p1 $0x1  }
0x15: {  	[smem:$0x3FB1] =	sst s0;
	s0 =	simm.s32 @!p2 $0x0  }
0x16: {  	s3 =	sld [smem:$0x3FDB];
	s0 =	simm.s32 @p2 $0x1  }
0x17: {  	s4 =	simm.s32 $0x1BF5;
	[smem:$0x3FB3] =	sst s0  }
0x18: {  	s0 =	sld [smem:$0x3F96];
	_ =	swait.ge [sflag:s4], $0x0  }
0x19: {  	s7 =	sld [smem:$0x3F97]  }
0x1a: {  	s8 =	sadd.s32 $0xFFFFE003, lr  }
0x1b: {  	s9 =	sadd.s32 $0xFFFFFEF7, lr;
	s5 =	simm.s32 $0xFFFFFFFF;
	p2 =	slt.u32 s8, $0xFFFFF086  }
0x1c: {  	p1 =	slt.u32 s9, $0xF7A;
	s5 =	simm.s32 @!p2 $0x0  }
0x1d: {  	s5 =	simm.s32 @p1 $0x1;
	p0 =	seq.s32 s7, s2  }
0x1e: {  	s7 =	smul.u32 @!p0 $0xF7A, s2;
	p2 =	seq.s32 @!p0 s5, $0x0  }
0x1f: {  	s9 =	smul.u32 $0xF7A, s1;
	s8 =	simm.s32 @!p0 $0x1BF5;
	p2 =	por !p2, p0  }
0x20: {  	[sflag:s8] =	ssyncset.s32 @!p0 $0xFFFFF086;
	s6 =	sadd.s32 @!p0 s3, s7;
	s7 =	simm.s32 @!p0 $0x108  }
0x21: {  	s3 =	sadd.s32 s3, s9;
	s6 =	sadd.s32 @!p0 $0x88, s6;
	s7 =	simm.s32 @p2 $0x1082  }
0x22: {  	[simem:s7], [sflag:s8] =	dma.local @!p0 [hbm:s6], $0xF7A  }
0x23: {  	s9 =	sor.u32 $0xD0000000, s2;
	s6 =	simm.s32 $0x108;
	_ =	swait.ge @!p0 [sflag:s8], $0x0  }
0x24: {  	s3 =	sadd.s32 $0x88, s3;
	s6 =	simm.s32 @!p1 $0x1082;
	[sflag:s4] =	ssyncset.s32 $0xFFFFF086  }
0x25: {  	[simem:s6], [sflag:s4] =	dma.local [hbm:s3], $0xF7A  }
0x26: {  	[smem:$0x3F97] =	sst s1;
	(tag) =	ssettag s2;
	_ =	strace s9  }
0x27: {  	s1 =	sld [smem:$0x3FA7]  }
0x28: {  	s2 =	sld [smem:$0x3FA8]  }
0x29: {  	s4 =	sld [smem:$0x3FAA]  }
0x2a: {  	p0 =	seq.s32 s5, $0x0;
	s5 =	sld [smem:$0x3FAB]  }
0x2b: {  	s6 =	sld [smem:$0x3FAC]  }
0x2c: {  	s7 =	sld [smem:$0x3FAD]  }
0x2d: {  	s3 =	simm.s32 $0x108;
	s8 =	sld [smem:$0x3FAE]  }
0x2e: {  	s3 =	simm.s32 @!p0 $0x1082;
	s9 =	sld [smem:$0x3FAF]  }
0x2f: {  	lr =	sadd.s32 s0, s3;
	s0 =	sld [smem:$0x3FA6]  }
0x30: {  	s3 =	sld [smem:$0x3FA9]  }
0x31: {  	[smem:$0x3FB2] =	sst s10  }
0x32: {  	s10 =	sld [smem:$0x3FB0];
	_ =	sdelay $0x3  }
0x33: {  	p0 =	seq.s32 s10, $0x1;
	s10 =	sld [smem:$0x3FB2];
	_ =	sdelay $0x3  }
0x34: {  	[smem:$0x3FB2] =	sst s10  }
0x35: {  	s10 =	sld [smem:$0x3FB1];
	_ =	sdelay $0x3  }
0x36: {  	p1 =	seq.s32 s10, $0x1;
	s10 =	sld [smem:$0x3FB2];
	_ =	sdelay $0x3  }
0x37: {  	[smem:$0x3FB2] =	sst s10  }
0x38: {  	s10 =	sld [smem:$0x3FB3]  }
0x39: {  	_ = 	snop;
	(pc) =	sbr.ind lr, $3  }
0x3a: {  	_ = 	snop  }
0x3b: {  	_ = 	snop  }
0x3c: {  	p2 =	seq.s32 s10, $0x1;
	s10 =	sld [smem:$0x3FB2]  }
0x3d: {  	_ =	shalt  }
0x3e: {  	_ =	shalt  }
0x3f: {  	_ =	shalt  }
0x40: {  	_ =	shalt  }
0x41: {  	_ =	shalt  }
0x42: {  	_ =	shalt  }
0x43: {  	_ =	shalt  }
0x44: {  	_ =	shalt  }
0x45: {  	_ =	shalt  }
0x46: {  	_ =	shalt  }
0x47: {  	_ =	shalt  }
0x48: {  	_ =	shalt  }
0x49: {  	_ =	shalt  }
0x4a: {  	_ =	shalt  }
0x4b: {  	_ =	shalt  }
0x4c: {  	_ =	shalt  }
0x4d: {  	_ =	shalt  }
0x4e: {  	_ =	shalt  }
0x4f: {  	_ =	shalt  }
0x50: {  	_ =	shalt  }
0x51: {  	_ =	shalt  }
0x52: {  	_ =	shalt  }
0x53: {  	_ =	shalt  }
0x54: {  	_ =	shalt  }
0x55: {  	_ =	shalt  }
0x56: {  	_ =	shalt  }
0x57: {  	_ =	shalt  }
0x58: {  	_ =	shalt  }
0x59: {  	_ =	shalt  }
0x5a: {  	_ =	shalt  }
0x5b: {  	_ =	shalt  }
0x5c: {  	_ =	shalt  }
0x5d: {  	_ =	shalt  }
0x5e: {  	_ =	shalt  }
0x5f: {  	_ =	shalt  }
0x60: {  	_ =	shalt  }
0x61: {  	_ =	shalt  }
0x62: {  	_ =	shalt  }
0x63: {  	_ =	shalt  }
0x64: {  	_ =	shalt  }
0x65: {  	_ =	shalt  }
0x66: {  	_ =	shalt  }
0x67: {  	_ =	shalt  }
0x68: {  	_ =	shalt  }
0x69: {  	_ =	shalt  }
0x6a: {  	_ =	shalt  }
0x6b: {  	_ =	shalt  }
0x6c: {  	_ =	shalt  }
0x6d: {  	_ =	shalt  }
0x6e: {  	_ =	shalt  }
0x6f: {  	_ =	shalt  }
0x70: {  	_ =	shalt  }
0x71: {  	_ =	shalt  }
0x72: {  	_ =	shalt  }
0x73: {  	_ =	shalt  }
0x74: {  	_ =	shalt  }
0x75: {  	_ =	shalt  }
0x76: {  	_ =	shalt  }
0x77: {  	_ =	shalt  }
0x78: {  	_ =	shalt  }
0x79: {  	_ =	shalt  }
0x7a: {  	_ =	shalt  }
0x7b: {  	_ =	shalt  }
0x7c: {  	_ =	shalt  }
0x7d: {  	_ =	shalt  }
0x7e: {  	_ =	shalt  }
0x7f: {  	_ =	shalt  }
0x80: {  	_ =	shalt  }
0x81: {  	_ =	shalt  }
0x82: {  	_ =	shalt  }
0x83: {  	_ =	shalt  }
0x84: {  	_ =	shalt  }
0x85: {  	_ =	shalt  }
0x86: {  	_ =	shalt  }
0x87: {  	_ =	shalt  }
.Lfunc_end0:
.L_simem_size_0:
called_computation_lowered:
.L_overlay_start_0:
0x88: {  	s2 =	sld [smem:$0x3FD9]  }
0x89: {  	s3 =	sld [smem:$0x3FFE];
	_ =	sdelay $0x1  }
0x8a: {  	s1 =	srdreg.scid  }
0x8b: {  	s0 =	sand.u32 $0x1, s1  }
0x8c: {  	s16 =	sshll.u32 s0, $0xA;
	s2 =	sadd.s32 s3, s2  }
0x8d: {  	s2 =	sadd.s32 s2, s16  }
0x8e: {  	[smem:$0x3FBE] =	sst s2  }
0x8f: {  	_ = 	snop  }
0x90: {  	(tm) =	ssettm $0x1  }
0x91: {  	s17 =	sld [smem:$0x3FFB];
	_ =	sdelay $0x3  }
0x92: {  	_ =	strace s17  }
0x93: {  	s2 =	sld [smem:$0x3FFC];
	_ =	sdelay $0x3  }
0x94: {  	_ =	strace s2  }
0x95: {  	s2 =	sld [smem:$0x3FFD];
	_ =	sdelay $0x3  }
0x96: {  	_ =	strace s2  }
0x97: {  	_ =	strace $0x8FFFFFFF  }
0x98: {  	s18 =	sld [smem:$0x3FDB];
	_ =	sdelay $0x1  }
0x99: {  	s19 =	simm.s32 $_scs_section_size  }
0x9a: {  	s4 =	simm.s32 $_size__tile_overlayer_lowered;
	s5 =	simm.s32 $_tile_overlayer_lowered  }
0x9b: {  	s22 =	simm.s32 $0x1BFF;
	s21 =	sshll.u32 s5, $0x1;
	s2 =	sadd.s32 s19, s18  }
0x9c: {  	s6 =	simm.s32 $0x0;
	s20 =	sshll.u32 s4, $0x1;
	s4 =	sadd.s32 s21, s2  }
0x9d: {  	[timem:s6], [sflag:s22] =	dma.local [hbm:s4], s20  }
0x9e: {  	_ =	swait.ge [sflag:s22], s20  }
0x9f: {  	s3 =	ssub.s32 $0x0, s20;
	[sflag:s22] =	ssyncset.done $0x0  }
0xa0: {  	[sflag:s22] =	ssyncadd.s32 s3;
	_ =	sdelay $0x1  }
0xa1: {  	s23 =	simm.s32 $0x1B8B  }
0xa2: {  	_ =	swait.ge [sflag:s23], $0x1  }
0xa3: {  	[sflag:s23] =	ssyncset.done $0x0  }
0xa4: {  	s25 =	simm.s32 $0x1B8E;
	s24 =	sld [smem:$0x3FFE];
	[sflag:s23] =	ssyncadd.s32 $0xFFFFFFFF  }
0xa5: {  	s26 =	simm.s32 $execute0_lowered;
	[smem:$0x3FD2] =	sst s25  }
0xa6: {  	s4 =	sshll.u32 s26, $0x1;
	_ =	strace $0x80000046;
	[dreg:$0x1] =	wrdreg $0xFFFFFFFF  }
0xa7: {  	s28 =	simm.s32 $_size_execute0_lowered;
	s2 =	sadd.s32 s2, s4;
	[dreg:$0x0] =	wrdreg $0x0  }
0xa8: {  	s4 =	sshll.u32 s28, $0x1;
	[dreg:$0x2] =	wrdreg s2  }
0xa9: {  	[dreg:$0x3] =	wrdreg s4  }
0xaa: {  	[dreg:$0x4] =	wrdreg $0xC0  }
0xab: {  	_ =	task [dreg:s6], $0x5FFFF  }
0xac: {  	[dreg:$0x1] =	wrdreg $0xFFFFFFFF  }
0xad: {  	[dreg:$0x0] =	wrdreg $0x60  }
0xae: {  	[dreg:$0x2] =	wrdreg s24  }
0xaf: {  	[dreg:$0x3] =	wrdreg $0x44000  }
0xb0: {  	[dreg:$0x4] =	wrdreg $0x9  }
0xb1: {  	_ =	task.clear_ibuf [dreg:s6], $0x5FFFF;
	_ =	strace $0x90000046  }
0xb2: {  	s29 =	simm.s32 $0x9;
	_ =	strace $0x80000048  }
0xb3: {  	_ =	swait.ge [sflag:s29], $0x1  }
0xb4: {  	[sflag:s29] =	ssyncadd.s32 $0xFFFFFFFF  }
0xb5: {  	_ =	strace $0x90000048  }
0xb6: {  	_ =	sfence  }
0xb7: {  	s30 =	sld [smem:$0x0];
	_ =	sdelay $0x2  }
0xb8: {  	s31 =	sshll.u32 s1, $0xD;
	s1 =	sshrl.u32 s1, $0x2  }
0xb9: {  	s3 =	sand.u32 $0x4000, s31;
	s1 =	sadd.s32 s1, s30  }
0xba: {  	s0 =	sor.u32 s3, s0;
	s1 =	sshll.u32 s1, $0x11  }
0xbb: {  	s0 =	sor.u32 s1, s0  }
0xbc: {  	s0 =	sadd.s32 $0x8F2B, s0  }
0xbd: {  	[sflag:s0] =	ssyncadd.remote.s32 $0x1  }
0xbe: {  	_ =	sfence.sel $0xFFFF  }
0xbf: {  	[dreg:$0x0] =	wrdreg $0xFFFFFFFF;
	(pc) =	sbr.abs _section_cstart, $3  }
0xc0: {  	[dreg:$0x1] =	wrdreg $0xFFFFFFFF  }
0xc1: {  	_ =	task.clear_ibuf [dreg:s6], $0x2FFFF;
	_ =	strace $0x9FFFFFFF  }
0xc2: {  	(tm) =	ssettm $0x7FFFFFFF  }
0xc3: {  	_ =	shalt  }
tec
execute0_lowered:
.L_overlay_start_1:
0x0: {  	(tag) =	ssettag $0x1  }
0x1: {  	s0 =	rddreg [dreg:$0x0]  }
0x2: {  	s1 =	rddreg [dreg:$0x1];
	s3 =	srdreg.scid;
	s2 =	simm.s32 $0x0  }
0x3: {  	s19 =	stileid.u32;
	s20 =	simm.s32 $0x80;
	s21 =	simm.s32 $0x100  }
0x4: {  	s22 =	simm.s32 $0x180;
	s23 =	simm.s32 $0x200;
	s24 =	simm.s32 $0x280  }
0x5: {  	s28 =	simm.s32 $0x1;
	s29 =	simm.s32 $0x2;
	s6 =	smul.u32 $0x50000, s19  }
0x6: {  	s30 =	simm.s32 $0x0;
	s3 =	sand.u32 $0x1, s3;
	s10 =	smul.u32 $0x14000, s19  }
0x7: {  	[smem:$0x7FF] =	sst s2;
	s25 =	sadd.s32 $0x3D600, s0;
	s26 =	smul.u32 $0x500, s19  }
0x8: {  	s5 =	sadd.s32 $0x15600, s0;
	s19 =	simm.s32 $0x3;
	s4 =	smul.u32 $0x5000, s3  }
0x9: {  	_ =	strace $0x80000047;
	[dreg:$0x3] =	wrdreg s25;
	s7 =	ssub.s32 $0x2, s3  }
0xa: {  	s3 =	smul.u32 $0x140000, s3;
	s25 =	simm.s32 $0x300;
	s8 =	sshrl.u32 s7, $0x1  }
0xb: {  	s6 =	sshrl.u32 s6, $0x2;
	s11 =	sadd.s32 $0x4000, s10;
	s13 =	sadd.s32 $0x8000, s10  }
0xc: {  	s14 =	sadd.s32 $0xC000, s10;
	s17 =	sadd.s32 $0x10000, s10;
	s15 =	sadd.s32 s4, s0  }
0xd: {  	s0 =	sadd.s32 $0x3DE00, s0;
	s16 =	ssub.s32 s7, s8;
	s6 =	sadd.s32 s6, s1  }
0xe: {  	s7 =	sadd.s32 s11, s1;
	s8 =	sadd.s32 s13, s1;
	s9 =	sadd.s32 s14, s1  }
0xf: {  	s12 =	sadd.s32 s10, s3;
	s11 =	sadd.s32 s3, s11;
	s10 =	sadd.s32 s17, s1  }
0x10: {  	s13 =	sadd.s32 s3, s13;
	s14 =	sadd.s32 s3, s14;
	s3 =	sadd.s32 s3, s17  }
0x11: {  	s12 =	sshrl.u32 s12, $0x3;
	s18 =	sshrl.u32 s11, $0x3;
	s13 =	sshrl.u32 s13, $0x3  }
0x12: {  	s14 =	sshrl.u32 s14, $0x3;
	s3 =	sshrl.u32 s3, $0x3;
	s31 =	sadd.s32 s26, s15  }
0x13: {  	s16 =	smax.u32 s16, $0x1;
	s26 =	simm.s32 $0x380;
	s11 =	sadd.s32 s0, s12  }
0x14: {  	s12 =	sadd.s32 s0, s18;
	s13 =	sadd.s32 s0, s13;
	s14 =	sadd.s32 s0, s14  }
0x15: {  	s15 =	sadd.s32 s0, s3;
	s17 =	sadd.s32 $0xB600, s31;
	s18 =	simm.s32 $0x400  }
.LBB2_1:
0x16: {  	[tilespmem:s18], [sflag:$0x3] =	stream.linear.gather [hbm4b:s5+s2], $0x4000, $0x38;
	[tilespmem:$0x18400] =	vst v63  }
0x17: {  	_ =	swait.ge [sflag:s19], $0x4000  }
0x18: {  	[sflag:s19] =	ssyncset.done $0x0  }
0x19: {  	[sflag:s19] =	ssyncadd.s32 $0xFFFFC000  }
0x1a: {  	[spmem:s6] =	stream.linear.scatter [tilespmem:s18], [sflag:$0x3], $0x4000, $0x38;
	[tilespmem:$0x18400] =	vst v63  }
0x1b: {  	_ =	swait.ge [sflag:s19], $0x4000  }
0x1c: {  	[sflag:s19] =	ssyncset.done $0x0  }
0x1d: {  	[sflag:s19] =	ssyncadd.s32 $0xFFFFC000  }
0x1e: {  	[spmem:s7] =	stream.linear.scatter [tilespmem:s18], [sflag:$0x3], $0x4000, $0x38;
	[tilespmem:$0x18400] =	vst v63  }
0x1f: {  	_ =	swait.ge [sflag:s19], $0x4000  }
0x20: {  	[sflag:s19] =	ssyncset.done $0x0  }
0x21: {  	[sflag:s19] =	ssyncadd.s32 $0xFFFFC000  }
0x22: {  	[spmem:s8] =	stream.linear.scatter [tilespmem:s18], [sflag:$0x3], $0x4000, $0x38;
	[tilespmem:$0x18400] =	vst v63  }
0x23: {  	_ =	swait.ge [sflag:s19], $0x4000  }
0x24: {  	[sflag:s19] =	ssyncset.done $0x0  }
0x25: {  	[sflag:s19] =	ssyncadd.s32 $0xFFFFC000  }
0x26: {  	[spmem:s9] =	stream.linear.scatter [tilespmem:s18], [sflag:$0x3], $0x4000, $0x38;
	[tilespmem:$0x18400] =	vst v63  }
0x27: {  	_ =	swait.ge [sflag:s19], $0x4000  }
0x28: {  	[sflag:s19] =	ssyncset.done $0x0  }
0x29: {  	[sflag:s19] =	ssyncadd.s32 $0xFFFFC000  }
0x2a: {  	[spmem:s10] =	stream.linear.scatter [tilespmem:s18], [sflag:$0x3], $0x4000, $0x38;
	[tilespmem:$0x18400] =	vst v63  }
0x2b: {  	_ =	swait.ge [sflag:s19], $0x4000  }
0x2c: {  	[sflag:s19] =	ssyncset.done $0x0  }
0x2d: {  	s0 =	rddreg [dreg:$0x3];
	[sflag:s19] =	ssyncadd.s32 $0xFFFFC000  }
0x2e: {  	[tilespmem:s18], [sflag:$0x3] =	stream.linear.gather [hbm4b:s0+s2], $0x4000, $0x38;
	[tilespmem:$0x18400] =	vst v63  }
0x2f: {  	_ =	swait.ge [sflag:s19], $0x4000  }
0x30: {  	[sflag:s19] =	ssyncset.done $0x0  }
0x31: {  	[sflag:s19] =	ssyncadd.s32 $0xFFFFC000  }
0x32: {  	s4 =	sadd.s32 $0x0, s17;
	[bflag:$0x0] =	sbarrier.arrive $0xFFFF  }
0x33: {  	[tilespmem:s2], [sflag:$0x3] =	stream.linear.gather [hbm4b:s4+s2], $0x400, $0x38;
	[tilespmem:$0x18400] =	vst v63  }
0x34: {  	_ =	swait.ge [sflag:s19], $0x400  }
0x35: {  	[sflag:s19] =	ssyncset.done $0x0  }
0x36: {  	[sflag:s19] =	ssyncadd.s32 $0xFFFFFC00  }
0x37: {  	[spmem:s1] =	stream.indirect.scatter.add.f32 [tilespmem:s18], [sflag:$0x1], $0x80, s2, s20, $0xb8;
	[tilespmem:$0x18400] =	vst v63  }
0x38: {  	_ = 	snop  }
0x39: {  	[spmem:s1] =	stream.indirect.scatter.add.f32 [tilespmem:s18], [sflag:$0x2], $0x80, s20, s20, $0xb8;
	[tilespmem:$0x18400] =	vst v63  }
0x3a: {  	_ = 	snop  }
0x3b: {  	[spmem:s1] =	stream.indirect.scatter.add.f32 [tilespmem:s18], [sflag:$0x1], $0x80, s21, s20, $0xb8;
	[tilespmem:$0x18400] =	vst v63  }
0x3c: {  	_ = 	snop  }
0x3d: {  	[spmem:s1] =	stream.indirect.scatter.add.f32 [tilespmem:s18], [sflag:$0x2], $0x80, s22, s20, $0xb8;
	[tilespmem:$0x18400] =	vst v63  }
0x3e: {  	_ = 	snop  }
0x3f: {  	[spmem:s1] =	stream.indirect.scatter.add.f32 [tilespmem:s18], [sflag:$0x1], $0x80, s23, s20, $0xb8;
	[tilespmem:$0x18400] =	vst v63  }
0x40: {  	_ = 	snop  }
0x41: {  	[spmem:s1] =	stream.indirect.scatter.add.f32 [tilespmem:s18], [sflag:$0x2], $0x80, s24, s20, $0xb8;
	[tilespmem:$0x18400] =	vst v63  }
0x42: {  	_ = 	snop  }
0x43: {  	[spmem:s1] =	stream.indirect.scatter.add.f32 [tilespmem:s18], [sflag:$0x1], $0x80, s25, s20, $0xb8;
	[tilespmem:$0x18400] =	vst v63  }
0x44: {  	_ = 	snop  }
0x45: {  	[spmem:s1] =	stream.indirect.scatter.add.f32 [tilespmem:s18], [sflag:$0x2], $0x80, s26, s20, $0xb8;
	[tilespmem:$0x18400] =	vst v63  }
0x46: {  	_ =	swait.ge [sflag:s28], $0x4000  }
0x47: {  	[sflag:s28] =	ssyncset.done $0x0  }
0x48: {  	[sflag:s28] =	ssyncadd.s32 $0xFFFFC000  }
0x49: {  	_ =	swait.ge [sflag:s29], $0x4000  }
0x4a: {  	[sflag:s29] =	ssyncset.done $0x0  }
0x4b: {  	[sflag:s29] =	ssyncadd.s32 $0xFFFFC000  }
0x4c: {  	_ =	swait.ge [sflag:s28], $0x4000  }
0x4d: {  	[sflag:s28] =	ssyncset.done $0x0  }
0x4e: {  	[sflag:s28] =	ssyncadd.s32 $0xFFFFC000  }
0x4f: {  	_ =	swait.ge [sflag:s29], $0x4000  }
0x50: {  	[sflag:s29] =	ssyncset.done $0x0  }
0x51: {  	[sflag:s29] =	ssyncadd.s32 $0xFFFFC000  }
0x52: {  	_ =	swait.ge [sflag:s28], $0x4000  }
0x53: {  	[sflag:s28] =	ssyncset.done $0x0  }
0x54: {  	[sflag:s28] =	ssyncadd.s32 $0xFFFFC000  }
0x55: {  	_ =	swait.ge [sflag:s29], $0x4000  }
0x56: {  	[sflag:s29] =	ssyncset.done $0x0  }
0x57: {  	[sflag:s29] =	ssyncadd.s32 $0xFFFFC000  }
0x58: {  	_ =	swait.ge [sflag:s28], $0x4000  }
0x59: {  	[sflag:s28] =	ssyncset.done $0x0  }
0x5a: {  	[sflag:s28] =	ssyncadd.s32 $0xFFFFC000  }
0x5b: {  	_ =	swait.ge [sflag:s29], $0x4000  }
0x5c: {  	s31 =	simm.s32 $0x80;
	s0 =	simm.s32 $0x100;
	[sflag:s29] =	ssyncset.done $0x0  }
.LBB2_2:
0x5d: {  	s4 =	sadd.s32 s31, s17  }
0x5e: {  	[sflag:s29] =	ssyncadd.s32 $0xFFFFC000;
	s31 =	smov.u32 s0;
	s3 =	sadd.s32 $0x80, s0  }
0x5f: {  	[tilespmem:s2], [sflag:$0x3] =	stream.linear.gather [hbm4b:s4+s2], $0x400, $0x38;
	[tilespmem:$0x18400] =	vst v63  }
0x60: {  	p0 =	sne.s32 s0, $0x480;
	_ =	swait.ge [sflag:s19], $0x400  }
0x61: {  	[sflag:s19] =	ssyncset.done $0x0  }
0x62: {  	[sflag:s19] =	ssyncadd.s32 $0xFFFFFC00  }
0x63: {  	[spmem:s1] =	stream.indirect.scatter.add.f32 [tilespmem:s18], [sflag:$0x1], $0x80, s2, s20, $0xb8;
	[tilespmem:$0x18400] =	vst v63  }
0x64: {  	_ = 	snop  }
0x65: {  	[spmem:s1] =	stream.indirect.scatter.add.f32 [tilespmem:s18], [sflag:$0x2], $0x80, s20, s20, $0xb8;
	[tilespmem:$0x18400] =	vst v63  }
0x66: {  	_ = 	snop  }
0x67: {  	[spmem:s1] =	stream.indirect.scatter.add.f32 [tilespmem:s18], [sflag:$0x1], $0x80, s21, s20, $0xb8;
	[tilespmem:$0x18400] =	vst v63  }
0x68: {  	_ = 	snop  }
0x69: {  	[spmem:s1] =	stream.indirect.scatter.add.f32 [tilespmem:s18], [sflag:$0x2], $0x80, s22, s20, $0xb8;
	[tilespmem:$0x18400] =	vst v63  }
0x6a: {  	_ = 	snop  }
0x6b: {  	[spmem:s1] =	stream.indirect.scatter.add.f32 [tilespmem:s18], [sflag:$0x1], $0x80, s23, s20, $0xb8;
	[tilespmem:$0x18400] =	vst v63  }
0x6c: {  	_ = 	snop  }
0x6d: {  	[spmem:s1] =	stream.indirect.scatter.add.f32 [tilespmem:s18], [sflag:$0x2], $0x80, s24, s20, $0xb8;
	[tilespmem:$0x18400] =	vst v63  }
0x6e: {  	_ = 	snop  }
0x6f: {  	[spmem:s1] =	stream.indirect.scatter.add.f32 [tilespmem:s18], [sflag:$0x1], $0x80, s25, s20, $0xb8;
	[tilespmem:$0x18400] =	vst v63  }
0x70: {  	_ = 	snop  }
0x71: {  	[spmem:s1] =	stream.indirect.scatter.add.f32 [tilespmem:s18], [sflag:$0x2], $0x80, s26, s20, $0xb8;
	[tilespmem:$0x18400] =	vst v63  }
0x72: {  	_ =	swait.ge [sflag:s28], $0x4000  }
0x73: {  	[sflag:s28] =	ssyncset.done $0x0  }
0x74: {  	[sflag:s28] =	ssyncadd.s32 $0xFFFFC000  }
0x75: {  	_ =	swait.ge [sflag:s29], $0x4000  }
0x76: {  	[sflag:s29] =	ssyncset.done $0x0  }
0x77: {  	[sflag:s29] =	ssyncadd.s32 $0xFFFFC000  }
0x78: {  	_ =	swait.ge [sflag:s28], $0x4000  }
0x79: {  	[sflag:s28] =	ssyncset.done $0x0  }
0x7a: {  	[sflag:s28] =	ssyncadd.s32 $0xFFFFC000  }
0x7b: {  	_ =	swait.ge [sflag:s29], $0x4000  }
0x7c: {  	[sflag:s29] =	ssyncset.done $0x0  }
0x7d: {  	[sflag:s29] =	ssyncadd.s32 $0xFFFFC000  }
0x7e: {  	_ =	swait.ge [sflag:s28], $0x4000  }
0x7f: {  	[sflag:s28] =	ssyncset.done $0x0  }
0x80: {  	[sflag:s28] =	ssyncadd.s32 $0xFFFFC000  }
0x81: {  	_ =	swait.ge [sflag:s29], $0x4000  }
0x82: {  	[sflag:s29] =	ssyncset.done $0x0  }
0x83: {  	[sflag:s29] =	ssyncadd.s32 $0xFFFFC000  }
.Ltmp0:
0x84: {  	_ =	swait.ge [sflag:s28], $0x4000;
	(pc) =	sbr.rel @p0 .LBB2_2-.Ltmp0, $4  }
0x85: {  	[sflag:s28] =	ssyncset.done $0x0  }
0x86: {  	[sflag:s28] =	ssyncadd.s32 $0xFFFFC000  }
0x87: {  	_ =	swait.ge [sflag:s29], $0x4000  }
0x88: {  	s0 =	smov.u32 s3;
	[sflag:s29] =	ssyncset.done $0x0  }
0x89: {  	s0 =	sadd.s32 s31, s17;
	[sflag:s29] =	ssyncadd.s32 $0xFFFFC000  }
0x8a: {  	[tilespmem:s2], [sflag:$0x3] =	stream.linear.gather [hbm4b:s0+s2], $0x400, $0x38;
	[tilespmem:$0x18400] =	vst v63  }
0x8b: {  	_ =	swait.ge [sflag:s19], $0x400  }
0x8c: {  	[sflag:s19] =	ssyncset.done $0x0  }
0x8d: {  	[sflag:s19] =	ssyncadd.s32 $0xFFFFFC00  }
0x8e: {  	[spmem:s1] =	stream.indirect.scatter.add.f32 [tilespmem:s18], [sflag:$0x1], $0x80, s2, s20, $0xb8;
	[tilespmem:$0x18400] =	vst v63  }
0x8f: {  	_ = 	snop  }
0x90: {  	[spmem:s1] =	stream.indirect.scatter.add.f32 [tilespmem:s18], [sflag:$0x2], $0x80, s20, s20, $0xb8;
	[tilespmem:$0x18400] =	vst v63  }
0x91: {  	_ = 	snop  }
0x92: {  	[spmem:s1] =	stream.indirect.scatter.add.f32 [tilespmem:s18], [sflag:$0x1], $0x80, s21, s20, $0xb8;
	[tilespmem:$0x18400] =	vst v63  }
0x93: {  	_ = 	snop  }
0x94: {  	[spmem:s1] =	stream.indirect.scatter.add.f32 [tilespmem:s18], [sflag:$0x2], $0x80, s22, s20, $0xb8;
	[tilespmem:$0x18400] =	vst v63  }
0x95: {  	_ = 	snop  }
0x96: {  	[spmem:s1] =	stream.indirect.scatter.add.f32 [tilespmem:s18], [sflag:$0x1], $0x80, s23, s20, $0xb8;
	[tilespmem:$0x18400] =	vst v63  }
0x97: {  	_ = 	snop  }
0x98: {  	[spmem:s1] =	stream.indirect.scatter.add.f32 [tilespmem:s18], [sflag:$0x2], $0x80, s24, s20, $0xb8;
	[tilespmem:$0x18400] =	vst v63  }
0x99: {  	_ = 	snop  }
0x9a: {  	[spmem:s1] =	stream.indirect.scatter.add.f32 [tilespmem:s18], [sflag:$0x1], $0x80, s25, s20, $0xb8;
	[tilespmem:$0x18400] =	vst v63  }
0x9b: {  	_ = 	snop  }
0x9c: {  	[spmem:s1] =	stream.indirect.scatter.add.f32 [tilespmem:s18], [sflag:$0x2], $0x80, s26, s20, $0xb8;
	[tilespmem:$0x18400] =	vst v63  }
0x9d: {  	_ =	swait.ge [sflag:s28], $0x4000  }
0x9e: {  	[sflag:s28] =	ssyncset.done $0x0  }
0x9f: {  	[sflag:s28] =	ssyncadd.s32 $0xFFFFC000  }
0xa0: {  	_ =	swait.ge [sflag:s29], $0x4000  }
0xa1: {  	[sflag:s29] =	ssyncset.done $0x0  }
0xa2: {  	[sflag:s29] =	ssyncadd.s32 $0xFFFFC000  }
0xa3: {  	_ =	swait.ge [sflag:s28], $0x4000  }
0xa4: {  	[sflag:s28] =	ssyncset.done $0x0  }
0xa5: {  	[sflag:s28] =	ssyncadd.s32 $0xFFFFC000  }
0xa6: {  	_ =	swait.ge [sflag:s29], $0x4000  }
0xa7: {  	[sflag:s29] =	ssyncset.done $0x0  }
0xa8: {  	[sflag:s29] =	ssyncadd.s32 $0xFFFFC000  }
0xa9: {  	_ =	swait.ge [sflag:s28], $0x4000  }
0xaa: {  	[sflag:s28] =	ssyncset.done $0x0  }
0xab: {  	[sflag:s28] =	ssyncadd.s32 $0xFFFFC000  }
0xac: {  	_ =	swait.ge [sflag:s29], $0x4000  }
0xad: {  	[sflag:s29] =	ssyncset.done $0x0  }
0xae: {  	[sflag:s29] =	ssyncadd.s32 $0xFFFFC000  }
0xaf: {  	_ =	swait.ge [sflag:s28], $0x4000  }
0xb0: {  	[sflag:s28] =	ssyncset.done $0x0  }
0xb1: {  	[sflag:s28] =	ssyncadd.s32 $0xFFFFC000  }
0xb2: {  	_ =	swait.ge [sflag:s29], $0x4000  }
0xb3: {  	[sflag:s29] =	ssyncset.done $0x0  }
0xb4: {  	[sflag:s29] =	ssyncadd.s32 $0xFFFFC000  }
0xb5: {  	[bflag:$0x0] =	sbarrier.arrive $0xFFFF  }
0xb6: {  	[tilespmem:s18], [sflag:$0x3] =	stream.linear.gather [spmem:s6], $0x4000, $0x38;
	[tilespmem:$0x18400] =	vst v63  }
0xb7: {  	_ =	swait.ge [sflag:s19], $0x4000  }
0xb8: {  	[sflag:s19] =	ssyncset.done $0x0  }
0xb9: {  	[sflag:s19] =	ssyncadd.s32 $0xFFFFC000  }
0xba: {  	[hbm4b:s11+s2] =	stream.linear.scatter [tilespmem:s18], [sflag:$0x3], $0x4000, $0x38;
	[tilespmem:$0x18400] =	vst v63  }
0xbb: {  	_ =	swait.ge [sflag:s19], $0x4000  }
0xbc: {  	[sflag:s19] =	ssyncset.done $0x0  }
0xbd: {  	[sflag:s19] =	ssyncadd.s32 $0xFFFFC000  }
0xbe: {  	[tilespmem:s18], [sflag:$0x3] =	stream.linear.gather [spmem:s7], $0x4000, $0x38;
	[tilespmem:$0x18400] =	vst v63  }
0xbf: {  	_ =	swait.ge [sflag:s19], $0x4000  }
0xc0: {  	[sflag:s19] =	ssyncset.done $0x0  }
0xc1: {  	[sflag:s19] =	ssyncadd.s32 $0xFFFFC000  }
0xc2: {  	[hbm4b:s12+s2] =	stream.linear.scatter [tilespmem:s18], [sflag:$0x3], $0x4000, $0x38;
	[tilespmem:$0x18400] =	vst v63  }
0xc3: {  	_ =	swait.ge [sflag:s19], $0x4000  }
0xc4: {  	[sflag:s19] =	ssyncset.done $0x0  }
0xc5: {  	[sflag:s19] =	ssyncadd.s32 $0xFFFFC000  }
0xc6: {  	[tilespmem:s18], [sflag:$0x3] =	stream.linear.gather [spmem:s8], $0x4000, $0x38;
	[tilespmem:$0x18400] =	vst v63  }
0xc7: {  	_ =	swait.ge [sflag:s19], $0x4000  }
0xc8: {  	[sflag:s19] =	ssyncset.done $0x0  }
0xc9: {  	[sflag:s19] =	ssyncadd.s32 $0xFFFFC000  }
0xca: {  	[hbm4b:s13+s2] =	stream.linear.scatter [tilespmem:s18], [sflag:$0x3], $0x4000, $0x38;
	[tilespmem:$0x18400] =	vst v63  }
0xcb: {  	_ =	swait.ge [sflag:s19], $0x4000  }
0xcc: {  	[sflag:s19] =	ssyncset.done $0x0  }
0xcd: {  	[sflag:s19] =	ssyncadd.s32 $0xFFFFC000  }
0xce: {  	[tilespmem:s18], [sflag:$0x3] =	stream.linear.gather [spmem:s9], $0x4000, $0x38;
	[tilespmem:$0x18400] =	vst v63  }
0xcf: {  	_ =	swait.ge [sflag:s19], $0x4000  }
0xd0: {  	[sflag:s19] =	ssyncset.done $0x0  }
0xd1: {  	[sflag:s19] =	ssyncadd.s32 $0xFFFFC000  }
0xd2: {  	[hbm4b:s14+s2] =	stream.linear.scatter [tilespmem:s18], [sflag:$0x3], $0x4000, $0x38;
	[tilespmem:$0x18400] =	vst v63  }
0xd3: {  	_ =	swait.ge [sflag:s19], $0x4000  }
0xd4: {  	[sflag:s19] =	ssyncset.done $0x0  }
0xd5: {  	[sflag:s19] =	ssyncadd.s32 $0xFFFFC000  }
0xd6: {  	[tilespmem:s18], [sflag:$0x3] =	stream.linear.gather [spmem:s10], $0x4000, $0x38;
	[tilespmem:$0x18400] =	vst v63  }
0xd7: {  	s30 =	sadd.s32 $0x1, s30;
	_ =	swait.ge [sflag:s19], $0x4000  }
0xd8: {  	p0 =	sne.s32 s30, s16;
	[sflag:s19] =	ssyncset.done $0x0  }
.Ltmp1:
0xd9: {  	[sflag:s19] =	ssyncadd.s32 $0xFFFFC000;
	(pc) =	sbr.rel @p0 .LBB2_1-.Ltmp1, $4  }
0xda: {  	[hbm4b:s15+s2] =	stream.linear.scatter [tilespmem:s18], [sflag:$0x3], $0x4000, $0x38;
	[tilespmem:$0x18400] =	vst v63  }
0xdb: {  	_ =	swait.ge [sflag:s19], $0x4000  }
0xdc: {  	[sflag:s19] =	ssyncset.done $0x0  }
0xdd: {  	[sflag:s19] =	ssyncadd.s32 $0xFFFFC000  }
0xde: {  	_ =	sfence.sel $0x180000  }
0xdf: {  	[bflag:$0x0] =	sbarrier.arrive $0xFFFF  }
0xe0: {  	_ =	strace $0x90000047  }
0xe1: {  	s0 =	stileid.u32;
	[bflag:$0x2] =	sbarrier.arrive $0xFFFF  }
0xe2: {  	p0 =	sne.s32 s0, $0x0;
	s0 =	rddreg [dreg:$0x2]  }
0xe3: {  	s0 =	sadd.s32 @!p0 $0x100000, s0  }
0xe4: {  	[sflag:s0] =	ssyncadd.tile.s32 @!p0 $0x1;
	_ =	shalt  }
.Lfunc_end2:
_tile_overlayer_lowered:
.L_overlay_start_2:
0xe5: {  	(tag) =	ssettag $0x2  }
0xe6: {  	s0 =	rddreg [dreg:$0x0];
	s2 =	stileid.u32  }
0xe7: {  	s1 =	rddreg [dreg:$0x1];
	p0 =	sne.s32 s2, $0x0  }
0xe8: {  	s3 =	rddreg [dreg:$0x2];
	[bflag:$0x3] =	sbarrier.arrive $0xFFFF;
	s2 =	simm.s32 @!p0 $0x1C03  }
0xe9: {  	[timem:s3], [sflag:s2] =	dma.local @!p0 [hbm:s0], s1  }
0xea: {  	s0 =	simm.s32 @!p0 $0x3  }
0xeb: {  	_ =	swait.ge @!p0 [sflag:s0], s1  }
0xec: {  	s1 =	ssub.s32 @!p0 $0x0, s1;
	[sflag:s0] =	ssyncset.done @!p0 $0x0  }
0xed: {  	[sflag:s0] =	ssyncadd.s32 @!p0 s1  }
0xee: {  	[bflag:$0x3] =	sbarrier.arrive $0xFFFF  }
0xef: {  	_ =	shalt  }

</sc_bundles>
